<compile_context>
chip_gen: v7x
topology: tpu7x:2x2x1
jax: 0.10.2.dev20260603
libtpu: 0.0.44.dev20260713+nightly
codegen_flags: <defaults>
</compile_context>

<pallas_src>
import functools

import jax
import jax.numpy as jnp
from jax import lax
from jax.experimental import pallas as pl
from jax.experimental.pallas import tpu as pltpu
from jax.experimental.pallas import tpu_sc as plsc

N_NODES = 10000
N_EDGES = 320000
D = 128

NCORES = 2
NSUB = 16
NW = NCORES * NSUB

NP = 10240
DCH = 128
DNCH = 80
CH = 64
NCH = 160
EP = NW * NCH * CH
DUMMY = N_NODES

ROWS_PER_TILE = NP // NSUB

_mesh = plsc.VectorSubcoreMesh(core_axis_name="c", subcore_axis_name="s")


@functools.partial(
    pl.kernel,
    out_type=jax.ShapeDtypeStruct((NCORES, NP), jnp.float32),
    mesh=_mesh,
    scratch_types=[
        pltpu.VMEM((DNCH, DCH), jnp.int32),
        pltpu.VMEM((DCH,), jnp.float32),
        pltpu.VMEM_SHARED((NP,), jnp.float32),
    ],
)
def _sc_deg(col_hbm, zeros1_hbm, ones_hbm, out_hbm, colv, onesv, deg_sh):
    cid = lax.axis_index("c")
    sid = lax.axis_index("s")
    wid = cid * NSUB + sid
    base = sid * ROWS_PER_TILE
    pltpu.sync_copy(zeros1_hbm.at[pl.ds(base, ROWS_PER_TILE)],
                    deg_sh.at[pl.ds(base, ROWS_PER_TILE)])
    pltpu.sync_copy(col_hbm.at[wid], colv)
    pltpu.sync_copy(ones_hbm, onesv)
    plsc.subcore_barrier()

    @pl.loop(0, DNCH)
    def _(j):
        pltpu.sync_copy(onesv, deg_sh.at[colv.at[j]], add=True)

    plsc.subcore_barrier()
    pltpu.sync_copy(deg_sh.at[pl.ds(base, ROWS_PER_TILE)],
                    out_hbm.at[cid, pl.ds(base, ROWS_PER_TILE)])


NPH = 4
PCH = NCH // NPH


@functools.partial(
    pl.kernel,
    out_type=jax.ShapeDtypeStruct((NCORES, NP, D), jnp.float32),
    mesh=_mesh,
    scratch_types=[
        pltpu.VMEM((PCH, CH), jnp.int32),
        pltpu.VMEM((PCH, CH), jnp.int32),
        [pltpu.VMEM((CH, D), jnp.float32)] * 4,
        [pltpu.SemaphoreType.DMA] * 4,
        [pltpu.SemaphoreType.DMA] * 4,
        pltpu.VMEM_SHARED((NP, D), jnp.float32),
    ],
)
def _sc_main(g_hbm, row_hbm, col_hbm, zeros2_hbm, out_hbm,
             rowv, colv, bufs, gsems, ssems, acc_sh):
    cid = lax.axis_index("c")
    sid = lax.axis_index("s")
    wid = cid * NSUB + sid
    base = sid * ROWS_PER_TILE
    pltpu.sync_copy(zeros2_hbm.at[pl.ds(base, ROWS_PER_TILE)],
                    acc_sh.at[pl.ds(base, ROWS_PER_TILE)])
    plsc.subcore_barrier()

    for ph in range(NPH):
        pltpu.sync_copy(row_hbm.at[wid, pl.ds(ph * PCH, PCH)], rowv)
        pltpu.sync_copy(col_hbm.at[wid, pl.ds(ph * PCH, PCH)], colv)

        pltpu.async_copy(g_hbm.at[rowv.at[0]], bufs[0], gsems[0])
        pltpu.async_copy(g_hbm.at[rowv.at[1]], bufs[1], gsems[1])

        @pl.loop(0, PCH, step=4)
        def _(go):
            for ds in range(4):
                s = ds
                s2 = (ds + 2) % 4
                grp = go + ds

                pltpu.make_async_copy(g_hbm.at[rowv.at[grp]],
                                      bufs[s], gsems[s]).wait()
                pltpu.async_copy(bufs[s], acc_sh.at[colv.at[grp]],
                                 ssems[s], add=True)

                @pl.when(grp + 2 < PCH)
                def _():
                    @pl.when(grp >= 2)
                    def _():
                        pltpu.make_async_copy(
                            bufs[s2], acc_sh.at[colv.at[grp - 2]],
                            ssems[s2]).wait()
                    pltpu.async_copy(g_hbm.at[rowv.at[grp + 2]],
                                     bufs[s2], gsems[s2])

        for i in range(4):
            pltpu.make_async_copy(bufs[i], acc_sh.at[colv.at[PCH - 4 + i]],
                                  ssems[i]).wait()

    plsc.subcore_barrier()
    pltpu.sync_copy(acc_sh.at[pl.ds(base, ROWS_PER_TILE)],
                    out_hbm.at[cid, pl.ds(base, ROWS_PER_TILE)])


BR = 1000


def _dis_from(degT_blk):
    d = degT_blk[:, 0:1] + degT_blk[:, 1:2]
    return jnp.where(d > 0, lax.rsqrt(jnp.maximum(d, 1e-12)), 0.0)


def _scale_body(x_ref, w_ref, degT_ref, g_ref):
    h = jnp.dot(x_ref[...], w_ref[...], preferred_element_type=jnp.float32)
    g_ref[...] = h * _dis_from(degT_ref[...])


_tc_scale = pl.pallas_call(
    _scale_body,
    grid=(N_NODES // BR,),
    in_specs=[
        pl.BlockSpec((BR, D), lambda i: (i, 0)),
        pl.BlockSpec((D, D), lambda i: (0, 0)),
        pl.BlockSpec((BR, 2), lambda i: (i, 0)),
    ],
    out_specs=pl.BlockSpec((BR, D), lambda i: (i, 0)),
    out_shape=jax.ShapeDtypeStruct((N_NODES, D), jnp.float32),
)


def _final_body(acc_ref, degT_ref, b_ref, out_ref):
    a = acc_ref[0] + acc_ref[1]
    out_ref[...] = a * _dis_from(degT_ref[...]) + b_ref[...]


_tc_final = pl.pallas_call(
    _final_body,
    grid=(N_NODES // BR,),
    in_specs=[
        pl.BlockSpec((NCORES, BR, D), lambda i: (0, i, 0)),
        pl.BlockSpec((BR, 2), lambda i: (i, 0)),
        pl.BlockSpec((1, D), lambda i: (0, 0)),
    ],
    out_specs=pl.BlockSpec((BR, D), lambda i: (i, 0)),
    out_shape=jax.ShapeDtypeStruct((N_NODES, D), jnp.float32),
)


def kernel(x, edge_index, edge_attr, return_attention_weights, W, b):
    del edge_attr, return_attention_weights
    row = edge_index[0]
    col = edge_index[1]
    npad = EP - N_EDGES
    row_p = jnp.concatenate([row, jnp.zeros((npad,), jnp.int32)])
    col_p = jnp.concatenate([col, jnp.full((npad,), DUMMY, jnp.int32)])
    row3 = row_p.reshape(NW, NCH, CH)
    col3 = col_p.reshape(NW, NCH, CH)
    col3d = col_p.reshape(NW, DNCH, DCH)

    zeros1 = jnp.zeros((NP,), jnp.float32)
    ones_ch = jnp.ones((DCH,), jnp.float32)
    zeros2 = jnp.zeros((NP, D), jnp.float32)

    deg2 = _sc_deg(col3d, zeros1, ones_ch)
    degT = deg2.T
    g = _tc_scale(x, W, degT)
    acc = _sc_main(g, row3, col3, zeros2)
    out = _tc_final(acc, degT, b.reshape(1, D))
    return out

# --- scband reference (transcript-rebuilt; emitter-appended) ---
"""Pipeline reference for scband-gcnconv-base-55164559949951 (READ-ONLY COPY).

The authoritative reference and input builder live on the scoring server;
editing this copy changes nothing except your own understanding.
"""

import jax, jax.numpy as jnp
import numpy as np

N = 10000
E = 320000
D_IN = 128
D_OUT = 128


def setup_inputs(seed: int = 0) -> dict:
    key = jax.random.key(seed)
    k1, k2, k3, k4 = jax.random.split(key, 4)
    x = jax.random.normal(k1, (N, D_IN), dtype=jnp.float32)
    edge_index = jax.random.randint(k2, (2, E), 0, N, dtype=jnp.int32)
    edge_attr = jax.random.normal(k3, (E, 4), dtype=jnp.float32)
    # GCNConv parameters: lin weight (no bias in lin) + separate bias, glorot-ish init
    W = jax.random.normal(k4, (D_IN, D_OUT), dtype=jnp.float32) * (1.0 / np.sqrt(D_IN))
    b = jnp.zeros((D_OUT,), dtype=jnp.float32)
    return {
        "x": x,
        "edge_index": edge_index,
        "edge_attr": edge_attr,
        "return_attention_weights": False,
        "W": W,
        "b": b,
    }


def reference(x, edge_index, edge_attr, return_attention_weights, W, b):
    # GCNConv with add_self_loops=False, normalize=True, edge_weight=1.
    # edge_attr and return_attention_weights are unused by the original module's GCNConv call.
    row = edge_index[0]
    col = edge_index[1]
    n = x.shape[0]
    # symmetric normalization: deg computed over dst (col)
    deg = jnp.zeros((n,), dtype=x.dtype).at[col].add(jnp.ones((E,), dtype=x.dtype))
    deg_inv_sqrt = jnp.where(deg > 0, jax.lax.rsqrt(jnp.maximum(deg, 1e-12)), 0.0)
    norm = deg_inv_sqrt[row] * deg_inv_sqrt[col]
    # linear transform then propagate (gather by src, scatter-add to dst)
    h = x @ W
    msg = h[row] * norm[:, None]
    out = jnp.zeros((n, W.shape[1]), dtype=x.dtype).at[col].add(msg)
    out = out + b
    # original returns (gcn_out, (None, None)); we return the array output
    return out

if __name__ == "__main__":
    import jax
    _d = setup_inputs()
    print(jax.jit(kernel)(*tuple(_d.values())))

</pallas_src>

<mosaic_0001>
#map = affine_map<(d0, d1) -> (0, 0)>
#map1 = affine_map<(d0, d1) -> (0, 0, 0)>
module attributes {stable_mosaic.version = 14 : i64} {
  func.func @_sc_main(%arg0: i32, %arg1: i32, %arg2: memref<10000x128xf32, #tpu.memory_space<hbm>>, %arg3: memref<32x160x64xi32, #tpu.memory_space<hbm>>, %arg4: memref<32x160x64xi32, #tpu.memory_space<hbm>>, %arg5: memref<10240x128xf32, #tpu.memory_space<hbm>>, %arg6: memref<2x10240x128xf32, #tpu.memory_space<hbm>>, %arg7: memref<40x64xi32, #tpu.memory_space<vmem>>, %arg8: memref<40x64xi32, #tpu.memory_space<vmem>>, %arg9: memref<64x128xf32, #tpu.memory_space<vmem>>, %arg10: memref<64x128xf32, #tpu.memory_space<vmem>>, %arg11: memref<64x128xf32, #tpu.memory_space<vmem>>, %arg12: memref<64x128xf32, #tpu.memory_space<vmem>>, %arg13: memref<!tpu.dma_semaphore, #tpu.memory_space<semaphore_mem>>, %arg14: memref<!tpu.dma_semaphore, #tpu.memory_space<semaphore_mem>>, %arg15: memref<!tpu.dma_semaphore, #tpu.memory_space<semaphore_mem>>, %arg16: memref<!tpu.dma_semaphore, #tpu.memory_space<semaphore_mem>>, %arg17: memref<!tpu.dma_semaphore, #tpu.memory_space<semaphore_mem>>, %arg18: memref<!tpu.dma_semaphore, #tpu.memory_space<semaphore_mem>>, %arg19: memref<!tpu.dma_semaphore, #tpu.memory_space<semaphore_mem>>, %arg20: memref<!tpu.dma_semaphore, #tpu.memory_space<semaphore_mem>>, %arg21: memref<10240x128xf32, #tpu.memory_space<vmem_shared>>) attributes {dimension_semantics = [#tpu.dimension_semantics<core_parallel>, #tpu.dimension_semantics<subcore_parallel>], iteration_bounds = array<i64: 2, 16>, scalar_prefetch = 0 : i64, scratch_operands = 15 : i64, tpu.core_type = #tpu.core_type<sc_vector_subcore>, window_params = [{transform_indices = #map}, {transform_indices = #map1}, {transform_indices = #map1}, {transform_indices = #map}, {transform_indices = #map1}]} {
    %mul3A = arith.constant 16 : i32
    %mul3A_0 = arith.muli %arg0, %mul3A : i32
    %add3A = arith.addi %mul3A_0, %arg1 : i32
    %mul3A_1 = arith.constant 640 : i32
    %mul3A_2 = arith.muli %arg1, %mul3A_1 : i32
    "tpu.region"() ({
      %run_scoped3A = tpu.sem_alloc : memref<!tpu.dma_semaphore, #tpu.memory_space<semaphore_mem>>
      %dma_start3A_189 = arith.constant 0 : i32
      %dma_start3A_190 = tpu.memref_slice %arg21[%mul3A_2, %dma_start3A_189] : memref<10240x128xf32, #tpu.memory_space<vmem_shared>> -> memref<640x128xf32, #tpu.memory_space<vmem_shared>>
      %dma_start3A_191 = arith.constant 0 : i32
      %dma_start3A_192 = tpu.memref_slice %arg5[%mul3A_2, %dma_start3A_191] : memref<10240x128xf32, #tpu.memory_space<hbm>> -> memref<640x128xf32, #tpu.memory_space<hbm>>
      tpu.enqueue_dma source(%dma_start3A_192 : memref<640x128xf32, #tpu.memory_space<hbm>>) target(%dma_start3A_190 : memref<640x128xf32, #tpu.memory_space<vmem_shared>>) target_semaphore(%run_scoped3A : memref<!tpu.dma_semaphore, #tpu.memory_space<semaphore_mem>>)
      %dma_wait3A_193 = arith.constant 0 : i32
      %dma_wait3A_194 = tpu.memref_slice %arg21[%mul3A_2, %dma_wait3A_193] : memref<10240x128xf32, #tpu.memory_space<vmem_shared>> -> memref<640x128xf32, #tpu.memory_space<vmem_shared>>
      %dma_wait3A_195 = arith.constant 0 : i32
      %dma_wait3A_196 = tpu.memref_slice %arg5[%mul3A_2, %dma_wait3A_195] : memref<10240x128xf32, #tpu.memory_space<hbm>> -> memref<640x128xf32, #tpu.memory_space<hbm>>
      tpu.wait_dma2 semaphore(%run_scoped3A : memref<!tpu.dma_semaphore, #tpu.memory_space<semaphore_mem>>) src(%dma_wait3A_196 : memref<640x128xf32, #tpu.memory_space<hbm>>) dst(%dma_wait3A_194 : memref<640x128xf32, #tpu.memory_space<vmem_shared>>)
      tpu.yield
    }) : () -> ()
    %barrier3A = arith.constant 0 : index
    tpu.barrier barrier_id(%barrier3A)
    "tpu.region"() ({
      %run_scoped3A = tpu.sem_alloc : memref<!tpu.dma_semaphore, #tpu.memory_space<semaphore_mem>>
      %dma_start3A_189 = arith.constant 0 : i32
      %dma_start3A_190 = arith.constant 0 : i32
      %dma_start3A_191 = tpu.memref_slice %arg3[%add3A, %dma_start3A_189, %dma_start3A_190] : memref<32x160x64xi32, #tpu.memory_space<hbm>> -> memref<1x40x64xi32, #tpu.memory_space<hbm>>
      %dma_start3A_192 = tpu.memref_squeeze %dma_start3A_191 : memref<1x40x64xi32, #tpu.memory_space<hbm>> -> memref<40x64xi32, #tpu.memory_space<hbm>>
      %dma_start3A_193 = arith.constant 0 : i32
      %dma_start3A_194 = arith.constant 0 : i32
      %dma_start3A_195 = tpu.memref_slice %arg3[%add3A, %dma_start3A_193, %dma_start3A_194] : memref<32x160x64xi32, #tpu.memory_space<hbm>> -> memref<1x40x64xi32, #tpu.memory_space<hbm>>
      %dma_start3A_196 = tpu.memref_squeeze %dma_start3A_195 : memref<1x40x64xi32, #tpu.memory_space<hbm>> -> memref<40x64xi32, #tpu.memory_space<hbm>>
      tpu.enqueue_dma source(%dma_start3A_196 : memref<40x64xi32, #tpu.memory_space<hbm>>) target(%arg7 : memref<40x64xi32, #tpu.memory_space<vmem>>) target_semaphore(%run_scoped3A : memref<!tpu.dma_semaphore, #tpu.memory_space<semaphore_mem>>)
      %dma_wait3A_197 = arith.constant 0 : i32
      %dma_wait3A_198 = arith.constant 0 : i32
      %dma_wait3A_199 = tpu.memref_slice %arg3[%add3A, %dma_wait3A_197, %dma_wait3A_198] : memref<32x160x64xi32, #tpu.memory_space<hbm>> -> memref<1x40x64xi32, #tpu.memory_space<hbm>>
      %dma_wait3A_200 = tpu.memref_squeeze %dma_wait3A_199 : memref<1x40x64xi32, #tpu.memory_space<hbm>> -> memref<40x64xi32, #tpu.memory_space<hbm>>
      %dma_wait3A_201 = arith.constant 0 : i32
      %dma_wait3A_202 = arith.constant 0 : i32
      %dma_wait3A_203 = tpu.memref_slice %arg3[%add3A, %dma_wait3A_201, %dma_wait3A_202] : memref<32x160x64xi32, #tpu.memory_space<hbm>> -> memref<1x40x64xi32, #tpu.memory_space<hbm>>
      %dma_wait3A_204 = tpu.memref_squeeze %dma_wait3A_203 : memref<1x40x64xi32, #tpu.memory_space<hbm>> -> memref<40x64xi32, #tpu.memory_space<hbm>>
      tpu.wait_dma2 semaphore(%run_scoped3A : memref<!tpu.dma_semaphore, #tpu.memory_space<semaphore_mem>>) src(%dma_wait3A_204 : memref<40x64xi32, #tpu.memory_space<hbm>>) dst(%arg7 : memref<40x64xi32, #tpu.memory_space<vmem>>)
      tpu.yield
    }) : () -> ()
    "tpu.region"() ({
      %run_scoped3A = tpu.sem_alloc : memref<!tpu.dma_semaphore, #tpu.memory_space<semaphore_mem>>
      %dma_start3A_189 = arith.constant 0 : i32
      %dma_start3A_190 = arith.constant 0 : i32
      %dma_start3A_191 = tpu.memref_slice %arg4[%add3A, %dma_start3A_189, %dma_start3A_190] : memref<32x160x64xi32, #tpu.memory_space<hbm>> -> memref<1x40x64xi32, #tpu.memory_space<hbm>>
      %dma_start3A_192 = tpu.memref_squeeze %dma_start3A_191 : memref<1x40x64xi32, #tpu.memory_space<hbm>> -> memref<40x64xi32, #tpu.memory_space<hbm>>
      %dma_start3A_193 = arith.constant 0 : i32
      %dma_start3A_194 = arith.constant 0 : i32
      %dma_start3A_195 = tpu.memref_slice %arg4[%add3A, %dma_start3A_193, %dma_start3A_194] : memref<32x160x64xi32, #tpu.memory_space<hbm>> -> memref<1x40x64xi32, #tpu.memory_space<hbm>>
      %dma_start3A_196 = tpu.memref_squeeze %dma_start3A_195 : memref<1x40x64xi32, #tpu.memory_space<hbm>> -> memref<40x64xi32, #tpu.memory_space<hbm>>
      tpu.enqueue_dma source(%dma_start3A_196 : memref<40x64xi32, #tpu.memory_space<hbm>>) target(%arg8 : memref<40x64xi32, #tpu.memory_space<vmem>>) target_semaphore(%run_scoped3A : memref<!tpu.dma_semaphore, #tpu.memory_space<semaphore_mem>>)
      %dma_wait3A_197 = arith.constant 0 : i32
      %dma_wait3A_198 = arith.constant 0 : i32
      %dma_wait3A_199 = tpu.memref_slice %arg4[%add3A, %dma_wait3A_197, %dma_wait3A_198] : memref<32x160x64xi32, #tpu.memory_space<hbm>> -> memref<1x40x64xi32, #tpu.memory_space<hbm>>
      %dma_wait3A_200 = tpu.memref_squeeze %dma_wait3A_199 : memref<1x40x64xi32, #tpu.memory_space<hbm>> -> memref<40x64xi32, #tpu.memory_space<hbm>>
      %dma_wait3A_201 = arith.constant 0 : i32
      %dma_wait3A_202 = arith.constant 0 : i32
      %dma_wait3A_203 = tpu.memref_slice %arg4[%add3A, %dma_wait3A_201, %dma_wait3A_202] : memref<32x160x64xi32, #tpu.memory_space<hbm>> -> memref<1x40x64xi32, #tpu.memory_space<hbm>>
      %dma_wait3A_204 = tpu.memref_squeeze %dma_wait3A_203 : memref<1x40x64xi32, #tpu.memory_space<hbm>> -> memref<40x64xi32, #tpu.memory_space<hbm>>
      tpu.wait_dma2 semaphore(%run_scoped3A : memref<!tpu.dma_semaphore, #tpu.memory_space<semaphore_mem>>) src(%dma_wait3A_204 : memref<40x64xi32, #tpu.memory_space<hbm>>) dst(%arg8 : memref<40x64xi32, #tpu.memory_space<vmem>>)
      tpu.yield
    }) : () -> ()
    %dma_start3A = arith.constant 0 : i32
    %dma_start3A_3 = arith.constant 0 : i32
    %dma_start3A_4 = tpu.memref_slice %arg7[%dma_start3A, %dma_start3A_3] : memref<40x64xi32, #tpu.memory_space<vmem>> -> memref<1x64xi32, #tpu.memory_space<vmem>>
    %dma_start3A_5 = tpu.memref_squeeze %dma_start3A_4 : memref<1x64xi32, #tpu.memory_space<vmem>> -> memref<64xi32, #tpu.memory_space<vmem>>
    %dma_start3A_6 = arith.constant 0 : i32
    %dma_start3A_7 = arith.constant 0 : i32
    %dma_start3A_8 = tpu.memref_slice %arg2[%dma_start3A_6, %dma_start3A_7] : memref<10000x128xf32, #tpu.memory_space<hbm>> -> memref<10000x128xf32, #tpu.memory_space<hbm>>
    tpu.enqueue_indirect_dma source(%dma_start3A_8 : memref<10000x128xf32, #tpu.memory_space<hbm>>) target(%arg9 : memref<64x128xf32, #tpu.memory_space<vmem>>) offsets(%dma_start3A_5 : memref<64xi32, #tpu.memory_space<vmem>>) semaphore(%arg13 : memref<!tpu.dma_semaphore, #tpu.memory_space<semaphore_mem>>)
    %dma_start3A_9 = arith.constant 1 : i32
    %dma_start3A_10 = arith.constant 0 : i32
    %dma_start3A_11 = tpu.memref_slice %arg7[%dma_start3A_9, %dma_start3A_10] : memref<40x64xi32, #tpu.memory_space<vmem>> -> memref<1x64xi32, #tpu.memory_space<vmem>>
    %dma_start3A_12 = tpu.memref_squeeze %dma_start3A_11 : memref<1x64xi32, #tpu.memory_space<vmem>> -> memref<64xi32, #tpu.memory_space<vmem>>
    %dma_start3A_13 = arith.constant 0 : i32
    %dma_start3A_14 = arith.constant 0 : i32
    %dma_start3A_15 = tpu.memref_slice %arg2[%dma_start3A_13, %dma_start3A_14] : memref<10000x128xf32, #tpu.memory_space<hbm>> -> memref<10000x128xf32, #tpu.memory_space<hbm>>
    tpu.enqueue_indirect_dma source(%dma_start3A_15 : memref<10000x128xf32, #tpu.memory_space<hbm>>) target(%arg10 : memref<64x128xf32, #tpu.memory_space<vmem>>) offsets(%dma_start3A_12 : memref<64xi32, #tpu.memory_space<vmem>>) semaphore(%arg14 : memref<!tpu.dma_semaphore, #tpu.memory_space<semaphore_mem>>)
    %scan3A = arith.constant 0 : i32
    %scan3A_16 = arith.constant 10 : i32
    %scan3A_17 = arith.addi %scan3A, %scan3A_16 : i32
    %scan3A_18 = arith.constant 1 : i32
    scf.for %scan3A_189 = %scan3A to %scan3A_17 step %scan3A_18  : i32 {
      %mul3A_190 = arith.constant 4 : i32
      %mul3A_191 = arith.muli %scan3A_189, %mul3A_190 : i32
      %add3A_192 = arith.constant 0 : i32
      %add3A_193 = arith.addi %add3A_192, %mul3A_191 : i32
      %add3A_194 = arith.constant 0 : i32
      %add3A_195 = arith.addi %add3A_193, %add3A_194 : i32
      %dma_wait3A_196 = arith.constant 0 : i32
      %dma_wait3A_197 = tpu.memref_slice %arg7[%add3A_195, %dma_wait3A_196] : memref<40x64xi32, #tpu.memory_space<vmem>> -> memref<1x64xi32, #tpu.memory_space<vmem>>
      %dma_wait3A_198 = tpu.memref_squeeze %dma_wait3A_197 : memref<1x64xi32, #tpu.memory_space<vmem>> -> memref<64xi32, #tpu.memory_space<vmem>>
      %dma_wait3A_199 = arith.constant 0 : i32
      %dma_wait3A_200 = arith.constant 0 : i32
      %dma_wait3A_201 = tpu.memref_slice %arg2[%dma_wait3A_199, %dma_wait3A_200] : memref<10000x128xf32, #tpu.memory_space<hbm>> -> memref<10000x128xf32, #tpu.memory_space<hbm>>
      tpu.wait_indirect_dma semaphore(%arg13 : memref<!tpu.dma_semaphore, #tpu.memory_space<semaphore_mem>>) src(%dma_wait3A_201 : memref<10000x128xf32, #tpu.memory_space<hbm>>) dst(%arg9 : memref<64x128xf32, #tpu.memory_space<vmem>>)
      %dma_start3A_202 = arith.constant 0 : i32
      %dma_start3A_203 = tpu.memref_slice %arg8[%add3A_195, %dma_start3A_202] : memref<40x64xi32, #tpu.memory_space<vmem>> -> memref<1x64xi32, #tpu.memory_space<vmem>>
      %dma_start3A_204 = tpu.memref_squeeze %dma_start3A_203 : memref<1x64xi32, #tpu.memory_space<vmem>> -> memref<64xi32, #tpu.memory_space<vmem>>
      %dma_start3A_205 = arith.constant 0 : i32
      %dma_start3A_206 = arith.constant 0 : i32
      %dma_start3A_207 = tpu.memref_slice %arg21[%dma_start3A_205, %dma_start3A_206] : memref<10240x128xf32, #tpu.memory_space<vmem_shared>> -> memref<10240x128xf32, #tpu.memory_space<vmem_shared>>
      tpu.enqueue_indirect_dma source(%arg9 : memref<64x128xf32, #tpu.memory_space<vmem>>) target(%dma_start3A_207 : memref<10240x128xf32, #tpu.memory_space<vmem_shared>>) offsets(%dma_start3A_204 : memref<64xi32, #tpu.memory_space<vmem>>) semaphore(%arg17 : memref<!tpu.dma_semaphore, #tpu.memory_space<semaphore_mem>>) {add = true}
      %add3A_208 = arith.constant 2 : i32
      %add3A_209 = arith.addi %add3A_195, %add3A_208 : i32
      %lt3A = arith.constant 40 : i32
      %lt3A_210 = arith.cmpi slt, %add3A_209, %lt3A : i32
      %convert_element_type3A = arith.extui %lt3A_210 : i1 to i32
      %cond3A = arith.constant 0 : i32
      %cond3A_211 = arith.cmpi ne, %convert_element_type3A, %cond3A : i32
      scf.if %cond3A_211 {
        %ge3A = arith.constant 2 : i32
        %ge3A_275 = arith.cmpi sge, %add3A_195, %ge3A : i32
        %convert_element_type3A_276 = arith.extui %ge3A_275 : i1 to i32
        %cond3A_277 = arith.constant 0 : i32
        %cond3A_278 = arith.cmpi ne, %convert_element_type3A_276, %cond3A_277 : i32
        scf.if %cond3A_278 {
          %sub3A = arith.constant 2 : i32
          %sub3A_287 = arith.subi %add3A_195, %sub3A : i32
          %dma_wait3A_288 = arith.constant 0 : i32
          %dma_wait3A_289 = tpu.memref_slice %arg8[%sub3A_287, %dma_wait3A_288] : memref<40x64xi32, #tpu.memory_space<vmem>> -> memref<1x64xi32, #tpu.memory_space<vmem>>
          %dma_wait3A_290 = tpu.memref_squeeze %dma_wait3A_289 : memref<1x64xi32, #tpu.memory_space<vmem>> -> memref<64xi32, #tpu.memory_space<vmem>>
          %dma_wait3A_291 = arith.constant 0 : i32
          %dma_wait3A_292 = arith.constant 0 : i32
          %dma_wait3A_293 = tpu.memref_slice %arg21[%dma_wait3A_291, %dma_wait3A_292] : memref<10240x128xf32, #tpu.memory_space<vmem_shared>> -> memref<10240x128xf32, #tpu.memory_space<vmem_shared>>
          tpu.wait_indirect_dma semaphore(%arg19 : memref<!tpu.dma_semaphore, #tpu.memory_space<semaphore_mem>>) src(%arg11 : memref<64x128xf32, #tpu.memory_space<vmem>>) dst(%dma_wait3A_293 : memref<10240x128xf32, #tpu.memory_space<vmem_shared>>)
        } else {
        }
        %add3A_279 = arith.constant 2 : i32
        %add3A_280 = arith.addi %add3A_195, %add3A_279 : i32
        %dma_start3A_281 = arith.constant 0 : i32
        %dma_start3A_282 = tpu.memref_slice %arg7[%add3A_280, %dma_start3A_281] : memref<40x64xi32, #tpu.memory_space<vmem>> -> memref<1x64xi32, #tpu.memory_space<vmem>>
        %dma_start3A_283 = tpu.memref_squeeze %dma_start3A_282 : memref<1x64xi32, #tpu.memory_space<vmem>> -> memref<64xi32, #tpu.memory_space<vmem>>
        %dma_start3A_284 = arith.constant 0 : i32
        %dma_start3A_285 = arith.constant 0 : i32
        %dma_start3A_286 = tpu.memref_slice %arg2[%dma_start3A_284, %dma_start3A_285] : memref<10000x128xf32, #tpu.memory_space<hbm>> -> memref<10000x128xf32, #tpu.memory_space<hbm>>
        tpu.enqueue_indirect_dma source(%dma_start3A_286 : memref<10000x128xf32, #tpu.memory_space<hbm>>) target(%arg11 : memref<64x128xf32, #tpu.memory_space<vmem>>) offsets(%dma_start3A_283 : memref<64xi32, #tpu.memory_space<vmem>>) semaphore(%arg15 : memref<!tpu.dma_semaphore, #tpu.memory_space<semaphore_mem>>)
      } else {
      }
      %add3A_212 = arith.constant 1 : i32
      %add3A_213 = arith.addi %add3A_193, %add3A_212 : i32
      %dma_wait3A_214 = arith.constant 0 : i32
      %dma_wait3A_215 = tpu.memref_slice %arg7[%add3A_213, %dma_wait3A_214] : memref<40x64xi32, #tpu.memory_space<vmem>> -> memref<1x64xi32, #tpu.memory_space<vmem>>
      %dma_wait3A_216 = tpu.memref_squeeze %dma_wait3A_215 : memref<1x64xi32, #tpu.memory_space<vmem>> -> memref<64xi32, #tpu.memory_space<vmem>>
      %dma_wait3A_217 = arith.constant 0 : i32
      %dma_wait3A_218 = arith.constant 0 : i32
      %dma_wait3A_219 = tpu.memref_slice %arg2[%dma_wait3A_217, %dma_wait3A_218] : memref<10000x128xf32, #tpu.memory_space<hbm>> -> memref<10000x128xf32, #tpu.memory_space<hbm>>
      tpu.wait_indirect_dma semaphore(%arg14 : memref<!tpu.dma_semaphore, #tpu.memory_space<semaphore_mem>>) src(%dma_wait3A_219 : memref<10000x128xf32, #tpu.memory_space<hbm>>) dst(%arg10 : memref<64x128xf32, #tpu.memory_space<vmem>>)
      %dma_start3A_220 = arith.constant 0 : i32
      %dma_start3A_221 = tpu.memref_slice %arg8[%add3A_213, %dma_start3A_220] : memref<40x64xi32, #tpu.memory_space<vmem>> -> memref<1x64xi32, #tpu.memory_space<vmem>>
      %dma_start3A_222 = tpu.memref_squeeze %dma_start3A_221 : memref<1x64xi32, #tpu.memory_space<vmem>> -> memref<64xi32, #tpu.memory_space<vmem>>
      %dma_start3A_223 = arith.constant 0 : i32
      %dma_start3A_224 = arith.constant 0 : i32
      %dma_start3A_225 = tpu.memref_slice %arg21[%dma_start3A_223, %dma_start3A_224] : memref<10240x128xf32, #tpu.memory_space<vmem_shared>> -> memref<10240x128xf32, #tpu.memory_space<vmem_shared>>
      tpu.enqueue_indirect_dma source(%arg10 : memref<64x128xf32, #tpu.memory_space<vmem>>) target(%dma_start3A_225 : memref<10240x128xf32, #tpu.memory_space<vmem_shared>>) offsets(%dma_start3A_222 : memref<64xi32, #tpu.memory_space<vmem>>) semaphore(%arg18 : memref<!tpu.dma_semaphore, #tpu.memory_space<semaphore_mem>>) {add = true}
      %add3A_226 = arith.constant 2 : i32
      %add3A_227 = arith.addi %add3A_213, %add3A_226 : i32
      %lt3A_228 = arith.constant 40 : i32
      %lt3A_229 = arith.cmpi slt, %add3A_227, %lt3A_228 : i32
      %convert_element_type3A_230 = arith.extui %lt3A_229 : i1 to i32
      %cond3A_231 = arith.constant 0 : i32
      %cond3A_232 = arith.cmpi ne, %convert_element_type3A_230, %cond3A_231 : i32
      scf.if %cond3A_232 {
        %ge3A = arith.constant 2 : i32
        %ge3A_275 = arith.cmpi sge, %add3A_213, %ge3A : i32
        %convert_element_type3A_276 = arith.extui %ge3A_275 : i1 to i32
        %cond3A_277 = arith.constant 0 : i32
        %cond3A_278 = arith.cmpi ne, %convert_element_type3A_276, %cond3A_277 : i32
        scf.if %cond3A_278 {
          %sub3A = arith.constant 2 : i32
          %sub3A_287 = arith.subi %add3A_213, %sub3A : i32
          %dma_wait3A_288 = arith.constant 0 : i32
          %dma_wait3A_289 = tpu.memref_slice %arg8[%sub3A_287, %dma_wait3A_288] : memref<40x64xi32, #tpu.memory_space<vmem>> -> memref<1x64xi32, #tpu.memory_space<vmem>>
          %dma_wait3A_290 = tpu.memref_squeeze %dma_wait3A_289 : memref<1x64xi32, #tpu.memory_space<vmem>> -> memref<64xi32, #tpu.memory_space<vmem>>
          %dma_wait3A_291 = arith.constant 0 : i32
          %dma_wait3A_292 = arith.constant 0 : i32
          %dma_wait3A_293 = tpu.memref_slice %arg21[%dma_wait3A_291, %dma_wait3A_292] : memref<10240x128xf32, #tpu.memory_space<vmem_shared>> -> memref<10240x128xf32, #tpu.memory_space<vmem_shared>>
          tpu.wait_indirect_dma semaphore(%arg20 : memref<!tpu.dma_semaphore, #tpu.memory_space<semaphore_mem>>) src(%arg12 : memref<64x128xf32, #tpu.memory_space<vmem>>) dst(%dma_wait3A_293 : memref<10240x128xf32, #tpu.memory_space<vmem_shared>>)
        } else {
        }
        %add3A_279 = arith.constant 2 : i32
        %add3A_280 = arith.addi %add3A_213, %add3A_279 : i32
        %dma_start3A_281 = arith.constant 0 : i32
        %dma_start3A_282 = tpu.memref_slice %arg7[%add3A_280, %dma_start3A_281] : memref<40x64xi32, #tpu.memory_space<vmem>> -> memref<1x64xi32, #tpu.memory_space<vmem>>
        %dma_start3A_283 = tpu.memref_squeeze %dma_start3A_282 : memref<1x64xi32, #tpu.memory_space<vmem>> -> memref<64xi32, #tpu.memory_space<vmem>>
        %dma_start3A_284 = arith.constant 0 : i32
        %dma_start3A_285 = arith.constant 0 : i32
        %dma_start3A_286 = tpu.memref_slice %arg2[%dma_start3A_284, %dma_start3A_285] : memref<10000x128xf32, #tpu.memory_space<hbm>> -> memref<10000x128xf32, #tpu.memory_space<hbm>>
        tpu.enqueue_indirect_dma source(%dma_start3A_286 : memref<10000x128xf32, #tpu.memory_space<hbm>>) target(%arg12 : memref<64x128xf32, #tpu.memory_space<vmem>>) offsets(%dma_start3A_283 : memref<64xi32, #tpu.memory_space<vmem>>) semaphore(%arg16 : memref<!tpu.dma_semaphore, #tpu.memory_space<semaphore_mem>>)
      } else {
      }
      %add3A_233 = arith.constant 2 : i32
      %add3A_234 = arith.addi %add3A_193, %add3A_233 : i32
      %dma_wait3A_235 = arith.constant 0 : i32
      %dma_wait3A_236 = tpu.memref_slice %arg7[%add3A_234, %dma_wait3A_235] : memref<40x64xi32, #tpu.memory_space<vmem>> -> memref<1x64xi32, #tpu.memory_space<vmem>>
      %dma_wait3A_237 = tpu.memref_squeeze %dma_wait3A_236 : memref<1x64xi32, #tpu.memory_space<vmem>> -> memref<64xi32, #tpu.memory_space<vmem>>
      %dma_wait3A_238 = arith.constant 0 : i32
      %dma_wait3A_239 = arith.constant 0 : i32
      %dma_wait3A_240 = tpu.memref_slice %arg2[%dma_wait3A_238, %dma_wait3A_239] : memref<10000x128xf32, #tpu.memory_space<hbm>> -> memref<10000x128xf32, #tpu.memory_space<hbm>>
      tpu.wait_indirect_dma semaphore(%arg15 : memref<!tpu.dma_semaphore, #tpu.memory_space<semaphore_mem>>) src(%dma_wait3A_240 : memref<10000x128xf32, #tpu.memory_space<hbm>>) dst(%arg11 : memref<64x128xf32, #tpu.memory_space<vmem>>)
      %dma_start3A_241 = arith.constant 0 : i32
      %dma_start3A_242 = tpu.memref_slice %arg8[%add3A_234, %dma_start3A_241] : memref<40x64xi32, #tpu.memory_space<vmem>> -> memref<1x64xi32, #tpu.memory_space<vmem>>
      %dma_start3A_243 = tpu.memref_squeeze %dma_start3A_242 : memref<1x64xi32, #tpu.memory_space<vmem>> -> memref<64xi32, #tpu.memory_space<vmem>>
      %dma_start3A_244 = arith.constant 0 : i32
      %dma_start3A_245 = arith.constant 0 : i32
      %dma_start3A_246 = tpu.memref_slice %arg21[%dma_start3A_244, %dma_start3A_245] : memref<10240x128xf32, #tpu.memory_space<vmem_shared>> -> memref<10240x128xf32, #tpu.memory_space<vmem_shared>>
      tpu.enqueue_indirect_dma source(%arg11 : memref<64x128xf32, #tpu.memory_space<vmem>>) target(%dma_start3A_246 : memref<10240x128xf32, #tpu.memory_space<vmem_shared>>) offsets(%dma_start3A_243 : memref<64xi32, #tpu.memory_space<vmem>>) semaphore(%arg19 : memref<!tpu.dma_semaphore, #tpu.memory_space<semaphore_mem>>) {add = true}
      %add3A_247 = arith.constant 2 : i32
      %add3A_248 = arith.addi %add3A_234, %add3A_247 : i32
      %lt3A_249 = arith.constant 40 : i32
      %lt3A_250 = arith.cmpi slt, %add3A_248, %lt3A_249 : i32
      %convert_element_type3A_251 = arith.extui %lt3A_250 : i1 to i32
      %cond3A_252 = arith.constant 0 : i32
      %cond3A_253 = arith.cmpi ne, %convert_element_type3A_251, %cond3A_252 : i32
      scf.if %cond3A_253 {
        %ge3A = arith.constant 2 : i32
        %ge3A_275 = arith.cmpi sge, %add3A_234, %ge3A : i32
        %convert_element_type3A_276 = arith.extui %ge3A_275 : i1 to i32
        %cond3A_277 = arith.constant 0 : i32
        %cond3A_278 = arith.cmpi ne, %convert_element_type3A_276, %cond3A_277 : i32
        scf.if %cond3A_278 {
          %sub3A = arith.constant 2 : i32
          %sub3A_287 = arith.subi %add3A_234, %sub3A : i32
          %dma_wait3A_288 = arith.constant 0 : i32
          %dma_wait3A_289 = tpu.memref_slice %arg8[%sub3A_287, %dma_wait3A_288] : memref<40x64xi32, #tpu.memory_space<vmem>> -> memref<1x64xi32, #tpu.memory_space<vmem>>
          %dma_wait3A_290 = tpu.memref_squeeze %dma_wait3A_289 : memref<1x64xi32, #tpu.memory_space<vmem>> -> memref<64xi32, #tpu.memory_space<vmem>>
          %dma_wait3A_291 = arith.constant 0 : i32
          %dma_wait3A_292 = arith.constant 0 : i32
          %dma_wait3A_293 = tpu.memref_slice %arg21[%dma_wait3A_291, %dma_wait3A_292] : memref<10240x128xf32, #tpu.memory_space<vmem_shared>> -> memref<10240x128xf32, #tpu.memory_space<vmem_shared>>
          tpu.wait_indirect_dma semaphore(%arg17 : memref<!tpu.dma_semaphore, #tpu.memory_space<semaphore_mem>>) src(%arg9 : memref<64x128xf32, #tpu.memory_space<vmem>>) dst(%dma_wait3A_293 : memref<10240x128xf32, #tpu.memory_space<vmem_shared>>)
        } else {
        }
        %add3A_279 = arith.constant 2 : i32
        %add3A_280 = arith.addi %add3A_234, %add3A_279 : i32
        %dma_start3A_281 = arith.constant 0 : i32
        %dma_start3A_282 = tpu.memref_slice %arg7[%add3A_280, %dma_start3A_281] : memref<40x64xi32, #tpu.memory_space<vmem>> -> memref<1x64xi32, #tpu.memory_space<vmem>>
        %dma_start3A_283 = tpu.memref_squeeze %dma_start3A_282 : memref<1x64xi32, #tpu.memory_space<vmem>> -> memref<64xi32, #tpu.memory_space<vmem>>
        %dma_start3A_284 = arith.constant 0 : i32
        %dma_start3A_285 = arith.constant 0 : i32
        %dma_start3A_286 = tpu.memref_slice %arg2[%dma_start3A_284, %dma_start3A_285] : memref<10000x128xf32, #tpu.memory_space<hbm>> -> memref<10000x128xf32, #tpu.memory_space<hbm>>
        tpu.enqueue_indirect_dma source(%dma_start3A_286 : memref<10000x128xf32, #tpu.memory_space<hbm>>) target(%arg9 : memref<64x128xf32, #tpu.memory_space<vmem>>) offsets(%dma_start3A_283 : memref<64xi32, #tpu.memory_space<vmem>>) semaphore(%arg13 : memref<!tpu.dma_semaphore, #tpu.memory_space<semaphore_mem>>)
      } else {
      }
      %add3A_254 = arith.constant 3 : i32
      %add3A_255 = arith.addi %add3A_193, %add3A_254 : i32
      %dma_wait3A_256 = arith.constant 0 : i32
      %dma_wait3A_257 = tpu.memref_slice %arg7[%add3A_255, %dma_wait3A_256] : memref<40x64xi32, #tpu.memory_space<vmem>> -> memref<1x64xi32, #tpu.memory_space<vmem>>
      %dma_wait3A_258 = tpu.memref_squeeze %dma_wait3A_257 : memref<1x64xi32, #tpu.memory_space<vmem>> -> memref<64xi32, #tpu.memory_space<vmem>>
      %dma_wait3A_259 = arith.constant 0 : i32
      %dma_wait3A_260 = arith.constant 0 : i32
      %dma_wait3A_261 = tpu.memref_slice %arg2[%dma_wait3A_259, %dma_wait3A_260] : memref<10000x128xf32, #tpu.memory_space<hbm>> -> memref<10000x128xf32, #tpu.memory_space<hbm>>
      tpu.wait_indirect_dma semaphore(%arg16 : memref<!tpu.dma_semaphore, #tpu.memory_space<semaphore_mem>>) src(%dma_wait3A_261 : memref<10000x128xf32, #tpu.memory_space<hbm>>) dst(%arg12 : memref<64x128xf32, #tpu.memory_space<vmem>>)
      %dma_start3A_262 = arith.constant 0 : i32
      %dma_start3A_263 = tpu.memref_slice %arg8[%add3A_255, %dma_start3A_262] : memref<40x64xi32, #tpu.memory_space<vmem>> -> memref<1x64xi32, #tpu.memory_space<vmem>>
      %dma_start3A_264 = tpu.memref_squeeze %dma_start3A_263 : memref<1x64xi32, #tpu.memory_space<vmem>> -> memref<64xi32, #tpu.memory_space<vmem>>
      %dma_start3A_265 = arith.constant 0 : i32
      %dma_start3A_266 = arith.constant 0 : i32
      %dma_start3A_267 = tpu.memref_slice %arg21[%dma_start3A_265, %dma_start3A_266] : memref<10240x128xf32, #tpu.memory_space<vmem_shared>> -> memref<10240x128xf32, #tpu.memory_space<vmem_shared>>
      tpu.enqueue_indirect_dma source(%arg12 : memref<64x128xf32, #tpu.memory_space<vmem>>) target(%dma_start3A_267 : memref<10240x128xf32, #tpu.memory_space<vmem_shared>>) offsets(%dma_start3A_264 : memref<64xi32, #tpu.memory_space<vmem>>) semaphore(%arg20 : memref<!tpu.dma_semaphore, #tpu.memory_space<semaphore_mem>>) {add = true}
      %add3A_268 = arith.constant 2 : i32
      %add3A_269 = arith.addi %add3A_255, %add3A_268 : i32
      %lt3A_270 = arith.constant 40 : i32
      %lt3A_271 = arith.cmpi slt, %add3A_269, %lt3A_270 : i32
      %convert_element_type3A_272 = arith.extui %lt3A_271 : i1 to i32
      %cond3A_273 = arith.constant 0 : i32
      %cond3A_274 = arith.cmpi ne, %convert_element_type3A_272, %cond3A_273 : i32
      scf.if %cond3A_274 {
        %ge3A = arith.constant 2 : i32
        %ge3A_275 = arith.cmpi sge, %add3A_255, %ge3A : i32
        %convert_element_type3A_276 = arith.extui %ge3A_275 : i1 to i32
        %cond3A_277 = arith.constant 0 : i32
        %cond3A_278 = arith.cmpi ne, %convert_element_type3A_276, %cond3A_277 : i32
        scf.if %cond3A_278 {
          %sub3A = arith.constant 2 : i32
          %sub3A_287 = arith.subi %add3A_255, %sub3A : i32
          %dma_wait3A_288 = arith.constant 0 : i32
          %dma_wait3A_289 = tpu.memref_slice %arg8[%sub3A_287, %dma_wait3A_288] : memref<40x64xi32, #tpu.memory_space<vmem>> -> memref<1x64xi32, #tpu.memory_space<vmem>>
          %dma_wait3A_290 = tpu.memref_squeeze %dma_wait3A_289 : memref<1x64xi32, #tpu.memory_space<vmem>> -> memref<64xi32, #tpu.memory_space<vmem>>
          %dma_wait3A_291 = arith.constant 0 : i32
          %dma_wait3A_292 = arith.constant 0 : i32
          %dma_wait3A_293 = tpu.memref_slice %arg21[%dma_wait3A_291, %dma_wait3A_292] : memref<10240x128xf32, #tpu.memory_space<vmem_shared>> -> memref<10240x128xf32, #tpu.memory_space<vmem_shared>>
          tpu.wait_indirect_dma semaphore(%arg18 : memref<!tpu.dma_semaphore, #tpu.memory_space<semaphore_mem>>) src(%arg10 : memref<64x128xf32, #tpu.memory_space<vmem>>) dst(%dma_wait3A_293 : memref<10240x128xf32, #tpu.memory_space<vmem_shared>>)
        } else {
        }
        %add3A_279 = arith.constant 2 : i32
        %add3A_280 = arith.addi %add3A_255, %add3A_279 : i32
        %dma_start3A_281 = arith.constant 0 : i32
        %dma_start3A_282 = tpu.memref_slice %arg7[%add3A_280, %dma_start3A_281] : memref<40x64xi32, #tpu.memory_space<vmem>> -> memref<1x64xi32, #tpu.memory_space<vmem>>
        %dma_start3A_283 = tpu.memref_squeeze %dma_start3A_282 : memref<1x64xi32, #tpu.memory_space<vmem>> -> memref<64xi32, #tpu.memory_space<vmem>>
        %dma_start3A_284 = arith.constant 0 : i32
        %dma_start3A_285 = arith.constant 0 : i32
        %dma_start3A_286 = tpu.memref_slice %arg2[%dma_start3A_284, %dma_start3A_285] : memref<10000x128xf32, #tpu.memory_space<hbm>> -> memref<10000x128xf32, #tpu.memory_space<hbm>>
        tpu.enqueue_indirect_dma source(%dma_start3A_286 : memref<10000x128xf32, #tpu.memory_space<hbm>>) target(%arg10 : memref<64x128xf32, #tpu.memory_space<vmem>>) offsets(%dma_start3A_283 : memref<64xi32, #tpu.memory_space<vmem>>) semaphore(%arg14 : memref<!tpu.dma_semaphore, #tpu.memory_space<semaphore_mem>>)
      } else {
      }
    }
    %scan3A_19 = arith.constant 10 : i32
    %dma_wait3A = arith.constant 36 : i32
    %dma_wait3A_20 = arith.constant 0 : i32
    %dma_wait3A_21 = tpu.memref_slice %arg8[%dma_wait3A, %dma_wait3A_20] : memref<40x64xi32, #tpu.memory_space<vmem>> -> memref<1x64xi32, #tpu.memory_space<vmem>>
    %dma_wait3A_22 = tpu.memref_squeeze %dma_wait3A_21 : memref<1x64xi32, #tpu.memory_space<vmem>> -> memref<64xi32, #tpu.memory_space<vmem>>
    %dma_wait3A_23 = arith.constant 0 : i32
    %dma_wait3A_24 = arith.constant 0 : i32
    %dma_wait3A_25 = tpu.memref_slice %arg21[%dma_wait3A_23, %dma_wait3A_24] : memref<10240x128xf32, #tpu.memory_space<vmem_shared>> -> memref<10240x128xf32, #tpu.memory_space<vmem_shared>>
    tpu.wait_indirect_dma semaphore(%arg17 : memref<!tpu.dma_semaphore, #tpu.memory_space<semaphore_mem>>) src(%arg9 : memref<64x128xf32, #tpu.memory_space<vmem>>) dst(%dma_wait3A_25 : memref<10240x128xf32, #tpu.memory_space<vmem_shared>>)
    %dma_wait3A_26 = arith.constant 37 : i32
    %dma_wait3A_27 = arith.constant 0 : i32
    %dma_wait3A_28 = tpu.memref_slice %arg8[%dma_wait3A_26, %dma_wait3A_27] : memref<40x64xi32, #tpu.memory_space<vmem>> -> memref<1x64xi32, #tpu.memory_space<vmem>>
    %dma_wait3A_29 = tpu.memref_squeeze %dma_wait3A_28 : memref<1x64xi32, #tpu.memory_space<vmem>> -> memref<64xi32, #tpu.memory_space<vmem>>
    %dma_wait3A_30 = arith.constant 0 : i32
    %dma_wait3A_31 = arith.constant 0 : i32
    %dma_wait3A_32 = tpu.memref_slice %arg21[%dma_wait3A_30, %dma_wait3A_31] : memref<10240x128xf32, #tpu.memory_space<vmem_shared>> -> memref<10240x128xf32, #tpu.memory_space<vmem_shared>>
    tpu.wait_indirect_dma semaphore(%arg18 : memref<!tpu.dma_semaphore, #tpu.memory_space<semaphore_mem>>) src(%arg10 : memref<64x128xf32, #tpu.memory_space<vmem>>) dst(%dma_wait3A_32 : memref<10240x128xf32, #tpu.memory_space<vmem_shared>>)
    %dma_wait3A_33 = arith.constant 38 : i32
    %dma_wait3A_34 = arith.constant 0 : i32
    %dma_wait3A_35 = tpu.memref_slice %arg8[%dma_wait3A_33, %dma_wait3A_34] : memref<40x64xi32, #tpu.memory_space<vmem>> -> memref<1x64xi32, #tpu.memory_space<vmem>>
    %dma_wait3A_36 = tpu.memref_squeeze %dma_wait3A_35 : memref<1x64xi32, #tpu.memory_space<vmem>> -> memref<64xi32, #tpu.memory_space<vmem>>
    %dma_wait3A_37 = arith.constant 0 : i32
    %dma_wait3A_38 = arith.constant 0 : i32
    %dma_wait3A_39 = tpu.memref_slice %arg21[%dma_wait3A_37, %dma_wait3A_38] : memref<10240x128xf32, #tpu.memory_space<vmem_shared>> -> memref<10240x128xf32, #tpu.memory_space<vmem_shared>>
    tpu.wait_indirect_dma semaphore(%arg19 : memref<!tpu.dma_semaphore, #tpu.memory_space<semaphore_mem>>) src(%arg11 : memref<64x128xf32, #tpu.memory_space<vmem>>) dst(%dma_wait3A_39 : memref<10240x128xf32, #tpu.memory_space<vmem_shared>>)
    %dma_wait3A_40 = arith.constant 39 : i32
    %dma_wait3A_41 = arith.constant 0 : i32
    %dma_wait3A_42 = tpu.memref_slice %arg8[%dma_wait3A_40, %dma_wait3A_41] : memref<40x64xi32, #tpu.memory_space<vmem>> -> memref<1x64xi32, #tpu.memory_space<vmem>>
    %dma_wait3A_43 = tpu.memref_squeeze %dma_wait3A_42 : memref<1x64xi32, #tpu.memory_space<vmem>> -> memref<64xi32, #tpu.memory_space<vmem>>
    %dma_wait3A_44 = arith.constant 0 : i32
    %dma_wait3A_45 = arith.constant 0 : i32
    %dma_wait3A_46 = tpu.memref_slice %arg21[%dma_wait3A_44, %dma_wait3A_45] : memref<10240x128xf32, #tpu.memory_space<vmem_shared>> -> memref<10240x128xf32, #tpu.memory_space<vmem_shared>>
    tpu.wait_indirect_dma semaphore(%arg20 : memref<!tpu.dma_semaphore, #tpu.memory_space<semaphore_mem>>) src(%arg12 : memref<64x128xf32, #tpu.memory_space<vmem>>) dst(%dma_wait3A_46 : memref<10240x128xf32, #tpu.memory_space<vmem_shared>>)
    "tpu.region"() ({
      %run_scoped3A = tpu.sem_alloc : memref<!tpu.dma_semaphore, #tpu.memory_space<semaphore_mem>>
      %dma_start3A_189 = arith.constant 40 : i32
      %dma_start3A_190 = arith.constant 0 : i32
      %dma_start3A_191 = tpu.memref_slice %arg3[%add3A, %dma_start3A_189, %dma_start3A_190] : memref<32x160x64xi32, #tpu.memory_space<hbm>> -> memref<1x40x64xi32, #tpu.memory_space<hbm>>
      %dma_start3A_192 = tpu.memref_squeeze %dma_start3A_191 : memref<1x40x64xi32, #tpu.memory_space<hbm>> -> memref<40x64xi32, #tpu.memory_space<hbm>>
      %dma_start3A_193 = arith.constant 40 : i32
      %dma_start3A_194 = arith.constant 0 : i32
      %dma_start3A_195 = tpu.memref_slice %arg3[%add3A, %dma_start3A_193, %dma_start3A_194] : memref<32x160x64xi32, #tpu.memory_space<hbm>> -> memref<1x40x64xi32, #tpu.memory_space<hbm>>
      %dma_start3A_196 = tpu.memref_squeeze %dma_start3A_195 : memref<1x40x64xi32, #tpu.memory_space<hbm>> -> memref<40x64xi32, #tpu.memory_space<hbm>>
      tpu.enqueue_dma source(%dma_start3A_196 : memref<40x64xi32, #tpu.memory_space<hbm>>) target(%arg7 : memref<40x64xi32, #tpu.memory_space<vmem>>) target_semaphore(%run_scoped3A : memref<!tpu.dma_semaphore, #tpu.memory_space<semaphore_mem>>)
      %dma_wait3A_197 = arith.constant 40 : i32
      %dma_wait3A_198 = arith.constant 0 : i32
      %dma_wait3A_199 = tpu.memref_slice %arg3[%add3A, %dma_wait3A_197, %dma_wait3A_198] : memref<32x160x64xi32, #tpu.memory_space<hbm>> -> memref<1x40x64xi32, #tpu.memory_space<hbm>>
      %dma_wait3A_200 = tpu.memref_squeeze %dma_wait3A_199 : memref<1x40x64xi32, #tpu.memory_space<hbm>> -> memref<40x64xi32, #tpu.memory_space<hbm>>
      %dma_wait3A_201 = arith.constant 40 : i32
      %dma_wait3A_202 = arith.constant 0 : i32
      %dma_wait3A_203 = tpu.memref_slice %arg3[%add3A, %dma_wait3A_201, %dma_wait3A_202] : memref<32x160x64xi32, #tpu.memory_space<hbm>> -> memref<1x40x64xi32, #tpu.memory_space<hbm>>
      %dma_wait3A_204 = tpu.memref_squeeze %dma_wait3A_203 : memref<1x40x64xi32, #tpu.memory_space<hbm>> -> memref<40x64xi32, #tpu.memory_space<hbm>>
      tpu.wait_dma2 semaphore(%run_scoped3A : memref<!tpu.dma_semaphore, #tpu.memory_space<semaphore_mem>>) src(%dma_wait3A_204 : memref<40x64xi32, #tpu.memory_space<hbm>>) dst(%arg7 : memref<40x64xi32, #tpu.memory_space<vmem>>)
      tpu.yield
    }) : () -> ()
    "tpu.region"() ({
      %run_scoped3A = tpu.sem_alloc : memref<!tpu.dma_semaphore, #tpu.memory_space<semaphore_mem>>
      %dma_start3A_189 = arith.constant 40 : i32
      %dma_start3A_190 = arith.constant 0 : i32
      %dma_start3A_191 = tpu.memref_slice %arg4[%add3A, %dma_start3A_189, %dma_start3A_190] : memref<32x160x64xi32, #tpu.memory_space<hbm>> -> memref<1x40x64xi32, #tpu.memory_space<hbm>>
      %dma_start3A_192 = tpu.memref_squeeze %dma_start3A_191 : memref<1x40x64xi32, #tpu.memory_space<hbm>> -> memref<40x64xi32, #tpu.memory_space<hbm>>
      %dma_start3A_193 = arith.constant 40 : i32
      %dma_start3A_194 = arith.constant 0 : i32
      %dma_start3A_195 = tpu.memref_slice %arg4[%add3A, %dma_start3A_193, %dma_start3A_194] : memref<32x160x64xi32, #tpu.memory_space<hbm>> -> memref<1x40x64xi32, #tpu.memory_space<hbm>>
      %dma_start3A_196 = tpu.memref_squeeze %dma_start3A_195 : memref<1x40x64xi32, #tpu.memory_space<hbm>> -> memref<40x64xi32, #tpu.memory_space<hbm>>
      tpu.enqueue_dma source(%dma_start3A_196 : memref<40x64xi32, #tpu.memory_space<hbm>>) target(%arg8 : memref<40x64xi32, #tpu.memory_space<vmem>>) target_semaphore(%run_scoped3A : memref<!tpu.dma_semaphore, #tpu.memory_space<semaphore_mem>>)
      %dma_wait3A_197 = arith.constant 40 : i32
      %dma_wait3A_198 = arith.constant 0 : i32
      %dma_wait3A_199 = tpu.memref_slice %arg4[%add3A, %dma_wait3A_197, %dma_wait3A_198] : memref<32x160x64xi32, #tpu.memory_space<hbm>> -> memref<1x40x64xi32, #tpu.memory_space<hbm>>
      %dma_wait3A_200 = tpu.memref_squeeze %dma_wait3A_199 : memref<1x40x64xi32, #tpu.memory_space<hbm>> -> memref<40x64xi32, #tpu.memory_space<hbm>>
      %dma_wait3A_201 = arith.constant 40 : i32
      %dma_wait3A_202 = arith.constant 0 : i32
      %dma_wait3A_203 = tpu.memref_slice %arg4[%add3A, %dma_wait3A_201, %dma_wait3A_202] : memref<32x160x64xi32, #tpu.memory_space<hbm>> -> memref<1x40x64xi32, #tpu.memory_space<hbm>>
      %dma_wait3A_204 = tpu.memref_squeeze %dma_wait3A_203 : memref<1x40x64xi32, #tpu.memory_space<hbm>> -> memref<40x64xi32, #tpu.memory_space<hbm>>
      tpu.wait_dma2 semaphore(%run_scoped3A : memref<!tpu.dma_semaphore, #tpu.memory_space<semaphore_mem>>) src(%dma_wait3A_204 : memref<40x64xi32, #tpu.memory_space<hbm>>) dst(%arg8 : memref<40x64xi32, #tpu.memory_space<vmem>>)
      tpu.yield
    }) : () -> ()
    %dma_start3A_47 = arith.constant 0 : i32
    %dma_start3A_48 = arith.constant 0 : i32
    %dma_start3A_49 = tpu.memref_slice %arg7[%dma_start3A_47, %dma_start3A_48] : memref<40x64xi32, #tpu.memory_space<vmem>> -> memref<1x64xi32, #tpu.memory_space<vmem>>
    %dma_start3A_50 = tpu.memref_squeeze %dma_start3A_49 : memref<1x64xi32, #tpu.memory_space<vmem>> -> memref<64xi32, #tpu.memory_space<vmem>>
    %dma_start3A_51 = arith.constant 0 : i32
    %dma_start3A_52 = arith.constant 0 : i32
    %dma_start3A_53 = tpu.memref_slice %arg2[%dma_start3A_51, %dma_start3A_52] : memref<10000x128xf32, #tpu.memory_space<hbm>> -> memref<10000x128xf32, #tpu.memory_space<hbm>>
    tpu.enqueue_indirect_dma source(%dma_start3A_53 : memref<10000x128xf32, #tpu.memory_space<hbm>>) target(%arg9 : memref<64x128xf32, #tpu.memory_space<vmem>>) offsets(%dma_start3A_50 : memref<64xi32, #tpu.memory_space<vmem>>) semaphore(%arg13 : memref<!tpu.dma_semaphore, #tpu.memory_space<semaphore_mem>>)
    %dma_start3A_54 = arith.constant 1 : i32
    %dma_start3A_55 = arith.constant 0 : i32
    %dma_start3A_56 = tpu.memref_slice %arg7[%dma_start3A_54, %dma_start3A_55] : memref<40x64xi32, #tpu.memory_space<vmem>> -> memref<1x64xi32, #tpu.memory_space<vmem>>
    %dma_start3A_57 = tpu.memref_squeeze %dma_start3A_56 : memref<1x64xi32, #tpu.memory_space<vmem>> -> memref<64xi32, #tpu.memory_space<vmem>>
    %dma_start3A_58 = arith.constant 0 : i32
    %dma_start3A_59 = arith.constant 0 : i32
    %dma_start3A_60 = tpu.memref_slice %arg2[%dma_start3A_58, %dma_start3A_59] : memref<10000x128xf32, #tpu.memory_space<hbm>> -> memref<10000x128xf32, #tpu.memory_space<hbm>>
    tpu.enqueue_indirect_dma source(%dma_start3A_60 : memref<10000x128xf32, #tpu.memory_space<hbm>>) target(%arg10 : memref<64x128xf32, #tpu.memory_space<vmem>>) offsets(%dma_start3A_57 : memref<64xi32, #tpu.memory_space<vmem>>) semaphore(%arg14 : memref<!tpu.dma_semaphore, #tpu.memory_space<semaphore_mem>>)
    %scan3A_61 = arith.constant 0 : i32
    %scan3A_62 = arith.constant 10 : i32
    %scan3A_63 = arith.addi %scan3A_61, %scan3A_62 : i32
    %scan3A_64 = arith.constant 1 : i32
    scf.for %scan3A_189 = %scan3A_61 to %scan3A_63 step %scan3A_64  : i32 {
      %mul3A_190 = arith.constant 4 : i32
      %mul3A_191 = arith.muli %scan3A_189, %mul3A_190 : i32
      %add3A_192 = arith.constant 0 : i32
      %add3A_193 = arith.addi %add3A_192, %mul3A_191 : i32
      %add3A_194 = arith.constant 0 : i32
      %add3A_195 = arith.addi %add3A_193, %add3A_194 : i32
      %dma_wait3A_196 = arith.constant 0 : i32
      %dma_wait3A_197 = tpu.memref_slice %arg7[%add3A_195, %dma_wait3A_196] : memref<40x64xi32, #tpu.memory_space<vmem>> -> memref<1x64xi32, #tpu.memory_space<vmem>>
      %dma_wait3A_198 = tpu.memref_squeeze %dma_wait3A_197 : memref<1x64xi32, #tpu.memory_space<vmem>> -> memref<64xi32, #tpu.memory_space<vmem>>
      %dma_wait3A_199 = arith.constant 0 : i32
      %dma_wait3A_200 = arith.constant 0 : i32
      %dma_wait3A_201 = tpu.memref_slice %arg2[%dma_wait3A_199, %dma_wait3A_200] : memref<10000x128xf32, #tpu.memory_space<hbm>> -> memref<10000x128xf32, #tpu.memory_space<hbm>>
      tpu.wait_indirect_dma semaphore(%arg13 : memref<!tpu.dma_semaphore, #tpu.memory_space<semaphore_mem>>) src(%dma_wait3A_201 : memref<10000x128xf32, #tpu.memory_space<hbm>>) dst(%arg9 : memref<64x128xf32, #tpu.memory_space<vmem>>)
      %dma_start3A_202 = arith.constant 0 : i32
      %dma_start3A_203 = tpu.memref_slice %arg8[%add3A_195, %dma_start3A_202] : memref<40x64xi32, #tpu.memory_space<vmem>> -> memref<1x64xi32, #tpu.memory_space<vmem>>
      %dma_start3A_204 = tpu.memref_squeeze %dma_start3A_203 : memref<1x64xi32, #tpu.memory_space<vmem>> -> memref<64xi32, #tpu.memory_space<vmem>>
      %dma_start3A_205 = arith.constant 0 : i32
      %dma_start3A_206 = arith.constant 0 : i32
      %dma_start3A_207 = tpu.memref_slice %arg21[%dma_start3A_205, %dma_start3A_206] : memref<10240x128xf32, #tpu.memory_space<vmem_shared>> -> memref<10240x128xf32, #tpu.memory_space<vmem_shared>>
      tpu.enqueue_indirect_dma source(%arg9 : memref<64x128xf32, #tpu.memory_space<vmem>>) target(%dma_start3A_207 : memref<10240x128xf32, #tpu.memory_space<vmem_shared>>) offsets(%dma_start3A_204 : memref<64xi32, #tpu.memory_space<vmem>>) semaphore(%arg17 : memref<!tpu.dma_semaphore, #tpu.memory_space<semaphore_mem>>) {add = true}
      %add3A_208 = arith.constant 2 : i32
      %add3A_209 = arith.addi %add3A_195, %add3A_208 : i32
      %lt3A = arith.constant 40 : i32
      %lt3A_210 = arith.cmpi slt, %add3A_209, %lt3A : i32
      %convert_element_type3A = arith.extui %lt3A_210 : i1 to i32
      %cond3A = arith.constant 0 : i32
      %cond3A_211 = arith.cmpi ne, %convert_element_type3A, %cond3A : i32
      scf.if %cond3A_211 {
        %ge3A = arith.constant 2 : i32
        %ge3A_275 = arith.cmpi sge, %add3A_195, %ge3A : i32
        %convert_element_type3A_276 = arith.extui %ge3A_275 : i1 to i32
        %cond3A_277 = arith.constant 0 : i32
        %cond3A_278 = arith.cmpi ne, %convert_element_type3A_276, %cond3A_277 : i32
        scf.if %cond3A_278 {
          %sub3A = arith.constant 2 : i32
          %sub3A_287 = arith.subi %add3A_195, %sub3A : i32
          %dma_wait3A_288 = arith.constant 0 : i32
          %dma_wait3A_289 = tpu.memref_slice %arg8[%sub3A_287, %dma_wait3A_288] : memref<40x64xi32, #tpu.memory_space<vmem>> -> memref<1x64xi32, #tpu.memory_space<vmem>>
          %dma_wait3A_290 = tpu.memref_squeeze %dma_wait3A_289 : memref<1x64xi32, #tpu.memory_space<vmem>> -> memref<64xi32, #tpu.memory_space<vmem>>
          %dma_wait3A_291 = arith.constant 0 : i32
          %dma_wait3A_292 = arith.constant 0 : i32
          %dma_wait3A_293 = tpu.memref_slice %arg21[%dma_wait3A_291, %dma_wait3A_292] : memref<10240x128xf32, #tpu.memory_space<vmem_shared>> -> memref<10240x128xf32, #tpu.memory_space<vmem_shared>>
          tpu.wait_indirect_dma semaphore(%arg19 : memref<!tpu.dma_semaphore, #tpu.memory_space<semaphore_mem>>) src(%arg11 : memref<64x128xf32, #tpu.memory_space<vmem>>) dst(%dma_wait3A_293 : memref<10240x128xf32, #tpu.memory_space<vmem_shared>>)
        } else {
        }
        %add3A_279 = arith.constant 2 : i32
        %add3A_280 = arith.addi %add3A_195, %add3A_279 : i32
        %dma_start3A_281 = arith.constant 0 : i32
        %dma_start3A_282 = tpu.memref_slice %arg7[%add3A_280, %dma_start3A_281] : memref<40x64xi32, #tpu.memory_space<vmem>> -> memref<1x64xi32, #tpu.memory_space<vmem>>
        %dma_start3A_283 = tpu.memref_squeeze %dma_start3A_282 : memref<1x64xi32, #tpu.memory_space<vmem>> -> memref<64xi32, #tpu.memory_space<vmem>>
        %dma_start3A_284 = arith.constant 0 : i32
        %dma_start3A_285 = arith.constant 0 : i32
        %dma_start3A_286 = tpu.memref_slice %arg2[%dma_start3A_284, %dma_start3A_285] : memref<10000x128xf32, #tpu.memory_space<hbm>> -> memref<10000x128xf32, #tpu.memory_space<hbm>>
        tpu.enqueue_indirect_dma source(%dma_start3A_286 : memref<10000x128xf32, #tpu.memory_space<hbm>>) target(%arg11 : memref<64x128xf32, #tpu.memory_space<vmem>>) offsets(%dma_start3A_283 : memref<64xi32, #tpu.memory_space<vmem>>) semaphore(%arg15 : memref<!tpu.dma_semaphore, #tpu.memory_space<semaphore_mem>>)
      } else {
      }
      %add3A_212 = arith.constant 1 : i32
      %add3A_213 = arith.addi %add3A_193, %add3A_212 : i32
      %dma_wait3A_214 = arith.constant 0 : i32
      %dma_wait3A_215 = tpu.memref_slice %arg7[%add3A_213, %dma_wait3A_214] : memref<40x64xi32, #tpu.memory_space<vmem>> -> memref<1x64xi32, #tpu.memory_space<vmem>>
      %dma_wait3A_216 = tpu.memref_squeeze %dma_wait3A_215 : memref<1x64xi32, #tpu.memory_space<vmem>> -> memref<64xi32, #tpu.memory_space<vmem>>
      %dma_wait3A_217 = arith.constant 0 : i32
      %dma_wait3A_218 = arith.constant 0 : i32
      %dma_wait3A_219 = tpu.memref_slice %arg2[%dma_wait3A_217, %dma_wait3A_218] : memref<10000x128xf32, #tpu.memory_space<hbm>> -> memref<10000x128xf32, #tpu.memory_space<hbm>>
      tpu.wait_indirect_dma semaphore(%arg14 : memref<!tpu.dma_semaphore, #tpu.memory_space<semaphore_mem>>) src(%dma_wait3A_219 : memref<10000x128xf32, #tpu.memory_space<hbm>>) dst(%arg10 : memref<64x128xf32, #tpu.memory_space<vmem>>)
      %dma_start3A_220 = arith.constant 0 : i32
      %dma_start3A_221 = tpu.memref_slice %arg8[%add3A_213, %dma_start3A_220] : memref<40x64xi32, #tpu.memory_space<vmem>> -> memref<1x64xi32, #tpu.memory_space<vmem>>
      %dma_start3A_222 = tpu.memref_squeeze %dma_start3A_221 : memref<1x64xi32, #tpu.memory_space<vmem>> -> memref<64xi32, #tpu.memory_space<vmem>>
      %dma_start3A_223 = arith.constant 0 : i32
      %dma_start3A_224 = arith.constant 0 : i32
      %dma_start3A_225 = tpu.memref_slice %arg21[%dma_start3A_223, %dma_start3A_224] : memref<10240x128xf32, #tpu.memory_space<vmem_shared>> -> memref<10240x128xf32, #tpu.memory_space<vmem_shared>>
      tpu.enqueue_indirect_dma source(%arg10 : memref<64x128xf32, #tpu.memory_space<vmem>>) target(%dma_start3A_225 : memref<10240x128xf32, #tpu.memory_space<vmem_shared>>) offsets(%dma_start3A_222 : memref<64xi32, #tpu.memory_space<vmem>>) semaphore(%arg18 : memref<!tpu.dma_semaphore, #tpu.memory_space<semaphore_mem>>) {add = true}
      %add3A_226 = arith.constant 2 : i32
      %add3A_227 = arith.addi %add3A_213, %add3A_226 : i32
      %lt3A_228 = arith.constant 40 : i32
      %lt3A_229 = arith.cmpi slt, %add3A_227, %lt3A_228 : i32
      %convert_element_type3A_230 = arith.extui %lt3A_229 : i1 to i32
      %cond3A_231 = arith.constant 0 : i32
      %cond3A_232 = arith.cmpi ne, %convert_element_type3A_230, %cond3A_231 : i32
      scf.if %cond3A_232 {
        %ge3A = arith.constant 2 : i32
        %ge3A_275 = arith.cmpi sge, %add3A_213, %ge3A : i32
        %convert_element_type3A_276 = arith.extui %ge3A_275 : i1 to i32
        %cond3A_277 = arith.constant 0 : i32
        %cond3A_278 = arith.cmpi ne, %convert_element_type3A_276, %cond3A_277 : i32
        scf.if %cond3A_278 {
          %sub3A = arith.constant 2 : i32
          %sub3A_287 = arith.subi %add3A_213, %sub3A : i32
          %dma_wait3A_288 = arith.constant 0 : i32
          %dma_wait3A_289 = tpu.memref_slice %arg8[%sub3A_287, %dma_wait3A_288] : memref<40x64xi32, #tpu.memory_space<vmem>> -> memref<1x64xi32, #tpu.memory_space<vmem>>
          %dma_wait3A_290 = tpu.memref_squeeze %dma_wait3A_289 : memref<1x64xi32, #tpu.memory_space<vmem>> -> memref<64xi32, #tpu.memory_space<vmem>>
          %dma_wait3A_291 = arith.constant 0 : i32
          %dma_wait3A_292 = arith.constant 0 : i32
          %dma_wait3A_293 = tpu.memref_slice %arg21[%dma_wait3A_291, %dma_wait3A_292] : memref<10240x128xf32, #tpu.memory_space<vmem_shared>> -> memref<10240x128xf32, #tpu.memory_space<vmem_shared>>
          tpu.wait_indirect_dma semaphore(%arg20 : memref<!tpu.dma_semaphore, #tpu.memory_space<semaphore_mem>>) src(%arg12 : memref<64x128xf32, #tpu.memory_space<vmem>>) dst(%dma_wait3A_293 : memref<10240x128xf32, #tpu.memory_space<vmem_shared>>)
        } else {
        }
        %add3A_279 = arith.constant 2 : i32
        %add3A_280 = arith.addi %add3A_213, %add3A_279 : i32
        %dma_start3A_281 = arith.constant 0 : i32
        %dma_start3A_282 = tpu.memref_slice %arg7[%add3A_280, %dma_start3A_281] : memref<40x64xi32, #tpu.memory_space<vmem>> -> memref<1x64xi32, #tpu.memory_space<vmem>>
        %dma_start3A_283 = tpu.memref_squeeze %dma_start3A_282 : memref<1x64xi32, #tpu.memory_space<vmem>> -> memref<64xi32, #tpu.memory_space<vmem>>
        %dma_start3A_284 = arith.constant 0 : i32
        %dma_start3A_285 = arith.constant 0 : i32
        %dma_start3A_286 = tpu.memref_slice %arg2[%dma_start3A_284, %dma_start3A_285] : memref<10000x128xf32, #tpu.memory_space<hbm>> -> memref<10000x128xf32, #tpu.memory_space<hbm>>
        tpu.enqueue_indirect_dma source(%dma_start3A_286 : memref<10000x128xf32, #tpu.memory_space<hbm>>) target(%arg12 : memref<64x128xf32, #tpu.memory_space<vmem>>) offsets(%dma_start3A_283 : memref<64xi32, #tpu.memory_space<vmem>>) semaphore(%arg16 : memref<!tpu.dma_semaphore, #tpu.memory_space<semaphore_mem>>)
      } else {
      }
      %add3A_233 = arith.constant 2 : i32
      %add3A_234 = arith.addi %add3A_193, %add3A_233 : i32
      %dma_wait3A_235 = arith.constant 0 : i32
      %dma_wait3A_236 = tpu.memref_slice %arg7[%add3A_234, %dma_wait3A_235] : memref<40x64xi32, #tpu.memory_space<vmem>> -> memref<1x64xi32, #tpu.memory_space<vmem>>
      %dma_wait3A_237 = tpu.memref_squeeze %dma_wait3A_236 : memref<1x64xi32, #tpu.memory_space<vmem>> -> memref<64xi32, #tpu.memory_space<vmem>>
      %dma_wait3A_238 = arith.constant 0 : i32
      %dma_wait3A_239 = arith.constant 0 : i32
      %dma_wait3A_240 = tpu.memref_slice %arg2[%dma_wait3A_238, %dma_wait3A_239] : memref<10000x128xf32, #tpu.memory_space<hbm>> -> memref<10000x128xf32, #tpu.memory_space<hbm>>
      tpu.wait_indirect_dma semaphore(%arg15 : memref<!tpu.dma_semaphore, #tpu.memory_space<semaphore_mem>>) src(%dma_wait3A_240 : memref<10000x128xf32, #tpu.memory_space<hbm>>) dst(%arg11 : memref<64x128xf32, #tpu.memory_space<vmem>>)
      %dma_start3A_241 = arith.constant 0 : i32
      %dma_start3A_242 = tpu.memref_slice %arg8[%add3A_234, %dma_start3A_241] : memref<40x64xi32, #tpu.memory_space<vmem>> -> memref<1x64xi32, #tpu.memory_space<vmem>>
      %dma_start3A_243 = tpu.memref_squeeze %dma_start3A_242 : memref<1x64xi32, #tpu.memory_space<vmem>> -> memref<64xi32, #tpu.memory_space<vmem>>
      %dma_start3A_244 = arith.constant 0 : i32
      %dma_start3A_245 = arith.constant 0 : i32
      %dma_start3A_246 = tpu.memref_slice %arg21[%dma_start3A_244, %dma_start3A_245] : memref<10240x128xf32, #tpu.memory_space<vmem_shared>> -> memref<10240x128xf32, #tpu.memory_space<vmem_shared>>
      tpu.enqueue_indirect_dma source(%arg11 : memref<64x128xf32, #tpu.memory_space<vmem>>) target(%dma_start3A_246 : memref<10240x128xf32, #tpu.memory_space<vmem_shared>>) offsets(%dma_start3A_243 : memref<64xi32, #tpu.memory_space<vmem>>) semaphore(%arg19 : memref<!tpu.dma_semaphore, #tpu.memory_space<semaphore_mem>>) {add = true}
      %add3A_247 = arith.constant 2 : i32
      %add3A_248 = arith.addi %add3A_234, %add3A_247 : i32
      %lt3A_249 = arith.constant 40 : i32
      %lt3A_250 = arith.cmpi slt, %add3A_248, %lt3A_249 : i32
      %convert_element_type3A_251 = arith.extui %lt3A_250 : i1 to i32
      %cond3A_252 = arith.constant 0 : i32
      %cond3A_253 = arith.cmpi ne, %convert_element_type3A_251, %cond3A_252 : i32
      scf.if %cond3A_253 {
        %ge3A = arith.constant 2 : i32
        %ge3A_275 = arith.cmpi sge, %add3A_234, %ge3A : i32
        %convert_element_type3A_276 = arith.extui %ge3A_275 : i1 to i32
        %cond3A_277 = arith.constant 0 : i32
        %cond3A_278 = arith.cmpi ne, %convert_element_type3A_276, %cond3A_277 : i32
        scf.if %cond3A_278 {
          %sub3A = arith.constant 2 : i32
          %sub3A_287 = arith.subi %add3A_234, %sub3A : i32
          %dma_wait3A_288 = arith.constant 0 : i32
          %dma_wait3A_289 = tpu.memref_slice %arg8[%sub3A_287, %dma_wait3A_288] : memref<40x64xi32, #tpu.memory_space<vmem>> -> memref<1x64xi32, #tpu.memory_space<vmem>>
          %dma_wait3A_290 = tpu.memref_squeeze %dma_wait3A_289 : memref<1x64xi32, #tpu.memory_space<vmem>> -> memref<64xi32, #tpu.memory_space<vmem>>
          %dma_wait3A_291 = arith.constant 0 : i32
          %dma_wait3A_292 = arith.constant 0 : i32
          %dma_wait3A_293 = tpu.memref_slice %arg21[%dma_wait3A_291, %dma_wait3A_292] : memref<10240x128xf32, #tpu.memory_space<vmem_shared>> -> memref<10240x128xf32, #tpu.memory_space<vmem_shared>>
          tpu.wait_indirect_dma semaphore(%arg17 : memref<!tpu.dma_semaphore, #tpu.memory_space<semaphore_mem>>) src(%arg9 : memref<64x128xf32, #tpu.memory_space<vmem>>) dst(%dma_wait3A_293 : memref<10240x128xf32, #tpu.memory_space<vmem_shared>>)
        } else {
        }
        %add3A_279 = arith.constant 2 : i32
        %add3A_280 = arith.addi %add3A_234, %add3A_279 : i32
        %dma_start3A_281 = arith.constant 0 : i32
        %dma_start3A_282 = tpu.memref_slice %arg7[%add3A_280, %dma_start3A_281] : memref<40x64xi32, #tpu.memory_space<vmem>> -> memref<1x64xi32, #tpu.memory_space<vmem>>
        %dma_start3A_283 = tpu.memref_squeeze %dma_start3A_282 : memref<1x64xi32, #tpu.memory_space<vmem>> -> memref<64xi32, #tpu.memory_space<vmem>>
        %dma_start3A_284 = arith.constant 0 : i32
        %dma_start3A_285 = arith.constant 0 : i32
        %dma_start3A_286 = tpu.memref_slice %arg2[%dma_start3A_284, %dma_start3A_285] : memref<10000x128xf32, #tpu.memory_space<hbm>> -> memref<10000x128xf32, #tpu.memory_space<hbm>>
        tpu.enqueue_indirect_dma source(%dma_start3A_286 : memref<10000x128xf32, #tpu.memory_space<hbm>>) target(%arg9 : memref<64x128xf32, #tpu.memory_space<vmem>>) offsets(%dma_start3A_283 : memref<64xi32, #tpu.memory_space<vmem>>) semaphore(%arg13 : memref<!tpu.dma_semaphore, #tpu.memory_space<semaphore_mem>>)
      } else {
      }
      %add3A_254 = arith.constant 3 : i32
      %add3A_255 = arith.addi %add3A_193, %add3A_254 : i32
      %dma_wait3A_256 = arith.constant 0 : i32
      %dma_wait3A_257 = tpu.memref_slice %arg7[%add3A_255, %dma_wait3A_256] : memref<40x64xi32, #tpu.memory_space<vmem>> -> memref<1x64xi32, #tpu.memory_space<vmem>>
      %dma_wait3A_258 = tpu.memref_squeeze %dma_wait3A_257 : memref<1x64xi32, #tpu.memory_space<vmem>> -> memref<64xi32, #tpu.memory_space<vmem>>
      %dma_wait3A_259 = arith.constant 0 : i32
      %dma_wait3A_260 = arith.constant 0 : i32
      %dma_wait3A_261 = tpu.memref_slice %arg2[%dma_wait3A_259, %dma_wait3A_260] : memref<10000x128xf32, #tpu.memory_space<hbm>> -> memref<10000x128xf32, #tpu.memory_space<hbm>>
      tpu.wait_indirect_dma semaphore(%arg16 : memref<!tpu.dma_semaphore, #tpu.memory_space<semaphore_mem>>) src(%dma_wait3A_261 : memref<10000x128xf32, #tpu.memory_space<hbm>>) dst(%arg12 : memref<64x128xf32, #tpu.memory_space<vmem>>)
      %dma_start3A_262 = arith.constant 0 : i32
      %dma_start3A_263 = tpu.memref_slice %arg8[%add3A_255, %dma_start3A_262] : memref<40x64xi32, #tpu.memory_space<vmem>> -> memref<1x64xi32, #tpu.memory_space<vmem>>
      %dma_start3A_264 = tpu.memref_squeeze %dma_start3A_263 : memref<1x64xi32, #tpu.memory_space<vmem>> -> memref<64xi32, #tpu.memory_space<vmem>>
      %dma_start3A_265 = arith.constant 0 : i32
      %dma_start3A_266 = arith.constant 0 : i32
      %dma_start3A_267 = tpu.memref_slice %arg21[%dma_start3A_265, %dma_start3A_266] : memref<10240x128xf32, #tpu.memory_space<vmem_shared>> -> memref<10240x128xf32, #tpu.memory_space<vmem_shared>>
      tpu.enqueue_indirect_dma source(%arg12 : memref<64x128xf32, #tpu.memory_space<vmem>>) target(%dma_start3A_267 : memref<10240x128xf32, #tpu.memory_space<vmem_shared>>) offsets(%dma_start3A_264 : memref<64xi32, #tpu.memory_space<vmem>>) semaphore(%arg20 : memref<!tpu.dma_semaphore, #tpu.memory_space<semaphore_mem>>) {add = true}
      %add3A_268 = arith.constant 2 : i32
      %add3A_269 = arith.addi %add3A_255, %add3A_268 : i32
      %lt3A_270 = arith.constant 40 : i32
      %lt3A_271 = arith.cmpi slt, %add3A_269, %lt3A_270 : i32
      %convert_element_type3A_272 = arith.extui %lt3A_271 : i1 to i32
      %cond3A_273 = arith.constant 0 : i32
      %cond3A_274 = arith.cmpi ne, %convert_element_type3A_272, %cond3A_273 : i32
      scf.if %cond3A_274 {
        %ge3A = arith.constant 2 : i32
        %ge3A_275 = arith.cmpi sge, %add3A_255, %ge3A : i32
        %convert_element_type3A_276 = arith.extui %ge3A_275 : i1 to i32
        %cond3A_277 = arith.constant 0 : i32
        %cond3A_278 = arith.cmpi ne, %convert_element_type3A_276, %cond3A_277 : i32
        scf.if %cond3A_278 {
          %sub3A = arith.constant 2 : i32
          %sub3A_287 = arith.subi %add3A_255, %sub3A : i32
          %dma_wait3A_288 = arith.constant 0 : i32
          %dma_wait3A_289 = tpu.memref_slice %arg8[%sub3A_287, %dma_wait3A_288] : memref<40x64xi32, #tpu.memory_space<vmem>> -> memref<1x64xi32, #tpu.memory_space<vmem>>
          %dma_wait3A_290 = tpu.memref_squeeze %dma_wait3A_289 : memref<1x64xi32, #tpu.memory_space<vmem>> -> memref<64xi32, #tpu.memory_space<vmem>>
          %dma_wait3A_291 = arith.constant 0 : i32
          %dma_wait3A_292 = arith.constant 0 : i32
          %dma_wait3A_293 = tpu.memref_slice %arg21[%dma_wait3A_291, %dma_wait3A_292] : memref<10240x128xf32, #tpu.memory_space<vmem_shared>> -> memref<10240x128xf32, #tpu.memory_space<vmem_shared>>
          tpu.wait_indirect_dma semaphore(%arg18 : memref<!tpu.dma_semaphore, #tpu.memory_space<semaphore_mem>>) src(%arg10 : memref<64x128xf32, #tpu.memory_space<vmem>>) dst(%dma_wait3A_293 : memref<10240x128xf32, #tpu.memory_space<vmem_shared>>)
        } else {
        }
        %add3A_279 = arith.constant 2 : i32
        %add3A_280 = arith.addi %add3A_255, %add3A_279 : i32
        %dma_start3A_281 = arith.constant 0 : i32
        %dma_start3A_282 = tpu.memref_slice %arg7[%add3A_280, %dma_start3A_281] : memref<40x64xi32, #tpu.memory_space<vmem>> -> memref<1x64xi32, #tpu.memory_space<vmem>>
        %dma_start3A_283 = tpu.memref_squeeze %dma_start3A_282 : memref<1x64xi32, #tpu.memory_space<vmem>> -> memref<64xi32, #tpu.memory_space<vmem>>
        %dma_start3A_284 = arith.constant 0 : i32
        %dma_start3A_285 = arith.constant 0 : i32
        %dma_start3A_286 = tpu.memref_slice %arg2[%dma_start3A_284, %dma_start3A_285] : memref<10000x128xf32, #tpu.memory_space<hbm>> -> memref<10000x128xf32, #tpu.memory_space<hbm>>
        tpu.enqueue_indirect_dma source(%dma_start3A_286 : memref<10000x128xf32, #tpu.memory_space<hbm>>) target(%arg10 : memref<64x128xf32, #tpu.memory_space<vmem>>) offsets(%dma_start3A_283 : memref<64xi32, #tpu.memory_space<vmem>>) semaphore(%arg14 : memref<!tpu.dma_semaphore, #tpu.memory_space<semaphore_mem>>)
      } else {
      }
    }
    %scan3A_65 = arith.constant 10 : i32
    %dma_wait3A_66 = arith.constant 36 : i32
    %dma_wait3A_67 = arith.constant 0 : i32
    %dma_wait3A_68 = tpu.memref_slice %arg8[%dma_wait3A_66, %dma_wait3A_67] : memref<40x64xi32, #tpu.memory_space<vmem>> -> memref<1x64xi32, #tpu.memory_space<vmem>>
    %dma_wait3A_69 = tpu.memref_squeeze %dma_wait3A_68 : memref<1x64xi32, #tpu.memory_space<vmem>> -> memref<64xi32, #tpu.memory_space<vmem>>
    %dma_wait3A_70 = arith.constant 0 : i32
    %dma_wait3A_71 = arith.constant 0 : i32
    %dma_wait3A_72 = tpu.memref_slice %arg21[%dma_wait3A_70, %dma_wait3A_71] : memref<10240x128xf32, #tpu.memory_space<vmem_shared>> -> memref<10240x128xf32, #tpu.memory_space<vmem_shared>>
    tpu.wait_indirect_dma semaphore(%arg17 : memref<!tpu.dma_semaphore, #tpu.memory_space<semaphore_mem>>) src(%arg9 : memref<64x128xf32, #tpu.memory_space<vmem>>) dst(%dma_wait3A_72 : memref<10240x128xf32, #tpu.memory_space<vmem_shared>>)
    %dma_wait3A_73 = arith.constant 37 : i32
    %dma_wait3A_74 = arith.constant 0 : i32
    %dma_wait3A_75 = tpu.memref_slice %arg8[%dma_wait3A_73, %dma_wait3A_74] : memref<40x64xi32, #tpu.memory_space<vmem>> -> memref<1x64xi32, #tpu.memory_space<vmem>>
    %dma_wait3A_76 = tpu.memref_squeeze %dma_wait3A_75 : memref<1x64xi32, #tpu.memory_space<vmem>> -> memref<64xi32, #tpu.memory_space<vmem>>
    %dma_wait3A_77 = arith.constant 0 : i32
    %dma_wait3A_78 = arith.constant 0 : i32
    %dma_wait3A_79 = tpu.memref_slice %arg21[%dma_wait3A_77, %dma_wait3A_78] : memref<10240x128xf32, #tpu.memory_space<vmem_shared>> -> memref<10240x128xf32, #tpu.memory_space<vmem_shared>>
    tpu.wait_indirect_dma semaphore(%arg18 : memref<!tpu.dma_semaphore, #tpu.memory_space<semaphore_mem>>) src(%arg10 : memref<64x128xf32, #tpu.memory_space<vmem>>) dst(%dma_wait3A_79 : memref<10240x128xf32, #tpu.memory_space<vmem_shared>>)
    %dma_wait3A_80 = arith.constant 38 : i32
    %dma_wait3A_81 = arith.constant 0 : i32
    %dma_wait3A_82 = tpu.memref_slice %arg8[%dma_wait3A_80, %dma_wait3A_81] : memref<40x64xi32, #tpu.memory_space<vmem>> -> memref<1x64xi32, #tpu.memory_space<vmem>>
    %dma_wait3A_83 = tpu.memref_squeeze %dma_wait3A_82 : memref<1x64xi32, #tpu.memory_space<vmem>> -> memref<64xi32, #tpu.memory_space<vmem>>
    %dma_wait3A_84 = arith.constant 0 : i32
    %dma_wait3A_85 = arith.constant 0 : i32
    %dma_wait3A_86 = tpu.memref_slice %arg21[%dma_wait3A_84, %dma_wait3A_85] : memref<10240x128xf32, #tpu.memory_space<vmem_shared>> -> memref<10240x128xf32, #tpu.memory_space<vmem_shared>>
    tpu.wait_indirect_dma semaphore(%arg19 : memref<!tpu.dma_semaphore, #tpu.memory_space<semaphore_mem>>) src(%arg11 : memref<64x128xf32, #tpu.memory_space<vmem>>) dst(%dma_wait3A_86 : memref<10240x128xf32, #tpu.memory_space<vmem_shared>>)
    %dma_wait3A_87 = arith.constant 39 : i32
    %dma_wait3A_88 = arith.constant 0 : i32
    %dma_wait3A_89 = tpu.memref_slice %arg8[%dma_wait3A_87, %dma_wait3A_88] : memref<40x64xi32, #tpu.memory_space<vmem>> -> memref<1x64xi32, #tpu.memory_space<vmem>>
    %dma_wait3A_90 = tpu.memref_squeeze %dma_wait3A_89 : memref<1x64xi32, #tpu.memory_space<vmem>> -> memref<64xi32, #tpu.memory_space<vmem>>
    %dma_wait3A_91 = arith.constant 0 : i32
    %dma_wait3A_92 = arith.constant 0 : i32
    %dma_wait3A_93 = tpu.memref_slice %arg21[%dma_wait3A_91, %dma_wait3A_92] : memref<10240x128xf32, #tpu.memory_space<vmem_shared>> -> memref<10240x128xf32, #tpu.memory_space<vmem_shared>>
    tpu.wait_indirect_dma semaphore(%arg20 : memref<!tpu.dma_semaphore, #tpu.memory_space<semaphore_mem>>) src(%arg12 : memref<64x128xf32, #tpu.memory_space<vmem>>) dst(%dma_wait3A_93 : memref<10240x128xf32, #tpu.memory_space<vmem_shared>>)
    "tpu.region"() ({
      %run_scoped3A = tpu.sem_alloc : memref<!tpu.dma_semaphore, #tpu.memory_space<semaphore_mem>>
      %dma_start3A_189 = arith.constant 80 : i32
      %dma_start3A_190 = arith.constant 0 : i32
      %dma_start3A_191 = tpu.memref_slice %arg3[%add3A, %dma_start3A_189, %dma_start3A_190] : memref<32x160x64xi32, #tpu.memory_space<hbm>> -> memref<1x40x64xi32, #tpu.memory_space<hbm>>
      %dma_start3A_192 = tpu.memref_squeeze %dma_start3A_191 : memref<1x40x64xi32, #tpu.memory_space<hbm>> -> memref<40x64xi32, #tpu.memory_space<hbm>>
      %dma_start3A_193 = arith.constant 80 : i32
      %dma_start3A_194 = arith.constant 0 : i32
      %dma_start3A_195 = tpu.memref_slice %arg3[%add3A, %dma_start3A_193, %dma_start3A_194] : memref<32x160x64xi32, #tpu.memory_space<hbm>> -> memref<1x40x64xi32, #tpu.memory_space<hbm>>
      %dma_start3A_196 = tpu.memref_squeeze %dma_start3A_195 : memref<1x40x64xi32, #tpu.memory_space<hbm>> -> memref<40x64xi32, #tpu.memory_space<hbm>>
      tpu.enqueue_dma source(%dma_start3A_196 : memref<40x64xi32, #tpu.memory_space<hbm>>) target(%arg7 : memref<40x64xi32, #tpu.memory_space<vmem>>) target_semaphore(%run_scoped3A : memref<!tpu.dma_semaphore, #tpu.memory_space<semaphore_mem>>)
      %dma_wait3A_197 = arith.constant 80 : i32
      %dma_wait3A_198 = arith.constant 0 : i32
      %dma_wait3A_199 = tpu.memref_slice %arg3[%add3A, %dma_wait3A_197, %dma_wait3A_198] : memref<32x160x64xi32, #tpu.memory_space<hbm>> -> memref<1x40x64xi32, #tpu.memory_space<hbm>>
      %dma_wait3A_200 = tpu.memref_squeeze %dma_wait3A_199 : memref<1x40x64xi32, #tpu.memory_space<hbm>> -> memref<40x64xi32, #tpu.memory_space<hbm>>
      %dma_wait3A_201 = arith.constant 80 : i32
      %dma_wait3A_202 = arith.constant 0 : i32
      %dma_wait3A_203 = tpu.memref_slice %arg3[%add3A, %dma_wait3A_201, %dma_wait3A_202] : memref<32x160x64xi32, #tpu.memory_space<hbm>> -> memref<1x40x64xi32, #tpu.memory_space<hbm>>
      %dma_wait3A_204 = tpu.memref_squeeze %dma_wait3A_203 : memref<1x40x64xi32, #tpu.memory_space<hbm>> -> memref<40x64xi32, #tpu.memory_space<hbm>>
      tpu.wait_dma2 semaphore(%run_scoped3A : memref<!tpu.dma_semaphore, #tpu.memory_space<semaphore_mem>>) src(%dma_wait3A_204 : memref<40x64xi32, #tpu.memory_space<hbm>>) dst(%arg7 : memref<40x64xi32, #tpu.memory_space<vmem>>)
      tpu.yield
    }) : () -> ()
    "tpu.region"() ({
      %run_scoped3A = tpu.sem_alloc : memref<!tpu.dma_semaphore, #tpu.memory_space<semaphore_mem>>
      %dma_start3A_189 = arith.constant 80 : i32
      %dma_start3A_190 = arith.constant 0 : i32
      %dma_start3A_191 = tpu.memref_slice %arg4[%add3A, %dma_start3A_189, %dma_start3A_190] : memref<32x160x64xi32, #tpu.memory_space<hbm>> -> memref<1x40x64xi32, #tpu.memory_space<hbm>>
      %dma_start3A_192 = tpu.memref_squeeze %dma_start3A_191 : memref<1x40x64xi32, #tpu.memory_space<hbm>> -> memref<40x64xi32, #tpu.memory_space<hbm>>
      %dma_start3A_193 = arith.constant 80 : i32
      %dma_start3A_194 = arith.constant 0 : i32
      %dma_start3A_195 = tpu.memref_slice %arg4[%add3A, %dma_start3A_193, %dma_start3A_194] : memref<32x160x64xi32, #tpu.memory_space<hbm>> -> memref<1x40x64xi32, #tpu.memory_space<hbm>>
      %dma_start3A_196 = tpu.memref_squeeze %dma_start3A_195 : memref<1x40x64xi32, #tpu.memory_space<hbm>> -> memref<40x64xi32, #tpu.memory_space<hbm>>
      tpu.enqueue_dma source(%dma_start3A_196 : memref<40x64xi32, #tpu.memory_space<hbm>>) target(%arg8 : memref<40x64xi32, #tpu.memory_space<vmem>>) target_semaphore(%run_scoped3A : memref<!tpu.dma_semaphore, #tpu.memory_space<semaphore_mem>>)
      %dma_wait3A_197 = arith.constant 80 : i32
      %dma_wait3A_198 = arith.constant 0 : i32
      %dma_wait3A_199 = tpu.memref_slice %arg4[%add3A, %dma_wait3A_197, %dma_wait3A_198] : memref<32x160x64xi32, #tpu.memory_space<hbm>> -> memref<1x40x64xi32, #tpu.memory_space<hbm>>
      %dma_wait3A_200 = tpu.memref_squeeze %dma_wait3A_199 : memref<1x40x64xi32, #tpu.memory_space<hbm>> -> memref<40x64xi32, #tpu.memory_space<hbm>>
      %dma_wait3A_201 = arith.constant 80 : i32
      %dma_wait3A_202 = arith.constant 0 : i32
      %dma_wait3A_203 = tpu.memref_slice %arg4[%add3A, %dma_wait3A_201, %dma_wait3A_202] : memref<32x160x64xi32, #tpu.memory_space<hbm>> -> memref<1x40x64xi32, #tpu.memory_space<hbm>>
      %dma_wait3A_204 = tpu.memref_squeeze %dma_wait3A_203 : memref<1x40x64xi32, #tpu.memory_space<hbm>> -> memref<40x64xi32, #tpu.memory_space<hbm>>
      tpu.wait_dma2 semaphore(%run_scoped3A : memref<!tpu.dma_semaphore, #tpu.memory_space<semaphore_mem>>) src(%dma_wait3A_204 : memref<40x64xi32, #tpu.memory_space<hbm>>) dst(%arg8 : memref<40x64xi32, #tpu.memory_space<vmem>>)
      tpu.yield
    }) : () -> ()
    %dma_start3A_94 = arith.constant 0 : i32
    %dma_start3A_95 = arith.constant 0 : i32
    %dma_start3A_96 = tpu.memref_slice %arg7[%dma_start3A_94, %dma_start3A_95] : memref<40x64xi32, #tpu.memory_space<vmem>> -> memref<1x64xi32, #tpu.memory_space<vmem>>
    %dma_start3A_97 = tpu.memref_squeeze %dma_start3A_96 : memref<1x64xi32, #tpu.memory_space<vmem>> -> memref<64xi32, #tpu.memory_space<vmem>>
    %dma_start3A_98 = arith.constant 0 : i32
    %dma_start3A_99 = arith.constant 0 : i32
    %dma_start3A_100 = tpu.memref_slice %arg2[%dma_start3A_98, %dma_start3A_99] : memref<10000x128xf32, #tpu.memory_space<hbm>> -> memref<10000x128xf32, #tpu.memory_space<hbm>>
    tpu.enqueue_indirect_dma source(%dma_start3A_100 : memref<10000x128xf32, #tpu.memory_space<hbm>>) target(%arg9 : memref<64x128xf32, #tpu.memory_space<vmem>>) offsets(%dma_start3A_97 : memref<64xi32, #tpu.memory_space<vmem>>) semaphore(%arg13 : memref<!tpu.dma_semaphore, #tpu.memory_space<semaphore_mem>>)
    %dma_start3A_101 = arith.constant 1 : i32
    %dma_start3A_102 = arith.constant 0 : i32
    %dma_start3A_103 = tpu.memref_slice %arg7[%dma_start3A_101, %dma_start3A_102] : memref<40x64xi32, #tpu.memory_space<vmem>> -> memref<1x64xi32, #tpu.memory_space<vmem>>
    %dma_start3A_104 = tpu.memref_squeeze %dma_start3A_103 : memref<1x64xi32, #tpu.memory_space<vmem>> -> memref<64xi32, #tpu.memory_space<vmem>>
    %dma_start3A_105 = arith.constant 0 : i32
    %dma_start3A_106 = arith.constant 0 : i32
    %dma_start3A_107 = tpu.memref_slice %arg2[%dma_start3A_105, %dma_start3A_106] : memref<10000x128xf32, #tpu.memory_space<hbm>> -> memref<10000x128xf32, #tpu.memory_space<hbm>>
    tpu.enqueue_indirect_dma source(%dma_start3A_107 : memref<10000x128xf32, #tpu.memory_space<hbm>>) target(%arg10 : memref<64x128xf32, #tpu.memory_space<vmem>>) offsets(%dma_start3A_104 : memref<64xi32, #tpu.memory_space<vmem>>) semaphore(%arg14 : memref<!tpu.dma_semaphore, #tpu.memory_space<semaphore_mem>>)
    %scan3A_108 = arith.constant 0 : i32
    %scan3A_109 = arith.constant 10 : i32
    %scan3A_110 = arith.addi %scan3A_108, %scan3A_109 : i32
    %scan3A_111 = arith.constant 1 : i32
    scf.for %scan3A_189 = %scan3A_108 to %scan3A_110 step %scan3A_111  : i32 {
      %mul3A_190 = arith.constant 4 : i32
      %mul3A_191 = arith.muli %scan3A_189, %mul3A_190 : i32
      %add3A_192 = arith.constant 0 : i32
      %add3A_193 = arith.addi %add3A_192, %mul3A_191 : i32
      %add3A_194 = arith.constant 0 : i32
      %add3A_195 = arith.addi %add3A_193, %add3A_194 : i32
      %dma_wait3A_196 = arith.constant 0 : i32
      %dma_wait3A_197 = tpu.memref_slice %arg7[%add3A_195, %dma_wait3A_196] : memref<40x64xi32, #tpu.memory_space<vmem>> -> memref<1x64xi32, #tpu.memory_space<vmem>>
      %dma_wait3A_198 = tpu.memref_squeeze %dma_wait3A_197 : memref<1x64xi32, #tpu.memory_space<vmem>> -> memref<64xi32, #tpu.memory_space<vmem>>
      %dma_wait3A_199 = arith.constant 0 : i32
      %dma_wait3A_200 = arith.constant 0 : i32
      %dma_wait3A_201 = tpu.memref_slice %arg2[%dma_wait3A_199, %dma_wait3A_200] : memref<10000x128xf32, #tpu.memory_space<hbm>> -> memref<10000x128xf32, #tpu.memory_space<hbm>>
      tpu.wait_indirect_dma semaphore(%arg13 : memref<!tpu.dma_semaphore, #tpu.memory_space<semaphore_mem>>) src(%dma_wait3A_201 : memref<10000x128xf32, #tpu.memory_space<hbm>>) dst(%arg9 : memref<64x128xf32, #tpu.memory_space<vmem>>)
      %dma_start3A_202 = arith.constant 0 : i32
      %dma_start3A_203 = tpu.memref_slice %arg8[%add3A_195, %dma_start3A_202] : memref<40x64xi32, #tpu.memory_space<vmem>> -> memref<1x64xi32, #tpu.memory_space<vmem>>
      %dma_start3A_204 = tpu.memref_squeeze %dma_start3A_203 : memref<1x64xi32, #tpu.memory_space<vmem>> -> memref<64xi32, #tpu.memory_space<vmem>>
      %dma_start3A_205 = arith.constant 0 : i32
      %dma_start3A_206 = arith.constant 0 : i32
      %dma_start3A_207 = tpu.memref_slice %arg21[%dma_start3A_205, %dma_start3A_206] : memref<10240x128xf32, #tpu.memory_space<vmem_shared>> -> memref<10240x128xf32, #tpu.memory_space<vmem_shared>>
      tpu.enqueue_indirect_dma source(%arg9 : memref<64x128xf32, #tpu.memory_space<vmem>>) target(%dma_start3A_207 : memref<10240x128xf32, #tpu.memory_space<vmem_shared>>) offsets(%dma_start3A_204 : memref<64xi32, #tpu.memory_space<vmem>>) semaphore(%arg17 : memref<!tpu.dma_semaphore, #tpu.memory_space<semaphore_mem>>) {add = true}
      %add3A_208 = arith.constant 2 : i32
      %add3A_209 = arith.addi %add3A_195, %add3A_208 : i32
      %lt3A = arith.constant 40 : i32
      %lt3A_210 = arith.cmpi slt, %add3A_209, %lt3A : i32
      %convert_element_type3A = arith.extui %lt3A_210 : i1 to i32
      %cond3A = arith.constant 0 : i32
      %cond3A_211 = arith.cmpi ne, %convert_element_type3A, %cond3A : i32
      scf.if %cond3A_211 {
        %ge3A = arith.constant 2 : i32
        %ge3A_275 = arith.cmpi sge, %add3A_195, %ge3A : i32
        %convert_element_type3A_276 = arith.extui %ge3A_275 : i1 to i32
        %cond3A_277 = arith.constant 0 : i32
        %cond3A_278 = arith.cmpi ne, %convert_element_type3A_276, %cond3A_277 : i32
        scf.if %cond3A_278 {
          %sub3A = arith.constant 2 : i32
          %sub3A_287 = arith.subi %add3A_195, %sub3A : i32
          %dma_wait3A_288 = arith.constant 0 : i32
          %dma_wait3A_289 = tpu.memref_slice %arg8[%sub3A_287, %dma_wait3A_288] : memref<40x64xi32, #tpu.memory_space<vmem>> -> memref<1x64xi32, #tpu.memory_space<vmem>>
          %dma_wait3A_290 = tpu.memref_squeeze %dma_wait3A_289 : memref<1x64xi32, #tpu.memory_space<vmem>> -> memref<64xi32, #tpu.memory_space<vmem>>
          %dma_wait3A_291 = arith.constant 0 : i32
          %dma_wait3A_292 = arith.constant 0 : i32
          %dma_wait3A_293 = tpu.memref_slice %arg21[%dma_wait3A_291, %dma_wait3A_292] : memref<10240x128xf32, #tpu.memory_space<vmem_shared>> -> memref<10240x128xf32, #tpu.memory_space<vmem_shared>>
          tpu.wait_indirect_dma semaphore(%arg19 : memref<!tpu.dma_semaphore, #tpu.memory_space<semaphore_mem>>) src(%arg11 : memref<64x128xf32, #tpu.memory_space<vmem>>) dst(%dma_wait3A_293 : memref<10240x128xf32, #tpu.memory_space<vmem_shared>>)
        } else {
        }
        %add3A_279 = arith.constant 2 : i32
        %add3A_280 = arith.addi %add3A_195, %add3A_279 : i32
        %dma_start3A_281 = arith.constant 0 : i32
        %dma_start3A_282 = tpu.memref_slice %arg7[%add3A_280, %dma_start3A_281] : memref<40x64xi32, #tpu.memory_space<vmem>> -> memref<1x64xi32, #tpu.memory_space<vmem>>
        %dma_start3A_283 = tpu.memref_squeeze %dma_start3A_282 : memref<1x64xi32, #tpu.memory_space<vmem>> -> memref<64xi32, #tpu.memory_space<vmem>>
        %dma_start3A_284 = arith.constant 0 : i32
        %dma_start3A_285 = arith.constant 0 : i32
        %dma_start3A_286 = tpu.memref_slice %arg2[%dma_start3A_284, %dma_start3A_285] : memref<10000x128xf32, #tpu.memory_space<hbm>> -> memref<10000x128xf32, #tpu.memory_space<hbm>>
        tpu.enqueue_indirect_dma source(%dma_start3A_286 : memref<10000x128xf32, #tpu.memory_space<hbm>>) target(%arg11 : memref<64x128xf32, #tpu.memory_space<vmem>>) offsets(%dma_start3A_283 : memref<64xi32, #tpu.memory_space<vmem>>) semaphore(%arg15 : memref<!tpu.dma_semaphore, #tpu.memory_space<semaphore_mem>>)
      } else {
      }
      %add3A_212 = arith.constant 1 : i32
      %add3A_213 = arith.addi %add3A_193, %add3A_212 : i32
      %dma_wait3A_214 = arith.constant 0 : i32
      %dma_wait3A_215 = tpu.memref_slice %arg7[%add3A_213, %dma_wait3A_214] : memref<40x64xi32, #tpu.memory_space<vmem>> -> memref<1x64xi32, #tpu.memory_space<vmem>>
      %dma_wait3A_216 = tpu.memref_squeeze %dma_wait3A_215 : memref<1x64xi32, #tpu.memory_space<vmem>> -> memref<64xi32, #tpu.memory_space<vmem>>
      %dma_wait3A_217 = arith.constant 0 : i32
      %dma_wait3A_218 = arith.constant 0 : i32
      %dma_wait3A_219 = tpu.memref_slice %arg2[%dma_wait3A_217, %dma_wait3A_218] : memref<10000x128xf32, #tpu.memory_space<hbm>> -> memref<10000x128xf32, #tpu.memory_space<hbm>>
      tpu.wait_indirect_dma semaphore(%arg14 : memref<!tpu.dma_semaphore, #tpu.memory_space<semaphore_mem>>) src(%dma_wait3A_219 : memref<10000x128xf32, #tpu.memory_space<hbm>>) dst(%arg10 : memref<64x128xf32, #tpu.memory_space<vmem>>)
      %dma_start3A_220 = arith.constant 0 : i32
      %dma_start3A_221 = tpu.memref_slice %arg8[%add3A_213, %dma_start3A_220] : memref<40x64xi32, #tpu.memory_space<vmem>> -> memref<1x64xi32, #tpu.memory_space<vmem>>
      %dma_start3A_222 = tpu.memref_squeeze %dma_start3A_221 : memref<1x64xi32, #tpu.memory_space<vmem>> -> memref<64xi32, #tpu.memory_space<vmem>>
      %dma_start3A_223 = arith.constant 0 : i32
      %dma_start3A_224 = arith.constant 0 : i32
      %dma_start3A_225 = tpu.memref_slice %arg21[%dma_start3A_223, %dma_start3A_224] : memref<10240x128xf32, #tpu.memory_space<vmem_shared>> -> memref<10240x128xf32, #tpu.memory_space<vmem_shared>>
      tpu.enqueue_indirect_dma source(%arg10 : memref<64x128xf32, #tpu.memory_space<vmem>>) target(%dma_start3A_225 : memref<10240x128xf32, #tpu.memory_space<vmem_shared>>) offsets(%dma_start3A_222 : memref<64xi32, #tpu.memory_space<vmem>>) semaphore(%arg18 : memref<!tpu.dma_semaphore, #tpu.memory_space<semaphore_mem>>) {add = true}
      %add3A_226 = arith.constant 2 : i32
      %add3A_227 = arith.addi %add3A_213, %add3A_226 : i32
      %lt3A_228 = arith.constant 40 : i32
      %lt3A_229 = arith.cmpi slt, %add3A_227, %lt3A_228 : i32
      %convert_element_type3A_230 = arith.extui %lt3A_229 : i1 to i32
      %cond3A_231 = arith.constant 0 : i32
      %cond3A_232 = arith.cmpi ne, %convert_element_type3A_230, %cond3A_231 : i32
      scf.if %cond3A_232 {
        %ge3A = arith.constant 2 : i32
        %ge3A_275 = arith.cmpi sge, %add3A_213, %ge3A : i32
        %convert_element_type3A_276 = arith.extui %ge3A_275 : i1 to i32
        %cond3A_277 = arith.constant 0 : i32
        %cond3A_278 = arith.cmpi ne, %convert_element_type3A_276, %cond3A_277 : i32
        scf.if %cond3A_278 {
          %sub3A = arith.constant 2 : i32
          %sub3A_287 = arith.subi %add3A_213, %sub3A : i32
          %dma_wait3A_288 = arith.constant 0 : i32
          %dma_wait3A_289 = tpu.memref_slice %arg8[%sub3A_287, %dma_wait3A_288] : memref<40x64xi32, #tpu.memory_space<vmem>> -> memref<1x64xi32, #tpu.memory_space<vmem>>
          %dma_wait3A_290 = tpu.memref_squeeze %dma_wait3A_289 : memref<1x64xi32, #tpu.memory_space<vmem>> -> memref<64xi32, #tpu.memory_space<vmem>>
          %dma_wait3A_291 = arith.constant 0 : i32
          %dma_wait3A_292 = arith.constant 0 : i32
          %dma_wait3A_293 = tpu.memref_slice %arg21[%dma_wait3A_291, %dma_wait3A_292] : memref<10240x128xf32, #tpu.memory_space<vmem_shared>> -> memref<10240x128xf32, #tpu.memory_space<vmem_shared>>
          tpu.wait_indirect_dma semaphore(%arg20 : memref<!tpu.dma_semaphore, #tpu.memory_space<semaphore_mem>>) src(%arg12 : memref<64x128xf32, #tpu.memory_space<vmem>>) dst(%dma_wait3A_293 : memref<10240x128xf32, #tpu.memory_space<vmem_shared>>)
        } else {
        }
        %add3A_279 = arith.constant 2 : i32
        %add3A_280 = arith.addi %add3A_213, %add3A_279 : i32
        %dma_start3A_281 = arith.constant 0 : i32
        %dma_start3A_282 = tpu.memref_slice %arg7[%add3A_280, %dma_start3A_281] : memref<40x64xi32, #tpu.memory_space<vmem>> -> memref<1x64xi32, #tpu.memory_space<vmem>>
        %dma_start3A_283 = tpu.memref_squeeze %dma_start3A_282 : memref<1x64xi32, #tpu.memory_space<vmem>> -> memref<64xi32, #tpu.memory_space<vmem>>
        %dma_start3A_284 = arith.constant 0 : i32
        %dma_start3A_285 = arith.constant 0 : i32
        %dma_start3A_286 = tpu.memref_slice %arg2[%dma_start3A_284, %dma_start3A_285] : memref<10000x128xf32, #tpu.memory_space<hbm>> -> memref<10000x128xf32, #tpu.memory_space<hbm>>
        tpu.enqueue_indirect_dma source(%dma_start3A_286 : memref<10000x128xf32, #tpu.memory_space<hbm>>) target(%arg12 : memref<64x128xf32, #tpu.memory_space<vmem>>) offsets(%dma_start3A_283 : memref<64xi32, #tpu.memory_space<vmem>>) semaphore(%arg16 : memref<!tpu.dma_semaphore, #tpu.memory_space<semaphore_mem>>)
      } else {
      }
      %add3A_233 = arith.constant 2 : i32
      %add3A_234 = arith.addi %add3A_193, %add3A_233 : i32
      %dma_wait3A_235 = arith.constant 0 : i32
      %dma_wait3A_236 = tpu.memref_slice %arg7[%add3A_234, %dma_wait3A_235] : memref<40x64xi32, #tpu.memory_space<vmem>> -> memref<1x64xi32, #tpu.memory_space<vmem>>
      %dma_wait3A_237 = tpu.memref_squeeze %dma_wait3A_236 : memref<1x64xi32, #tpu.memory_space<vmem>> -> memref<64xi32, #tpu.memory_space<vmem>>
      %dma_wait3A_238 = arith.constant 0 : i32
      %dma_wait3A_239 = arith.constant 0 : i32
      %dma_wait3A_240 = tpu.memref_slice %arg2[%dma_wait3A_238, %dma_wait3A_239] : memref<10000x128xf32, #tpu.memory_space<hbm>> -> memref<10000x128xf32, #tpu.memory_space<hbm>>
      tpu.wait_indirect_dma semaphore(%arg15 : memref<!tpu.dma_semaphore, #tpu.memory_space<semaphore_mem>>) src(%dma_wait3A_240 : memref<10000x128xf32, #tpu.memory_space<hbm>>) dst(%arg11 : memref<64x128xf32, #tpu.memory_space<vmem>>)
      %dma_start3A_241 = arith.constant 0 : i32
      %dma_start3A_242 = tpu.memref_slice %arg8[%add3A_234, %dma_start3A_241] : memref<40x64xi32, #tpu.memory_space<vmem>> -> memref<1x64xi32, #tpu.memory_space<vmem>>
      %dma_start3A_243 = tpu.memref_squeeze %dma_start3A_242 : memref<1x64xi32, #tpu.memory_space<vmem>> -> memref<64xi32, #tpu.memory_space<vmem>>
      %dma_start3A_244 = arith.constant 0 : i32
      %dma_start3A_245 = arith.constant 0 : i32
      %dma_start3A_246 = tpu.memref_slice %arg21[%dma_start3A_244, %dma_start3A_245] : memref<10240x128xf32, #tpu.memory_space<vmem_shared>> -> memref<10240x128xf32, #tpu.memory_space<vmem_shared>>
      tpu.enqueue_indirect_dma source(%arg11 : memref<64x128xf32, #tpu.memory_space<vmem>>) target(%dma_start3A_246 : memref<10240x128xf32, #tpu.memory_space<vmem_shared>>) offsets(%dma_start3A_243 : memref<64xi32, #tpu.memory_space<vmem>>) semaphore(%arg19 : memref<!tpu.dma_semaphore, #tpu.memory_space<semaphore_mem>>) {add = true}
      %add3A_247 = arith.constant 2 : i32
      %add3A_248 = arith.addi %add3A_234, %add3A_247 : i32
      %lt3A_249 = arith.constant 40 : i32
      %lt3A_250 = arith.cmpi slt, %add3A_248, %lt3A_249 : i32
      %convert_element_type3A_251 = arith.extui %lt3A_250 : i1 to i32
      %cond3A_252 = arith.constant 0 : i32
      %cond3A_253 = arith.cmpi ne, %convert_element_type3A_251, %cond3A_252 : i32
      scf.if %cond3A_253 {
        %ge3A = arith.constant 2 : i32
        %ge3A_275 = arith.cmpi sge, %add3A_234, %ge3A : i32
        %convert_element_type3A_276 = arith.extui %ge3A_275 : i1 to i32
        %cond3A_277 = arith.constant 0 : i32
        %cond3A_278 = arith.cmpi ne, %convert_element_type3A_276, %cond3A_277 : i32
        scf.if %cond3A_278 {
          %sub3A = arith.constant 2 : i32
          %sub3A_287 = arith.subi %add3A_234, %sub3A : i32
          %dma_wait3A_288 = arith.constant 0 : i32
          %dma_wait3A_289 = tpu.memref_slice %arg8[%sub3A_287, %dma_wait3A_288] : memref<40x64xi32, #tpu.memory_space<vmem>> -> memref<1x64xi32, #tpu.memory_space<vmem>>
          %dma_wait3A_290 = tpu.memref_squeeze %dma_wait3A_289 : memref<1x64xi32, #tpu.memory_space<vmem>> -> memref<64xi32, #tpu.memory_space<vmem>>
          %dma_wait3A_291 = arith.constant 0 : i32
          %dma_wait3A_292 = arith.constant 0 : i32
          %dma_wait3A_293 = tpu.memref_slice %arg21[%dma_wait3A_291, %dma_wait3A_292] : memref<10240x128xf32, #tpu.memory_space<vmem_shared>> -> memref<10240x128xf32, #tpu.memory_space<vmem_shared>>
          tpu.wait_indirect_dma semaphore(%arg17 : memref<!tpu.dma_semaphore, #tpu.memory_space<semaphore_mem>>) src(%arg9 : memref<64x128xf32, #tpu.memory_space<vmem>>) dst(%dma_wait3A_293 : memref<10240x128xf32, #tpu.memory_space<vmem_shared>>)
        } else {
        }
        %add3A_279 = arith.constant 2 : i32
        %add3A_280 = arith.addi %add3A_234, %add3A_279 : i32
        %dma_start3A_281 = arith.constant 0 : i32
        %dma_start3A_282 = tpu.memref_slice %arg7[%add3A_280, %dma_start3A_281] : memref<40x64xi32, #tpu.memory_space<vmem>> -> memref<1x64xi32, #tpu.memory_space<vmem>>
        %dma_start3A_283 = tpu.memref_squeeze %dma_start3A_282 : memref<1x64xi32, #tpu.memory_space<vmem>> -> memref<64xi32, #tpu.memory_space<vmem>>
        %dma_start3A_284 = arith.constant 0 : i32
        %dma_start3A_285 = arith.constant 0 : i32
        %dma_start3A_286 = tpu.memref_slice %arg2[%dma_start3A_284, %dma_start3A_285] : memref<10000x128xf32, #tpu.memory_space<hbm>> -> memref<10000x128xf32, #tpu.memory_space<hbm>>
        tpu.enqueue_indirect_dma source(%dma_start3A_286 : memref<10000x128xf32, #tpu.memory_space<hbm>>) target(%arg9 : memref<64x128xf32, #tpu.memory_space<vmem>>) offsets(%dma_start3A_283 : memref<64xi32, #tpu.memory_space<vmem>>) semaphore(%arg13 : memref<!tpu.dma_semaphore, #tpu.memory_space<semaphore_mem>>)
      } else {
      }
      %add3A_254 = arith.constant 3 : i32
      %add3A_255 = arith.addi %add3A_193, %add3A_254 : i32
      %dma_wait3A_256 = arith.constant 0 : i32
      %dma_wait3A_257 = tpu.memref_slice %arg7[%add3A_255, %dma_wait3A_256] : memref<40x64xi32, #tpu.memory_space<vmem>> -> memref<1x64xi32, #tpu.memory_space<vmem>>
      %dma_wait3A_258 = tpu.memref_squeeze %dma_wait3A_257 : memref<1x64xi32, #tpu.memory_space<vmem>> -> memref<64xi32, #tpu.memory_space<vmem>>
      %dma_wait3A_259 = arith.constant 0 : i32
      %dma_wait3A_260 = arith.constant 0 : i32
      %dma_wait3A_261 = tpu.memref_slice %arg2[%dma_wait3A_259, %dma_wait3A_260] : memref<10000x128xf32, #tpu.memory_space<hbm>> -> memref<10000x128xf32, #tpu.memory_space<hbm>>
      tpu.wait_indirect_dma semaphore(%arg16 : memref<!tpu.dma_semaphore, #tpu.memory_space<semaphore_mem>>) src(%dma_wait3A_261 : memref<10000x128xf32, #tpu.memory_space<hbm>>) dst(%arg12 : memref<64x128xf32, #tpu.memory_space<vmem>>)
      %dma_start3A_262 = arith.constant 0 : i32
      %dma_start3A_263 = tpu.memref_slice %arg8[%add3A_255, %dma_start3A_262] : memref<40x64xi32, #tpu.memory_space<vmem>> -> memref<1x64xi32, #tpu.memory_space<vmem>>
      %dma_start3A_264 = tpu.memref_squeeze %dma_start3A_263 : memref<1x64xi32, #tpu.memory_space<vmem>> -> memref<64xi32, #tpu.memory_space<vmem>>
      %dma_start3A_265 = arith.constant 0 : i32
      %dma_start3A_266 = arith.constant 0 : i32
      %dma_start3A_267 = tpu.memref_slice %arg21[%dma_start3A_265, %dma_start3A_266] : memref<10240x128xf32, #tpu.memory_space<vmem_shared>> -> memref<10240x128xf32, #tpu.memory_space<vmem_shared>>
      tpu.enqueue_indirect_dma source(%arg12 : memref<64x128xf32, #tpu.memory_space<vmem>>) target(%dma_start3A_267 : memref<10240x128xf32, #tpu.memory_space<vmem_shared>>) offsets(%dma_start3A_264 : memref<64xi32, #tpu.memory_space<vmem>>) semaphore(%arg20 : memref<!tpu.dma_semaphore, #tpu.memory_space<semaphore_mem>>) {add = true}
      %add3A_268 = arith.constant 2 : i32
      %add3A_269 = arith.addi %add3A_255, %add3A_268 : i32
      %lt3A_270 = arith.constant 40 : i32
      %lt3A_271 = arith.cmpi slt, %add3A_269, %lt3A_270 : i32
      %convert_element_type3A_272 = arith.extui %lt3A_271 : i1 to i32
      %cond3A_273 = arith.constant 0 : i32
      %cond3A_274 = arith.cmpi ne, %convert_element_type3A_272, %cond3A_273 : i32
      scf.if %cond3A_274 {
        %ge3A = arith.constant 2 : i32
        %ge3A_275 = arith.cmpi sge, %add3A_255, %ge3A : i32
        %convert_element_type3A_276 = arith.extui %ge3A_275 : i1 to i32
        %cond3A_277 = arith.constant 0 : i32
        %cond3A_278 = arith.cmpi ne, %convert_element_type3A_276, %cond3A_277 : i32
        scf.if %cond3A_278 {
          %sub3A = arith.constant 2 : i32
          %sub3A_287 = arith.subi %add3A_255, %sub3A : i32
          %dma_wait3A_288 = arith.constant 0 : i32
          %dma_wait3A_289 = tpu.memref_slice %arg8[%sub3A_287, %dma_wait3A_288] : memref<40x64xi32, #tpu.memory_space<vmem>> -> memref<1x64xi32, #tpu.memory_space<vmem>>
          %dma_wait3A_290 = tpu.memref_squeeze %dma_wait3A_289 : memref<1x64xi32, #tpu.memory_space<vmem>> -> memref<64xi32, #tpu.memory_space<vmem>>
          %dma_wait3A_291 = arith.constant 0 : i32
          %dma_wait3A_292 = arith.constant 0 : i32
          %dma_wait3A_293 = tpu.memref_slice %arg21[%dma_wait3A_291, %dma_wait3A_292] : memref<10240x128xf32, #tpu.memory_space<vmem_shared>> -> memref<10240x128xf32, #tpu.memory_space<vmem_shared>>
          tpu.wait_indirect_dma semaphore(%arg18 : memref<!tpu.dma_semaphore, #tpu.memory_space<semaphore_mem>>) src(%arg10 : memref<64x128xf32, #tpu.memory_space<vmem>>) dst(%dma_wait3A_293 : memref<10240x128xf32, #tpu.memory_space<vmem_shared>>)
        } else {
        }
        %add3A_279 = arith.constant 2 : i32
        %add3A_280 = arith.addi %add3A_255, %add3A_279 : i32
        %dma_start3A_281 = arith.constant 0 : i32
        %dma_start3A_282 = tpu.memref_slice %arg7[%add3A_280, %dma_start3A_281] : memref<40x64xi32, #tpu.memory_space<vmem>> -> memref<1x64xi32, #tpu.memory_space<vmem>>
        %dma_start3A_283 = tpu.memref_squeeze %dma_start3A_282 : memref<1x64xi32, #tpu.memory_space<vmem>> -> memref<64xi32, #tpu.memory_space<vmem>>
        %dma_start3A_284 = arith.constant 0 : i32
        %dma_start3A_285 = arith.constant 0 : i32
        %dma_start3A_286 = tpu.memref_slice %arg2[%dma_start3A_284, %dma_start3A_285] : memref<10000x128xf32, #tpu.memory_space<hbm>> -> memref<10000x128xf32, #tpu.memory_space<hbm>>
        tpu.enqueue_indirect_dma source(%dma_start3A_286 : memref<10000x128xf32, #tpu.memory_space<hbm>>) target(%arg10 : memref<64x128xf32, #tpu.memory_space<vmem>>) offsets(%dma_start3A_283 : memref<64xi32, #tpu.memory_space<vmem>>) semaphore(%arg14 : memref<!tpu.dma_semaphore, #tpu.memory_space<semaphore_mem>>)
      } else {
      }
    }
    %scan3A_112 = arith.constant 10 : i32
    %dma_wait3A_113 = arith.constant 36 : i32
    %dma_wait3A_114 = arith.constant 0 : i32
    %dma_wait3A_115 = tpu.memref_slice %arg8[%dma_wait3A_113, %dma_wait3A_114] : memref<40x64xi32, #tpu.memory_space<vmem>> -> memref<1x64xi32, #tpu.memory_space<vmem>>
    %dma_wait3A_116 = tpu.memref_squeeze %dma_wait3A_115 : memref<1x64xi32, #tpu.memory_space<vmem>> -> memref<64xi32, #tpu.memory_space<vmem>>
    %dma_wait3A_117 = arith.constant 0 : i32
    %dma_wait3A_118 = arith.constant 0 : i32
    %dma_wait3A_119 = tpu.memref_slice %arg21[%dma_wait3A_117, %dma_wait3A_118] : memref<10240x128xf32, #tpu.memory_space<vmem_shared>> -> memref<10240x128xf32, #tpu.memory_space<vmem_shared>>
    tpu.wait_indirect_dma semaphore(%arg17 : memref<!tpu.dma_semaphore, #tpu.memory_space<semaphore_mem>>) src(%arg9 : memref<64x128xf32, #tpu.memory_space<vmem>>) dst(%dma_wait3A_119 : memref<10240x128xf32, #tpu.memory_space<vmem_shared>>)
    %dma_wait3A_120 = arith.constant 37 : i32
    %dma_wait3A_121 = arith.constant 0 : i32
    %dma_wait3A_122 = tpu.memref_slice %arg8[%dma_wait3A_120, %dma_wait3A_121] : memref<40x64xi32, #tpu.memory_space<vmem>> -> memref<1x64xi32, #tpu.memory_space<vmem>>
    %dma_wait3A_123 = tpu.memref_squeeze %dma_wait3A_122 : memref<1x64xi32, #tpu.memory_space<vmem>> -> memref<64xi32, #tpu.memory_space<vmem>>
    %dma_wait3A_124 = arith.constant 0 : i32
    %dma_wait3A_125 = arith.constant 0 : i32
    %dma_wait3A_126 = tpu.memref_slice %arg21[%dma_wait3A_124, %dma_wait3A_125] : memref<10240x128xf32, #tpu.memory_space<vmem_shared>> -> memref<10240x128xf32, #tpu.memory_space<vmem_shared>>
    tpu.wait_indirect_dma semaphore(%arg18 : memref<!tpu.dma_semaphore, #tpu.memory_space<semaphore_mem>>) src(%arg10 : memref<64x128xf32, #tpu.memory_space<vmem>>) dst(%dma_wait3A_126 : memref<10240x128xf32, #tpu.memory_space<vmem_shared>>)
    %dma_wait3A_127 = arith.constant 38 : i32
    %dma_wait3A_128 = arith.constant 0 : i32
    %dma_wait3A_129 = tpu.memref_slice %arg8[%dma_wait3A_127, %dma_wait3A_128] : memref<40x64xi32, #tpu.memory_space<vmem>> -> memref<1x64xi32, #tpu.memory_space<vmem>>
    %dma_wait3A_130 = tpu.memref_squeeze %dma_wait3A_129 : memref<1x64xi32, #tpu.memory_space<vmem>> -> memref<64xi32, #tpu.memory_space<vmem>>
    %dma_wait3A_131 = arith.constant 0 : i32
    %dma_wait3A_132 = arith.constant 0 : i32
    %dma_wait3A_133 = tpu.memref_slice %arg21[%dma_wait3A_131, %dma_wait3A_132] : memref<10240x128xf32, #tpu.memory_space<vmem_shared>> -> memref<10240x128xf32, #tpu.memory_space<vmem_shared>>
    tpu.wait_indirect_dma semaphore(%arg19 : memref<!tpu.dma_semaphore, #tpu.memory_space<semaphore_mem>>) src(%arg11 : memref<64x128xf32, #tpu.memory_space<vmem>>) dst(%dma_wait3A_133 : memref<10240x128xf32, #tpu.memory_space<vmem_shared>>)
    %dma_wait3A_134 = arith.constant 39 : i32
    %dma_wait3A_135 = arith.constant 0 : i32
    %dma_wait3A_136 = tpu.memref_slice %arg8[%dma_wait3A_134, %dma_wait3A_135] : memref<40x64xi32, #tpu.memory_space<vmem>> -> memref<1x64xi32, #tpu.memory_space<vmem>>
    %dma_wait3A_137 = tpu.memref_squeeze %dma_wait3A_136 : memref<1x64xi32, #tpu.memory_space<vmem>> -> memref<64xi32, #tpu.memory_space<vmem>>
    %dma_wait3A_138 = arith.constant 0 : i32
    %dma_wait3A_139 = arith.constant 0 : i32
    %dma_wait3A_140 = tpu.memref_slice %arg21[%dma_wait3A_138, %dma_wait3A_139] : memref<10240x128xf32, #tpu.memory_space<vmem_shared>> -> memref<10240x128xf32, #tpu.memory_space<vmem_shared>>
    tpu.wait_indirect_dma semaphore(%arg20 : memref<!tpu.dma_semaphore, #tpu.memory_space<semaphore_mem>>) src(%arg12 : memref<64x128xf32, #tpu.memory_space<vmem>>) dst(%dma_wait3A_140 : memref<10240x128xf32, #tpu.memory_space<vmem_shared>>)
    "tpu.region"() ({
      %run_scoped3A = tpu.sem_alloc : memref<!tpu.dma_semaphore, #tpu.memory_space<semaphore_mem>>
      %dma_start3A_189 = arith.constant 120 : i32
      %dma_start3A_190 = arith.constant 0 : i32
      %dma_start3A_191 = tpu.memref_slice %arg3[%add3A, %dma_start3A_189, %dma_start3A_190] : memref<32x160x64xi32, #tpu.memory_space<hbm>> -> memref<1x40x64xi32, #tpu.memory_space<hbm>>
      %dma_start3A_192 = tpu.memref_squeeze %dma_start3A_191 : memref<1x40x64xi32, #tpu.memory_space<hbm>> -> memref<40x64xi32, #tpu.memory_space<hbm>>
      %dma_start3A_193 = arith.constant 120 : i32
      %dma_start3A_194 = arith.constant 0 : i32
      %dma_start3A_195 = tpu.memref_slice %arg3[%add3A, %dma_start3A_193, %dma_start3A_194] : memref<32x160x64xi32, #tpu.memory_space<hbm>> -> memref<1x40x64xi32, #tpu.memory_space<hbm>>
      %dma_start3A_196 = tpu.memref_squeeze %dma_start3A_195 : memref<1x40x64xi32, #tpu.memory_space<hbm>> -> memref<40x64xi32, #tpu.memory_space<hbm>>
      tpu.enqueue_dma source(%dma_start3A_196 : memref<40x64xi32, #tpu.memory_space<hbm>>) target(%arg7 : memref<40x64xi32, #tpu.memory_space<vmem>>) target_semaphore(%run_scoped3A : memref<!tpu.dma_semaphore, #tpu.memory_space<semaphore_mem>>)
      %dma_wait3A_197 = arith.constant 120 : i32
      %dma_wait3A_198 = arith.constant 0 : i32
      %dma_wait3A_199 = tpu.memref_slice %arg3[%add3A, %dma_wait3A_197, %dma_wait3A_198] : memref<32x160x64xi32, #tpu.memory_space<hbm>> -> memref<1x40x64xi32, #tpu.memory_space<hbm>>
      %dma_wait3A_200 = tpu.memref_squeeze %dma_wait3A_199 : memref<1x40x64xi32, #tpu.memory_space<hbm>> -> memref<40x64xi32, #tpu.memory_space<hbm>>
      %dma_wait3A_201 = arith.constant 120 : i32
      %dma_wait3A_202 = arith.constant 0 : i32
      %dma_wait3A_203 = tpu.memref_slice %arg3[%add3A, %dma_wait3A_201, %dma_wait3A_202] : memref<32x160x64xi32, #tpu.memory_space<hbm>> -> memref<1x40x64xi32, #tpu.memory_space<hbm>>
      %dma_wait3A_204 = tpu.memref_squeeze %dma_wait3A_203 : memref<1x40x64xi32, #tpu.memory_space<hbm>> -> memref<40x64xi32, #tpu.memory_space<hbm>>
      tpu.wait_dma2 semaphore(%run_scoped3A : memref<!tpu.dma_semaphore, #tpu.memory_space<semaphore_mem>>) src(%dma_wait3A_204 : memref<40x64xi32, #tpu.memory_space<hbm>>) dst(%arg7 : memref<40x64xi32, #tpu.memory_space<vmem>>)
      tpu.yield
    }) : () -> ()
    "tpu.region"() ({
      %run_scoped3A = tpu.sem_alloc : memref<!tpu.dma_semaphore, #tpu.memory_space<semaphore_mem>>
      %dma_start3A_189 = arith.constant 120 : i32
      %dma_start3A_190 = arith.constant 0 : i32
      %dma_start3A_191 = tpu.memref_slice %arg4[%add3A, %dma_start3A_189, %dma_start3A_190] : memref<32x160x64xi32, #tpu.memory_space<hbm>> -> memref<1x40x64xi32, #tpu.memory_space<hbm>>
      %dma_start3A_192 = tpu.memref_squeeze %dma_start3A_191 : memref<1x40x64xi32, #tpu.memory_space<hbm>> -> memref<40x64xi32, #tpu.memory_space<hbm>>
      %dma_start3A_193 = arith.constant 120 : i32
      %dma_start3A_194 = arith.constant 0 : i32
      %dma_start3A_195 = tpu.memref_slice %arg4[%add3A, %dma_start3A_193, %dma_start3A_194] : memref<32x160x64xi32, #tpu.memory_space<hbm>> -> memref<1x40x64xi32, #tpu.memory_space<hbm>>
      %dma_start3A_196 = tpu.memref_squeeze %dma_start3A_195 : memref<1x40x64xi32, #tpu.memory_space<hbm>> -> memref<40x64xi32, #tpu.memory_space<hbm>>
      tpu.enqueue_dma source(%dma_start3A_196 : memref<40x64xi32, #tpu.memory_space<hbm>>) target(%arg8 : memref<40x64xi32, #tpu.memory_space<vmem>>) target_semaphore(%run_scoped3A : memref<!tpu.dma_semaphore, #tpu.memory_space<semaphore_mem>>)
      %dma_wait3A_197 = arith.constant 120 : i32
      %dma_wait3A_198 = arith.constant 0 : i32
      %dma_wait3A_199 = tpu.memref_slice %arg4[%add3A, %dma_wait3A_197, %dma_wait3A_198] : memref<32x160x64xi32, #tpu.memory_space<hbm>> -> memref<1x40x64xi32, #tpu.memory_space<hbm>>
      %dma_wait3A_200 = tpu.memref_squeeze %dma_wait3A_199 : memref<1x40x64xi32, #tpu.memory_space<hbm>> -> memref<40x64xi32, #tpu.memory_space<hbm>>
      %dma_wait3A_201 = arith.constant 120 : i32
      %dma_wait3A_202 = arith.constant 0 : i32
      %dma_wait3A_203 = tpu.memref_slice %arg4[%add3A, %dma_wait3A_201, %dma_wait3A_202] : memref<32x160x64xi32, #tpu.memory_space<hbm>> -> memref<1x40x64xi32, #tpu.memory_space<hbm>>
      %dma_wait3A_204 = tpu.memref_squeeze %dma_wait3A_203 : memref<1x40x64xi32, #tpu.memory_space<hbm>> -> memref<40x64xi32, #tpu.memory_space<hbm>>
      tpu.wait_dma2 semaphore(%run_scoped3A : memref<!tpu.dma_semaphore, #tpu.memory_space<semaphore_mem>>) src(%dma_wait3A_204 : memref<40x64xi32, #tpu.memory_space<hbm>>) dst(%arg8 : memref<40x64xi32, #tpu.memory_space<vmem>>)
      tpu.yield
    }) : () -> ()
    %dma_start3A_141 = arith.constant 0 : i32
    %dma_start3A_142 = arith.constant 0 : i32
    %dma_start3A_143 = tpu.memref_slice %arg7[%dma_start3A_141, %dma_start3A_142] : memref<40x64xi32, #tpu.memory_space<vmem>> -> memref<1x64xi32, #tpu.memory_space<vmem>>
    %dma_start3A_144 = tpu.memref_squeeze %dma_start3A_143 : memref<1x64xi32, #tpu.memory_space<vmem>> -> memref<64xi32, #tpu.memory_space<vmem>>
    %dma_start3A_145 = arith.constant 0 : i32
    %dma_start3A_146 = arith.constant 0 : i32
    %dma_start3A_147 = tpu.memref_slice %arg2[%dma_start3A_145, %dma_start3A_146] : memref<10000x128xf32, #tpu.memory_space<hbm>> -> memref<10000x128xf32, #tpu.memory_space<hbm>>
    tpu.enqueue_indirect_dma source(%dma_start3A_147 : memref<10000x128xf32, #tpu.memory_space<hbm>>) target(%arg9 : memref<64x128xf32, #tpu.memory_space<vmem>>) offsets(%dma_start3A_144 : memref<64xi32, #tpu.memory_space<vmem>>) semaphore(%arg13 : memref<!tpu.dma_semaphore, #tpu.memory_space<semaphore_mem>>)
    %dma_start3A_148 = arith.constant 1 : i32
    %dma_start3A_149 = arith.constant 0 : i32
    %dma_start3A_150 = tpu.memref_slice %arg7[%dma_start3A_148, %dma_start3A_149] : memref<40x64xi32, #tpu.memory_space<vmem>> -> memref<1x64xi32, #tpu.memory_space<vmem>>
    %dma_start3A_151 = tpu.memref_squeeze %dma_start3A_150 : memref<1x64xi32, #tpu.memory_space<vmem>> -> memref<64xi32, #tpu.memory_space<vmem>>
    %dma_start3A_152 = arith.constant 0 : i32
    %dma_start3A_153 = arith.constant 0 : i32
    %dma_start3A_154 = tpu.memref_slice %arg2[%dma_start3A_152, %dma_start3A_153] : memref<10000x128xf32, #tpu.memory_space<hbm>> -> memref<10000x128xf32, #tpu.memory_space<hbm>>
    tpu.enqueue_indirect_dma source(%dma_start3A_154 : memref<10000x128xf32, #tpu.memory_space<hbm>>) target(%arg10 : memref<64x128xf32, #tpu.memory_space<vmem>>) offsets(%dma_start3A_151 : memref<64xi32, #tpu.memory_space<vmem>>) semaphore(%arg14 : memref<!tpu.dma_semaphore, #tpu.memory_space<semaphore_mem>>)
    %scan3A_155 = arith.constant 0 : i32
    %scan3A_156 = arith.constant 10 : i32
    %scan3A_157 = arith.addi %scan3A_155, %scan3A_156 : i32
    %scan3A_158 = arith.constant 1 : i32
    scf.for %scan3A_189 = %scan3A_155 to %scan3A_157 step %scan3A_158  : i32 {
      %mul3A_190 = arith.constant 4 : i32
      %mul3A_191 = arith.muli %scan3A_189, %mul3A_190 : i32
      %add3A_192 = arith.constant 0 : i32
      %add3A_193 = arith.addi %add3A_192, %mul3A_191 : i32
      %add3A_194 = arith.constant 0 : i32
      %add3A_195 = arith.addi %add3A_193, %add3A_194 : i32
      %dma_wait3A_196 = arith.constant 0 : i32
      %dma_wait3A_197 = tpu.memref_slice %arg7[%add3A_195, %dma_wait3A_196] : memref<40x64xi32, #tpu.memory_space<vmem>> -> memref<1x64xi32, #tpu.memory_space<vmem>>
      %dma_wait3A_198 = tpu.memref_squeeze %dma_wait3A_197 : memref<1x64xi32, #tpu.memory_space<vmem>> -> memref<64xi32, #tpu.memory_space<vmem>>
      %dma_wait3A_199 = arith.constant 0 : i32
      %dma_wait3A_200 = arith.constant 0 : i32
      %dma_wait3A_201 = tpu.memref_slice %arg2[%dma_wait3A_199, %dma_wait3A_200] : memref<10000x128xf32, #tpu.memory_space<hbm>> -> memref<10000x128xf32, #tpu.memory_space<hbm>>
      tpu.wait_indirect_dma semaphore(%arg13 : memref<!tpu.dma_semaphore, #tpu.memory_space<semaphore_mem>>) src(%dma_wait3A_201 : memref<10000x128xf32, #tpu.memory_space<hbm>>) dst(%arg9 : memref<64x128xf32, #tpu.memory_space<vmem>>)
      %dma_start3A_202 = arith.constant 0 : i32
      %dma_start3A_203 = tpu.memref_slice %arg8[%add3A_195, %dma_start3A_202] : memref<40x64xi32, #tpu.memory_space<vmem>> -> memref<1x64xi32, #tpu.memory_space<vmem>>
      %dma_start3A_204 = tpu.memref_squeeze %dma_start3A_203 : memref<1x64xi32, #tpu.memory_space<vmem>> -> memref<64xi32, #tpu.memory_space<vmem>>
      %dma_start3A_205 = arith.constant 0 : i32
      %dma_start3A_206 = arith.constant 0 : i32
      %dma_start3A_207 = tpu.memref_slice %arg21[%dma_start3A_205, %dma_start3A_206] : memref<10240x128xf32, #tpu.memory_space<vmem_shared>> -> memref<10240x128xf32, #tpu.memory_space<vmem_shared>>
      tpu.enqueue_indirect_dma source(%arg9 : memref<64x128xf32, #tpu.memory_space<vmem>>) target(%dma_start3A_207 : memref<10240x128xf32, #tpu.memory_space<vmem_shared>>) offsets(%dma_start3A_204 : memref<64xi32, #tpu.memory_space<vmem>>) semaphore(%arg17 : memref<!tpu.dma_semaphore, #tpu.memory_space<semaphore_mem>>) {add = true}
      %add3A_208 = arith.constant 2 : i32
      %add3A_209 = arith.addi %add3A_195, %add3A_208 : i32
      %lt3A = arith.constant 40 : i32
      %lt3A_210 = arith.cmpi slt, %add3A_209, %lt3A : i32
      %convert_element_type3A = arith.extui %lt3A_210 : i1 to i32
      %cond3A = arith.constant 0 : i32
      %cond3A_211 = arith.cmpi ne, %convert_element_type3A, %cond3A : i32
      scf.if %cond3A_211 {
        %ge3A = arith.constant 2 : i32
        %ge3A_275 = arith.cmpi sge, %add3A_195, %ge3A : i32
        %convert_element_type3A_276 = arith.extui %ge3A_275 : i1 to i32
        %cond3A_277 = arith.constant 0 : i32
        %cond3A_278 = arith.cmpi ne, %convert_element_type3A_276, %cond3A_277 : i32
        scf.if %cond3A_278 {
          %sub3A = arith.constant 2 : i32
          %sub3A_287 = arith.subi %add3A_195, %sub3A : i32
          %dma_wait3A_288 = arith.constant 0 : i32
          %dma_wait3A_289 = tpu.memref_slice %arg8[%sub3A_287, %dma_wait3A_288] : memref<40x64xi32, #tpu.memory_space<vmem>> -> memref<1x64xi32, #tpu.memory_space<vmem>>
          %dma_wait3A_290 = tpu.memref_squeeze %dma_wait3A_289 : memref<1x64xi32, #tpu.memory_space<vmem>> -> memref<64xi32, #tpu.memory_space<vmem>>
          %dma_wait3A_291 = arith.constant 0 : i32
          %dma_wait3A_292 = arith.constant 0 : i32
          %dma_wait3A_293 = tpu.memref_slice %arg21[%dma_wait3A_291, %dma_wait3A_292] : memref<10240x128xf32, #tpu.memory_space<vmem_shared>> -> memref<10240x128xf32, #tpu.memory_space<vmem_shared>>
          tpu.wait_indirect_dma semaphore(%arg19 : memref<!tpu.dma_semaphore, #tpu.memory_space<semaphore_mem>>) src(%arg11 : memref<64x128xf32, #tpu.memory_space<vmem>>) dst(%dma_wait3A_293 : memref<10240x128xf32, #tpu.memory_space<vmem_shared>>)
        } else {
        }
        %add3A_279 = arith.constant 2 : i32
        %add3A_280 = arith.addi %add3A_195, %add3A_279 : i32
        %dma_start3A_281 = arith.constant 0 : i32
        %dma_start3A_282 = tpu.memref_slice %arg7[%add3A_280, %dma_start3A_281] : memref<40x64xi32, #tpu.memory_space<vmem>> -> memref<1x64xi32, #tpu.memory_space<vmem>>
        %dma_start3A_283 = tpu.memref_squeeze %dma_start3A_282 : memref<1x64xi32, #tpu.memory_space<vmem>> -> memref<64xi32, #tpu.memory_space<vmem>>
        %dma_start3A_284 = arith.constant 0 : i32
        %dma_start3A_285 = arith.constant 0 : i32
        %dma_start3A_286 = tpu.memref_slice %arg2[%dma_start3A_284, %dma_start3A_285] : memref<10000x128xf32, #tpu.memory_space<hbm>> -> memref<10000x128xf32, #tpu.memory_space<hbm>>
        tpu.enqueue_indirect_dma source(%dma_start3A_286 : memref<10000x128xf32, #tpu.memory_space<hbm>>) target(%arg11 : memref<64x128xf32, #tpu.memory_space<vmem>>) offsets(%dma_start3A_283 : memref<64xi32, #tpu.memory_space<vmem>>) semaphore(%arg15 : memref<!tpu.dma_semaphore, #tpu.memory_space<semaphore_mem>>)
      } else {
      }
      %add3A_212 = arith.constant 1 : i32
      %add3A_213 = arith.addi %add3A_193, %add3A_212 : i32
      %dma_wait3A_214 = arith.constant 0 : i32
      %dma_wait3A_215 = tpu.memref_slice %arg7[%add3A_213, %dma_wait3A_214] : memref<40x64xi32, #tpu.memory_space<vmem>> -> memref<1x64xi32, #tpu.memory_space<vmem>>
      %dma_wait3A_216 = tpu.memref_squeeze %dma_wait3A_215 : memref<1x64xi32, #tpu.memory_space<vmem>> -> memref<64xi32, #tpu.memory_space<vmem>>
      %dma_wait3A_217 = arith.constant 0 : i32
      %dma_wait3A_218 = arith.constant 0 : i32
      %dma_wait3A_219 = tpu.memref_slice %arg2[%dma_wait3A_217, %dma_wait3A_218] : memref<10000x128xf32, #tpu.memory_space<hbm>> -> memref<10000x128xf32, #tpu.memory_space<hbm>>
      tpu.wait_indirect_dma semaphore(%arg14 : memref<!tpu.dma_semaphore, #tpu.memory_space<semaphore_mem>>) src(%dma_wait3A_219 : memref<10000x128xf32, #tpu.memory_space<hbm>>) dst(%arg10 : memref<64x128xf32, #tpu.memory_space<vmem>>)
      %dma_start3A_220 = arith.constant 0 : i32
      %dma_start3A_221 = tpu.memref_slice %arg8[%add3A_213, %dma_start3A_220] : memref<40x64xi32, #tpu.memory_space<vmem>> -> memref<1x64xi32, #tpu.memory_space<vmem>>
      %dma_start3A_222 = tpu.memref_squeeze %dma_start3A_221 : memref<1x64xi32, #tpu.memory_space<vmem>> -> memref<64xi32, #tpu.memory_space<vmem>>
      %dma_start3A_223 = arith.constant 0 : i32
      %dma_start3A_224 = arith.constant 0 : i32
      %dma_start3A_225 = tpu.memref_slice %arg21[%dma_start3A_223, %dma_start3A_224] : memref<10240x128xf32, #tpu.memory_space<vmem_shared>> -> memref<10240x128xf32, #tpu.memory_space<vmem_shared>>
      tpu.enqueue_indirect_dma source(%arg10 : memref<64x128xf32, #tpu.memory_space<vmem>>) target(%dma_start3A_225 : memref<10240x128xf32, #tpu.memory_space<vmem_shared>>) offsets(%dma_start3A_222 : memref<64xi32, #tpu.memory_space<vmem>>) semaphore(%arg18 : memref<!tpu.dma_semaphore, #tpu.memory_space<semaphore_mem>>) {add = true}
      %add3A_226 = arith.constant 2 : i32
      %add3A_227 = arith.addi %add3A_213, %add3A_226 : i32
      %lt3A_228 = arith.constant 40 : i32
      %lt3A_229 = arith.cmpi slt, %add3A_227, %lt3A_228 : i32
      %convert_element_type3A_230 = arith.extui %lt3A_229 : i1 to i32
      %cond3A_231 = arith.constant 0 : i32
      %cond3A_232 = arith.cmpi ne, %convert_element_type3A_230, %cond3A_231 : i32
      scf.if %cond3A_232 {
        %ge3A = arith.constant 2 : i32
        %ge3A_275 = arith.cmpi sge, %add3A_213, %ge3A : i32
        %convert_element_type3A_276 = arith.extui %ge3A_275 : i1 to i32
        %cond3A_277 = arith.constant 0 : i32
        %cond3A_278 = arith.cmpi ne, %convert_element_type3A_276, %cond3A_277 : i32
        scf.if %cond3A_278 {
          %sub3A = arith.constant 2 : i32
          %sub3A_287 = arith.subi %add3A_213, %sub3A : i32
          %dma_wait3A_288 = arith.constant 0 : i32
          %dma_wait3A_289 = tpu.memref_slice %arg8[%sub3A_287, %dma_wait3A_288] : memref<40x64xi32, #tpu.memory_space<vmem>> -> memref<1x64xi32, #tpu.memory_space<vmem>>
          %dma_wait3A_290 = tpu.memref_squeeze %dma_wait3A_289 : memref<1x64xi32, #tpu.memory_space<vmem>> -> memref<64xi32, #tpu.memory_space<vmem>>
          %dma_wait3A_291 = arith.constant 0 : i32
          %dma_wait3A_292 = arith.constant 0 : i32
          %dma_wait3A_293 = tpu.memref_slice %arg21[%dma_wait3A_291, %dma_wait3A_292] : memref<10240x128xf32, #tpu.memory_space<vmem_shared>> -> memref<10240x128xf32, #tpu.memory_space<vmem_shared>>
          tpu.wait_indirect_dma semaphore(%arg20 : memref<!tpu.dma_semaphore, #tpu.memory_space<semaphore_mem>>) src(%arg12 : memref<64x128xf32, #tpu.memory_space<vmem>>) dst(%dma_wait3A_293 : memref<10240x128xf32, #tpu.memory_space<vmem_shared>>)
        } else {
        }
        %add3A_279 = arith.constant 2 : i32
        %add3A_280 = arith.addi %add3A_213, %add3A_279 : i32
        %dma_start3A_281 = arith.constant 0 : i32
        %dma_start3A_282 = tpu.memref_slice %arg7[%add3A_280, %dma_start3A_281] : memref<40x64xi32, #tpu.memory_space<vmem>> -> memref<1x64xi32, #tpu.memory_space<vmem>>
        %dma_start3A_283 = tpu.memref_squeeze %dma_start3A_282 : memref<1x64xi32, #tpu.memory_space<vmem>> -> memref<64xi32, #tpu.memory_space<vmem>>
        %dma_start3A_284 = arith.constant 0 : i32
        %dma_start3A_285 = arith.constant 0 : i32
        %dma_start3A_286 = tpu.memref_slice %arg2[%dma_start3A_284, %dma_start3A_285] : memref<10000x128xf32, #tpu.memory_space<hbm>> -> memref<10000x128xf32, #tpu.memory_space<hbm>>
        tpu.enqueue_indirect_dma source(%dma_start3A_286 : memref<10000x128xf32, #tpu.memory_space<hbm>>) target(%arg12 : memref<64x128xf32, #tpu.memory_space<vmem>>) offsets(%dma_start3A_283 : memref<64xi32, #tpu.memory_space<vmem>>) semaphore(%arg16 : memref<!tpu.dma_semaphore, #tpu.memory_space<semaphore_mem>>)
      } else {
      }
      %add3A_233 = arith.constant 2 : i32
      %add3A_234 = arith.addi %add3A_193, %add3A_233 : i32
      %dma_wait3A_235 = arith.constant 0 : i32
      %dma_wait3A_236 = tpu.memref_slice %arg7[%add3A_234, %dma_wait3A_235] : memref<40x64xi32, #tpu.memory_space<vmem>> -> memref<1x64xi32, #tpu.memory_space<vmem>>
      %dma_wait3A_237 = tpu.memref_squeeze %dma_wait3A_236 : memref<1x64xi32, #tpu.memory_space<vmem>> -> memref<64xi32, #tpu.memory_space<vmem>>
      %dma_wait3A_238 = arith.constant 0 : i32
      %dma_wait3A_239 = arith.constant 0 : i32
      %dma_wait3A_240 = tpu.memref_slice %arg2[%dma_wait3A_238, %dma_wait3A_239] : memref<10000x128xf32, #tpu.memory_space<hbm>> -> memref<10000x128xf32, #tpu.memory_space<hbm>>
      tpu.wait_indirect_dma semaphore(%arg15 : memref<!tpu.dma_semaphore, #tpu.memory_space<semaphore_mem>>) src(%dma_wait3A_240 : memref<10000x128xf32, #tpu.memory_space<hbm>>) dst(%arg11 : memref<64x128xf32, #tpu.memory_space<vmem>>)
      %dma_start3A_241 = arith.constant 0 : i32
      %dma_start3A_242 = tpu.memref_slice %arg8[%add3A_234, %dma_start3A_241] : memref<40x64xi32, #tpu.memory_space<vmem>> -> memref<1x64xi32, #tpu.memory_space<vmem>>
      %dma_start3A_243 = tpu.memref_squeeze %dma_start3A_242 : memref<1x64xi32, #tpu.memory_space<vmem>> -> memref<64xi32, #tpu.memory_space<vmem>>
      %dma_start3A_244 = arith.constant 0 : i32
      %dma_start3A_245 = arith.constant 0 : i32
      %dma_start3A_246 = tpu.memref_slice %arg21[%dma_start3A_244, %dma_start3A_245] : memref<10240x128xf32, #tpu.memory_space<vmem_shared>> -> memref<10240x128xf32, #tpu.memory_space<vmem_shared>>
      tpu.enqueue_indirect_dma source(%arg11 : memref<64x128xf32, #tpu.memory_space<vmem>>) target(%dma_start3A_246 : memref<10240x128xf32, #tpu.memory_space<vmem_shared>>) offsets(%dma_start3A_243 : memref<64xi32, #tpu.memory_space<vmem>>) semaphore(%arg19 : memref<!tpu.dma_semaphore, #tpu.memory_space<semaphore_mem>>) {add = true}
      %add3A_247 = arith.constant 2 : i32
      %add3A_248 = arith.addi %add3A_234, %add3A_247 : i32
      %lt3A_249 = arith.constant 40 : i32
      %lt3A_250 = arith.cmpi slt, %add3A_248, %lt3A_249 : i32
      %convert_element_type3A_251 = arith.extui %lt3A_250 : i1 to i32
      %cond3A_252 = arith.constant 0 : i32
      %cond3A_253 = arith.cmpi ne, %convert_element_type3A_251, %cond3A_252 : i32
      scf.if %cond3A_253 {
        %ge3A = arith.constant 2 : i32
        %ge3A_275 = arith.cmpi sge, %add3A_234, %ge3A : i32
        %convert_element_type3A_276 = arith.extui %ge3A_275 : i1 to i32
        %cond3A_277 = arith.constant 0 : i32
        %cond3A_278 = arith.cmpi ne, %convert_element_type3A_276, %cond3A_277 : i32
        scf.if %cond3A_278 {
          %sub3A = arith.constant 2 : i32
          %sub3A_287 = arith.subi %add3A_234, %sub3A : i32
          %dma_wait3A_288 = arith.constant 0 : i32
          %dma_wait3A_289 = tpu.memref_slice %arg8[%sub3A_287, %dma_wait3A_288] : memref<40x64xi32, #tpu.memory_space<vmem>> -> memref<1x64xi32, #tpu.memory_space<vmem>>
          %dma_wait3A_290 = tpu.memref_squeeze %dma_wait3A_289 : memref<1x64xi32, #tpu.memory_space<vmem>> -> memref<64xi32, #tpu.memory_space<vmem>>
          %dma_wait3A_291 = arith.constant 0 : i32
          %dma_wait3A_292 = arith.constant 0 : i32
          %dma_wait3A_293 = tpu.memref_slice %arg21[%dma_wait3A_291, %dma_wait3A_292] : memref<10240x128xf32, #tpu.memory_space<vmem_shared>> -> memref<10240x128xf32, #tpu.memory_space<vmem_shared>>
          tpu.wait_indirect_dma semaphore(%arg17 : memref<!tpu.dma_semaphore, #tpu.memory_space<semaphore_mem>>) src(%arg9 : memref<64x128xf32, #tpu.memory_space<vmem>>) dst(%dma_wait3A_293 : memref<10240x128xf32, #tpu.memory_space<vmem_shared>>)
        } else {
        }
        %add3A_279 = arith.constant 2 : i32
        %add3A_280 = arith.addi %add3A_234, %add3A_279 : i32
        %dma_start3A_281 = arith.constant 0 : i32
        %dma_start3A_282 = tpu.memref_slice %arg7[%add3A_280, %dma_start3A_281] : memref<40x64xi32, #tpu.memory_space<vmem>> -> memref<1x64xi32, #tpu.memory_space<vmem>>
        %dma_start3A_283 = tpu.memref_squeeze %dma_start3A_282 : memref<1x64xi32, #tpu.memory_space<vmem>> -> memref<64xi32, #tpu.memory_space<vmem>>
        %dma_start3A_284 = arith.constant 0 : i32
        %dma_start3A_285 = arith.constant 0 : i32
        %dma_start3A_286 = tpu.memref_slice %arg2[%dma_start3A_284, %dma_start3A_285] : memref<10000x128xf32, #tpu.memory_space<hbm>> -> memref<10000x128xf32, #tpu.memory_space<hbm>>
        tpu.enqueue_indirect_dma source(%dma_start3A_286 : memref<10000x128xf32, #tpu.memory_space<hbm>>) target(%arg9 : memref<64x128xf32, #tpu.memory_space<vmem>>) offsets(%dma_start3A_283 : memref<64xi32, #tpu.memory_space<vmem>>) semaphore(%arg13 : memref<!tpu.dma_semaphore, #tpu.memory_space<semaphore_mem>>)
      } else {
      }
      %add3A_254 = arith.constant 3 : i32
      %add3A_255 = arith.addi %add3A_193, %add3A_254 : i32
      %dma_wait3A_256 = arith.constant 0 : i32
      %dma_wait3A_257 = tpu.memref_slice %arg7[%add3A_255, %dma_wait3A_256] : memref<40x64xi32, #tpu.memory_space<vmem>> -> memref<1x64xi32, #tpu.memory_space<vmem>>
      %dma_wait3A_258 = tpu.memref_squeeze %dma_wait3A_257 : memref<1x64xi32, #tpu.memory_space<vmem>> -> memref<64xi32, #tpu.memory_space<vmem>>
      %dma_wait3A_259 = arith.constant 0 : i32
      %dma_wait3A_260 = arith.constant 0 : i32
      %dma_wait3A_261 = tpu.memref_slice %arg2[%dma_wait3A_259, %dma_wait3A_260] : memref<10000x128xf32, #tpu.memory_space<hbm>> -> memref<10000x128xf32, #tpu.memory_space<hbm>>
      tpu.wait_indirect_dma semaphore(%arg16 : memref<!tpu.dma_semaphore, #tpu.memory_space<semaphore_mem>>) src(%dma_wait3A_261 : memref<10000x128xf32, #tpu.memory_space<hbm>>) dst(%arg12 : memref<64x128xf32, #tpu.memory_space<vmem>>)
      %dma_start3A_262 = arith.constant 0 : i32
      %dma_start3A_263 = tpu.memref_slice %arg8[%add3A_255, %dma_start3A_262] : memref<40x64xi32, #tpu.memory_space<vmem>> -> memref<1x64xi32, #tpu.memory_space<vmem>>
      %dma_start3A_264 = tpu.memref_squeeze %dma_start3A_263 : memref<1x64xi32, #tpu.memory_space<vmem>> -> memref<64xi32, #tpu.memory_space<vmem>>
      %dma_start3A_265 = arith.constant 0 : i32
      %dma_start3A_266 = arith.constant 0 : i32
      %dma_start3A_267 = tpu.memref_slice %arg21[%dma_start3A_265, %dma_start3A_266] : memref<10240x128xf32, #tpu.memory_space<vmem_shared>> -> memref<10240x128xf32, #tpu.memory_space<vmem_shared>>
      tpu.enqueue_indirect_dma source(%arg12 : memref<64x128xf32, #tpu.memory_space<vmem>>) target(%dma_start3A_267 : memref<10240x128xf32, #tpu.memory_space<vmem_shared>>) offsets(%dma_start3A_264 : memref<64xi32, #tpu.memory_space<vmem>>) semaphore(%arg20 : memref<!tpu.dma_semaphore, #tpu.memory_space<semaphore_mem>>) {add = true}
      %add3A_268 = arith.constant 2 : i32
      %add3A_269 = arith.addi %add3A_255, %add3A_268 : i32
      %lt3A_270 = arith.constant 40 : i32
      %lt3A_271 = arith.cmpi slt, %add3A_269, %lt3A_270 : i32
      %convert_element_type3A_272 = arith.extui %lt3A_271 : i1 to i32
      %cond3A_273 = arith.constant 0 : i32
      %cond3A_274 = arith.cmpi ne, %convert_element_type3A_272, %cond3A_273 : i32
      scf.if %cond3A_274 {
        %ge3A = arith.constant 2 : i32
        %ge3A_275 = arith.cmpi sge, %add3A_255, %ge3A : i32
        %convert_element_type3A_276 = arith.extui %ge3A_275 : i1 to i32
        %cond3A_277 = arith.constant 0 : i32
        %cond3A_278 = arith.cmpi ne, %convert_element_type3A_276, %cond3A_277 : i32
        scf.if %cond3A_278 {
          %sub3A = arith.constant 2 : i32
          %sub3A_287 = arith.subi %add3A_255, %sub3A : i32
          %dma_wait3A_288 = arith.constant 0 : i32
          %dma_wait3A_289 = tpu.memref_slice %arg8[%sub3A_287, %dma_wait3A_288] : memref<40x64xi32, #tpu.memory_space<vmem>> -> memref<1x64xi32, #tpu.memory_space<vmem>>
          %dma_wait3A_290 = tpu.memref_squeeze %dma_wait3A_289 : memref<1x64xi32, #tpu.memory_space<vmem>> -> memref<64xi32, #tpu.memory_space<vmem>>
          %dma_wait3A_291 = arith.constant 0 : i32
          %dma_wait3A_292 = arith.constant 0 : i32
          %dma_wait3A_293 = tpu.memref_slice %arg21[%dma_wait3A_291, %dma_wait3A_292] : memref<10240x128xf32, #tpu.memory_space<vmem_shared>> -> memref<10240x128xf32, #tpu.memory_space<vmem_shared>>
          tpu.wait_indirect_dma semaphore(%arg18 : memref<!tpu.dma_semaphore, #tpu.memory_space<semaphore_mem>>) src(%arg10 : memref<64x128xf32, #tpu.memory_space<vmem>>) dst(%dma_wait3A_293 : memref<10240x128xf32, #tpu.memory_space<vmem_shared>>)
        } else {
        }
        %add3A_279 = arith.constant 2 : i32
        %add3A_280 = arith.addi %add3A_255, %add3A_279 : i32
        %dma_start3A_281 = arith.constant 0 : i32
        %dma_start3A_282 = tpu.memref_slice %arg7[%add3A_280, %dma_start3A_281] : memref<40x64xi32, #tpu.memory_space<vmem>> -> memref<1x64xi32, #tpu.memory_space<vmem>>
        %dma_start3A_283 = tpu.memref_squeeze %dma_start3A_282 : memref<1x64xi32, #tpu.memory_space<vmem>> -> memref<64xi32, #tpu.memory_space<vmem>>
        %dma_start3A_284 = arith.constant 0 : i32
        %dma_start3A_285 = arith.constant 0 : i32
        %dma_start3A_286 = tpu.memref_slice %arg2[%dma_start3A_284, %dma_start3A_285] : memref<10000x128xf32, #tpu.memory_space<hbm>> -> memref<10000x128xf32, #tpu.memory_space<hbm>>
        tpu.enqueue_indirect_dma source(%dma_start3A_286 : memref<10000x128xf32, #tpu.memory_space<hbm>>) target(%arg10 : memref<64x128xf32, #tpu.memory_space<vmem>>) offsets(%dma_start3A_283 : memref<64xi32, #tpu.memory_space<vmem>>) semaphore(%arg14 : memref<!tpu.dma_semaphore, #tpu.memory_space<semaphore_mem>>)
      } else {
      }
    }
    %scan3A_159 = arith.constant 10 : i32
    %dma_wait3A_160 = arith.constant 36 : i32
    %dma_wait3A_161 = arith.constant 0 : i32
    %dma_wait3A_162 = tpu.memref_slice %arg8[%dma_wait3A_160, %dma_wait3A_161] : memref<40x64xi32, #tpu.memory_space<vmem>> -> memref<1x64xi32, #tpu.memory_space<vmem>>
    %dma_wait3A_163 = tpu.memref_squeeze %dma_wait3A_162 : memref<1x64xi32, #tpu.memory_space<vmem>> -> memref<64xi32, #tpu.memory_space<vmem>>
    %dma_wait3A_164 = arith.constant 0 : i32
    %dma_wait3A_165 = arith.constant 0 : i32
    %dma_wait3A_166 = tpu.memref_slice %arg21[%dma_wait3A_164, %dma_wait3A_165] : memref<10240x128xf32, #tpu.memory_space<vmem_shared>> -> memref<10240x128xf32, #tpu.memory_space<vmem_shared>>
    tpu.wait_indirect_dma semaphore(%arg17 : memref<!tpu.dma_semaphore, #tpu.memory_space<semaphore_mem>>) src(%arg9 : memref<64x128xf32, #tpu.memory_space<vmem>>) dst(%dma_wait3A_166 : memref<10240x128xf32, #tpu.memory_space<vmem_shared>>)
    %dma_wait3A_167 = arith.constant 37 : i32
    %dma_wait3A_168 = arith.constant 0 : i32
    %dma_wait3A_169 = tpu.memref_slice %arg8[%dma_wait3A_167, %dma_wait3A_168] : memref<40x64xi32, #tpu.memory_space<vmem>> -> memref<1x64xi32, #tpu.memory_space<vmem>>
    %dma_wait3A_170 = tpu.memref_squeeze %dma_wait3A_169 : memref<1x64xi32, #tpu.memory_space<vmem>> -> memref<64xi32, #tpu.memory_space<vmem>>
    %dma_wait3A_171 = arith.constant 0 : i32
    %dma_wait3A_172 = arith.constant 0 : i32
    %dma_wait3A_173 = tpu.memref_slice %arg21[%dma_wait3A_171, %dma_wait3A_172] : memref<10240x128xf32, #tpu.memory_space<vmem_shared>> -> memref<10240x128xf32, #tpu.memory_space<vmem_shared>>
    tpu.wait_indirect_dma semaphore(%arg18 : memref<!tpu.dma_semaphore, #tpu.memory_space<semaphore_mem>>) src(%arg10 : memref<64x128xf32, #tpu.memory_space<vmem>>) dst(%dma_wait3A_173 : memref<10240x128xf32, #tpu.memory_space<vmem_shared>>)
    %dma_wait3A_174 = arith.constant 38 : i32
    %dma_wait3A_175 = arith.constant 0 : i32
    %dma_wait3A_176 = tpu.memref_slice %arg8[%dma_wait3A_174, %dma_wait3A_175] : memref<40x64xi32, #tpu.memory_space<vmem>> -> memref<1x64xi32, #tpu.memory_space<vmem>>
    %dma_wait3A_177 = tpu.memref_squeeze %dma_wait3A_176 : memref<1x64xi32, #tpu.memory_space<vmem>> -> memref<64xi32, #tpu.memory_space<vmem>>
    %dma_wait3A_178 = arith.constant 0 : i32
    %dma_wait3A_179 = arith.constant 0 : i32
    %dma_wait3A_180 = tpu.memref_slice %arg21[%dma_wait3A_178, %dma_wait3A_179] : memref<10240x128xf32, #tpu.memory_space<vmem_shared>> -> memref<10240x128xf32, #tpu.memory_space<vmem_shared>>
    tpu.wait_indirect_dma semaphore(%arg19 : memref<!tpu.dma_semaphore, #tpu.memory_space<semaphore_mem>>) src(%arg11 : memref<64x128xf32, #tpu.memory_space<vmem>>) dst(%dma_wait3A_180 : memref<10240x128xf32, #tpu.memory_space<vmem_shared>>)
    %dma_wait3A_181 = arith.constant 39 : i32
    %dma_wait3A_182 = arith.constant 0 : i32
    %dma_wait3A_183 = tpu.memref_slice %arg8[%dma_wait3A_181, %dma_wait3A_182] : memref<40x64xi32, #tpu.memory_space<vmem>> -> memref<1x64xi32, #tpu.memory_space<vmem>>
    %dma_wait3A_184 = tpu.memref_squeeze %dma_wait3A_183 : memref<1x64xi32, #tpu.memory_space<vmem>> -> memref<64xi32, #tpu.memory_space<vmem>>
    %dma_wait3A_185 = arith.constant 0 : i32
    %dma_wait3A_186 = arith.constant 0 : i32
    %dma_wait3A_187 = tpu.memref_slice %arg21[%dma_wait3A_185, %dma_wait3A_186] : memref<10240x128xf32, #tpu.memory_space<vmem_shared>> -> memref<10240x128xf32, #tpu.memory_space<vmem_shared>>
    tpu.wait_indirect_dma semaphore(%arg20 : memref<!tpu.dma_semaphore, #tpu.memory_space<semaphore_mem>>) src(%arg12 : memref<64x128xf32, #tpu.memory_space<vmem>>) dst(%dma_wait3A_187 : memref<10240x128xf32, #tpu.memory_space<vmem_shared>>)
    %barrier3A_188 = arith.constant 0 : index
    tpu.barrier barrier_id(%barrier3A_188)
    "tpu.region"() ({
      %run_scoped3A = tpu.sem_alloc : memref<!tpu.dma_semaphore, #tpu.memory_space<semaphore_mem>>
      %dma_start3A_189 = arith.constant 0 : i32
      %dma_start3A_190 = tpu.memref_slice %arg6[%arg0, %mul3A_2, %dma_start3A_189] : memref<2x10240x128xf32, #tpu.memory_space<hbm>> -> memref<1x640x128xf32, #tpu.memory_space<hbm>>
      %dma_start3A_191 = tpu.memref_squeeze %dma_start3A_190 : memref<1x640x128xf32, #tpu.memory_space<hbm>> -> memref<640x128xf32, #tpu.memory_space<hbm>>
      %dma_start3A_192 = arith.constant 0 : i32
      %dma_start3A_193 = tpu.memref_slice %arg21[%mul3A_2, %dma_start3A_192] : memref<10240x128xf32, #tpu.memory_space<vmem_shared>> -> memref<640x128xf32, #tpu.memory_space<vmem_shared>>
      tpu.enqueue_dma source(%dma_start3A_193 : memref<640x128xf32, #tpu.memory_space<vmem_shared>>) target(%dma_start3A_191 : memref<640x128xf32, #tpu.memory_space<hbm>>) target_semaphore(%run_scoped3A : memref<!tpu.dma_semaphore, #tpu.memory_space<semaphore_mem>>)
      %dma_wait3A_194 = arith.constant 0 : i32
      %dma_wait3A_195 = tpu.memref_slice %arg6[%arg0, %mul3A_2, %dma_wait3A_194] : memref<2x10240x128xf32, #tpu.memory_space<hbm>> -> memref<1x640x128xf32, #tpu.memory_space<hbm>>
      %dma_wait3A_196 = tpu.memref_squeeze %dma_wait3A_195 : memref<1x640x128xf32, #tpu.memory_space<hbm>> -> memref<640x128xf32, #tpu.memory_space<hbm>>
      %dma_wait3A_197 = arith.constant 0 : i32
      %dma_wait3A_198 = tpu.memref_slice %arg21[%mul3A_2, %dma_wait3A_197] : memref<10240x128xf32, #tpu.memory_space<vmem_shared>> -> memref<640x128xf32, #tpu.memory_space<vmem_shared>>
      tpu.wait_dma2 semaphore(%run_scoped3A : memref<!tpu.dma_semaphore, #tpu.memory_space<semaphore_mem>>) src(%dma_wait3A_198 : memref<640x128xf32, #tpu.memory_space<vmem_shared>>) dst(%dma_wait3A_196 : memref<640x128xf32, #tpu.memory_space<hbm>>)
      tpu.yield
    }) : () -> ()
    return
  }
}

#map = affine_map<(d0, d1) -> (0, 0, 0)>
#map1 = affine_map<(d0, d1) -> (0)>
#map2 = affine_map<(d0, d1) -> (0, 0)>
module attributes {stable_mosaic.version = 14 : i64} {
  func.func @_sc_deg(%arg0: i32, %arg1: i32, %arg2: memref<32x80x128xi32, #tpu.memory_space<hbm>>, %arg3: memref<10240xf32, #tpu.memory_space<hbm>>, %arg4: memref<128xf32, #tpu.memory_space<hbm>>, %arg5: memref<2x10240xf32, #tpu.memory_space<hbm>>, %arg6: memref<80x128xi32, #tpu.memory_space<vmem>>, %arg7: memref<128xf32, #tpu.memory_space<vmem>>, %arg8: memref<10240xf32, #tpu.memory_space<vmem_shared>>) attributes {dimension_semantics = [#tpu.dimension_semantics<core_parallel>, #tpu.dimension_semantics<subcore_parallel>], iteration_bounds = array<i64: 2, 16>, scalar_prefetch = 0 : i64, scratch_operands = 3 : i64, tpu.core_type = #tpu.core_type<sc_vector_subcore>, window_params = [{transform_indices = #map}, {transform_indices = #map1}, {transform_indices = #map1}, {transform_indices = #map2}]} {
    %mul3A = arith.constant 16 : i32
    %mul3A_0 = arith.muli %arg0, %mul3A : i32
    %add3A = arith.addi %mul3A_0, %arg1 : i32
    %mul3A_1 = arith.constant 640 : i32
    %mul3A_2 = arith.muli %arg1, %mul3A_1 : i32
    "tpu.region"() ({
      %run_scoped3A = tpu.sem_alloc : memref<!tpu.dma_semaphore, #tpu.memory_space<semaphore_mem>>
      %dma_start3A = tpu.memref_slice %arg8[%mul3A_2] : memref<10240xf32, #tpu.memory_space<vmem_shared>> -> memref<640xf32, #tpu.memory_space<vmem_shared>>
      %dma_start3A_8 = tpu.memref_slice %arg3[%mul3A_2] : memref<10240xf32, #tpu.memory_space<hbm>> -> memref<640xf32, #tpu.memory_space<hbm>>
      tpu.enqueue_dma source(%dma_start3A_8 : memref<640xf32, #tpu.memory_space<hbm>>) target(%dma_start3A : memref<640xf32, #tpu.memory_space<vmem_shared>>) target_semaphore(%run_scoped3A : memref<!tpu.dma_semaphore, #tpu.memory_space<semaphore_mem>>)
      %dma_wait3A = tpu.memref_slice %arg8[%mul3A_2] : memref<10240xf32, #tpu.memory_space<vmem_shared>> -> memref<640xf32, #tpu.memory_space<vmem_shared>>
      %dma_wait3A_9 = tpu.memref_slice %arg3[%mul3A_2] : memref<10240xf32, #tpu.memory_space<hbm>> -> memref<640xf32, #tpu.memory_space<hbm>>
      tpu.wait_dma2 semaphore(%run_scoped3A : memref<!tpu.dma_semaphore, #tpu.memory_space<semaphore_mem>>) src(%dma_wait3A_9 : memref<640xf32, #tpu.memory_space<hbm>>) dst(%dma_wait3A : memref<640xf32, #tpu.memory_space<vmem_shared>>)
      tpu.yield
    }) : () -> ()
    "tpu.region"() ({
      %run_scoped3A = tpu.sem_alloc : memref<!tpu.dma_semaphore, #tpu.memory_space<semaphore_mem>>
      %dma_start3A = arith.constant 0 : i32
      %dma_start3A_8 = arith.constant 0 : i32
      %dma_start3A_9 = tpu.memref_slice %arg2[%add3A, %dma_start3A, %dma_start3A_8] : memref<32x80x128xi32, #tpu.memory_space<hbm>> -> memref<1x80x128xi32, #tpu.memory_space<hbm>>
      %dma_start3A_10 = tpu.memref_squeeze %dma_start3A_9 : memref<1x80x128xi32, #tpu.memory_space<hbm>> -> memref<80x128xi32, #tpu.memory_space<hbm>>
      %dma_start3A_11 = arith.constant 0 : i32
      %dma_start3A_12 = arith.constant 0 : i32
      %dma_start3A_13 = tpu.memref_slice %arg2[%add3A, %dma_start3A_11, %dma_start3A_12] : memref<32x80x128xi32, #tpu.memory_space<hbm>> -> memref<1x80x128xi32, #tpu.memory_space<hbm>>
      %dma_start3A_14 = tpu.memref_squeeze %dma_start3A_13 : memref<1x80x128xi32, #tpu.memory_space<hbm>> -> memref<80x128xi32, #tpu.memory_space<hbm>>
      tpu.enqueue_dma source(%dma_start3A_14 : memref<80x128xi32, #tpu.memory_space<hbm>>) target(%arg6 : memref<80x128xi32, #tpu.memory_space<vmem>>) target_semaphore(%run_scoped3A : memref<!tpu.dma_semaphore, #tpu.memory_space<semaphore_mem>>)
      %dma_wait3A = arith.constant 0 : i32
      %dma_wait3A_15 = arith.constant 0 : i32
      %dma_wait3A_16 = tpu.memref_slice %arg2[%add3A, %dma_wait3A, %dma_wait3A_15] : memref<32x80x128xi32, #tpu.memory_space<hbm>> -> memref<1x80x128xi32, #tpu.memory_space<hbm>>
      %dma_wait3A_17 = tpu.memref_squeeze %dma_wait3A_16 : memref<1x80x128xi32, #tpu.memory_space<hbm>> -> memref<80x128xi32, #tpu.memory_space<hbm>>
      %dma_wait3A_18 = arith.constant 0 : i32
      %dma_wait3A_19 = arith.constant 0 : i32
      %dma_wait3A_20 = tpu.memref_slice %arg2[%add3A, %dma_wait3A_18, %dma_wait3A_19] : memref<32x80x128xi32, #tpu.memory_space<hbm>> -> memref<1x80x128xi32, #tpu.memory_space<hbm>>
      %dma_wait3A_21 = tpu.memref_squeeze %dma_wait3A_20 : memref<1x80x128xi32, #tpu.memory_space<hbm>> -> memref<80x128xi32, #tpu.memory_space<hbm>>
      tpu.wait_dma2 semaphore(%run_scoped3A : memref<!tpu.dma_semaphore, #tpu.memory_space<semaphore_mem>>) src(%dma_wait3A_21 : memref<80x128xi32, #tpu.memory_space<hbm>>) dst(%arg6 : memref<80x128xi32, #tpu.memory_space<vmem>>)
      tpu.yield
    }) : () -> ()
    "tpu.region"() ({
      %run_scoped3A = tpu.sem_alloc : memref<!tpu.dma_semaphore, #tpu.memory_space<semaphore_mem>>
      tpu.enqueue_dma source(%arg4 : memref<128xf32, #tpu.memory_space<hbm>>) target(%arg7 : memref<128xf32, #tpu.memory_space<vmem>>) target_semaphore(%run_scoped3A : memref<!tpu.dma_semaphore, #tpu.memory_space<semaphore_mem>>)
      tpu.wait_dma2 semaphore(%run_scoped3A : memref<!tpu.dma_semaphore, #tpu.memory_space<semaphore_mem>>) src(%arg4 : memref<128xf32, #tpu.memory_space<hbm>>) dst(%arg7 : memref<128xf32, #tpu.memory_space<vmem>>)
      tpu.yield
    }) : () -> ()
    %barrier3A = arith.constant 0 : index
    tpu.barrier barrier_id(%barrier3A)
    %scan3A = arith.constant 0 : i32
    %scan3A_3 = arith.constant 80 : i32
    %scan3A_4 = arith.addi %scan3A, %scan3A_3 : i32
    %scan3A_5 = arith.constant 1 : i32
    scf.for %scan3A_8 = %scan3A to %scan3A_4 step %scan3A_5  : i32 {
      %mul3A_9 = arith.constant 1 : i32
      %mul3A_10 = arith.muli %scan3A_8, %mul3A_9 : i32
      %add3A_11 = arith.constant 0 : i32
      %add3A_12 = arith.addi %add3A_11, %mul3A_10 : i32
      "tpu.region"() ({
        %run_scoped3A = tpu.sem_alloc : memref<!tpu.dma_semaphore, #tpu.memory_space<semaphore_mem>>
        %dma_start3A = arith.constant 0 : i32
        %dma_start3A_13 = tpu.memref_slice %arg6[%add3A_12, %dma_start3A] : memref<80x128xi32, #tpu.memory_space<vmem>> -> memref<1x128xi32, #tpu.memory_space<vmem>>
        %dma_start3A_14 = tpu.memref_squeeze %dma_start3A_13 : memref<1x128xi32, #tpu.memory_space<vmem>> -> memref<128xi32, #tpu.memory_space<vmem>>
        %dma_start3A_15 = arith.constant 0 : i32
        %dma_start3A_16 = tpu.memref_slice %arg8[%dma_start3A_15] : memref<10240xf32, #tpu.memory_space<vmem_shared>> -> memref<10240xf32, #tpu.memory_space<vmem_shared>>
        tpu.enqueue_indirect_dma source(%arg7 : memref<128xf32, #tpu.memory_space<vmem>>) target(%dma_start3A_16 : memref<10240xf32, #tpu.memory_space<vmem_shared>>) offsets(%dma_start3A_14 : memref<128xi32, #tpu.memory_space<vmem>>) semaphore(%run_scoped3A : memref<!tpu.dma_semaphore, #tpu.memory_space<semaphore_mem>>) {add = true}
        %dma_wait3A = arith.constant 0 : i32
        %dma_wait3A_17 = tpu.memref_slice %arg6[%add3A_12, %dma_wait3A] : memref<80x128xi32, #tpu.memory_space<vmem>> -> memref<1x128xi32, #tpu.memory_space<vmem>>
        %dma_wait3A_18 = tpu.memref_squeeze %dma_wait3A_17 : memref<1x128xi32, #tpu.memory_space<vmem>> -> memref<128xi32, #tpu.memory_space<vmem>>
        %dma_wait3A_19 = arith.constant 0 : i32
        %dma_wait3A_20 = tpu.memref_slice %arg8[%dma_wait3A_19] : memref<10240xf32, #tpu.memory_space<vmem_shared>> -> memref<10240xf32, #tpu.memory_space<vmem_shared>>
        tpu.wait_indirect_dma semaphore(%run_scoped3A : memref<!tpu.dma_semaphore, #tpu.memory_space<semaphore_mem>>) src(%arg7 : memref<128xf32, #tpu.memory_space<vmem>>) dst(%dma_wait3A_20 : memref<10240xf32, #tpu.memory_space<vmem_shared>>)
        tpu.yield
      }) : () -> ()
    }
    %scan3A_6 = arith.constant 80 : i32
    %barrier3A_7 = arith.constant 0 : index
    tpu.barrier barrier_id(%barrier3A_7)
    "tpu.region"() ({
      %run_scoped3A = tpu.sem_alloc : memref<!tpu.dma_semaphore, #tpu.memory_space<semaphore_mem>>
      %dma_start3A = tpu.memref_slice %arg5[%arg0, %mul3A_2] : memref<2x10240xf32, #tpu.memory_space<hbm>> -> memref<1x640xf32, #tpu.memory_space<hbm>>
      %dma_start3A_8 = tpu.memref_squeeze %dma_start3A : memref<1x640xf32, #tpu.memory_space<hbm>> -> memref<640xf32, #tpu.memory_space<hbm>>
      %dma_start3A_9 = tpu.memref_slice %arg8[%mul3A_2] : memref<10240xf32, #tpu.memory_space<vmem_shared>> -> memref<640xf32, #tpu.memory_space<vmem_shared>>
      tpu.enqueue_dma source(%dma_start3A_9 : memref<640xf32, #tpu.memory_space<vmem_shared>>) target(%dma_start3A_8 : memref<640xf32, #tpu.memory_space<hbm>>) target_semaphore(%run_scoped3A : memref<!tpu.dma_semaphore, #tpu.memory_space<semaphore_mem>>)
      %dma_wait3A = tpu.memref_slice %arg5[%arg0, %mul3A_2] : memref<2x10240xf32, #tpu.memory_space<hbm>> -> memref<1x640xf32, #tpu.memory_space<hbm>>
      %dma_wait3A_10 = tpu.memref_squeeze %dma_wait3A : memref<1x640xf32, #tpu.memory_space<hbm>> -> memref<640xf32, #tpu.memory_space<hbm>>
      %dma_wait3A_11 = tpu.memref_slice %arg8[%mul3A_2] : memref<10240xf32, #tpu.memory_space<vmem_shared>> -> memref<640xf32, #tpu.memory_space<vmem_shared>>
      tpu.wait_dma2 semaphore(%run_scoped3A : memref<!tpu.dma_semaphore, #tpu.memory_space<semaphore_mem>>) src(%dma_wait3A_11 : memref<640xf32, #tpu.memory_space<vmem_shared>>) dst(%dma_wait3A_10 : memref<640xf32, #tpu.memory_space<hbm>>)
      tpu.yield
    }) : () -> ()
    return
  }
}

module attributes {stable_mosaic.version = 14 : i64} {
  func.func @_scale_body(%arg0: i32, %arg1: memref<1000x128xf32, #tpu.memory_space<vmem>>, %arg2: memref<128x128xf32, #tpu.memory_space<vmem>>, %arg3: memref<1000x2xf32, #tpu.memory_space<vmem>>, %arg4: memref<1000x128xf32, #tpu.memory_space<vmem>>) attributes {dimension_semantics = [#tpu.dimension_semantics<arbitrary>], iteration_bounds = array<i64: 10>, scalar_prefetch = 0 : i64, scratch_operands = 0 : i64, tpu.core_type = #tpu.core_type<tc>, window_params = [{transform_indices = @transform_0, window_bounds = array<i64: 1000, 128>}, {pipeline_mode = #tpu.pipeline_mode<synchronous>, transform_indices = @transform_1, window_bounds = array<i64: 128, 128>}, {transform_indices = @transform_2, window_bounds = array<i64: 1000, 2>}, {transform_indices = @transform_3, window_bounds = array<i64: 1000, 128>}]} {
    %get3A = arith.constant 0 : index
    %get3A_0 = arith.constant 0 : index
    %get3A_1 = vector.load %arg1[%get3A, %get3A_0] : memref<1000x128xf32, #tpu.memory_space<vmem>>, vector<1000x128xf32>
    %get3A_2 = arith.constant 0 : index
    %get3A_3 = arith.constant 0 : index
    %get3A_4 = vector.load %arg2[%get3A_2, %get3A_3] : memref<128x128xf32, #tpu.memory_space<vmem>>, vector<128x128xf32>
    %dot_general3A = arith.constant dense<0.000000e+00> : vector<1000x128xf32>
    %dot_general3A_5 = tpu.matmul %get3A_1, %get3A_4, %dot_general3A {dimension_numbers = #tpu.dot_dimension_numbers<[1], [0], [0], [1], [0, 0, 1, 1], [], []>, transpose_lhs_hint = false} : vector<1000x128xf32>, vector<128x128xf32>, vector<1000x128xf32> -> vector<1000x128xf32>
    %get3A_6 = arith.constant 0 : index
    %get3A_7 = arith.constant 0 : index
    %get3A_8 = vector.load %arg3[%get3A_6, %get3A_7] : memref<1000x2xf32, #tpu.memory_space<vmem>>, vector<1000x2xf32>
    %slice3A = vector.extract_strided_slice %get3A_8 {offsets = [0, 0], sizes = [1000, 1], strides = [1, 1]} : vector<1000x2xf32> to vector<1000x1xf32>
    %slice3A_9 = vector.extract_strided_slice %get3A_8 {offsets = [0, 1], sizes = [1000, 1], strides = [1, 1]} : vector<1000x2xf32> to vector<1000x1xf32>
    %add3A = arith.addf %slice3A, %slice3A_9 : vector<1000x1xf32>
    %gt3A = arith.constant 0.000000e+00 : f32
    %gt3A_10 = vector.broadcast %gt3A : f32 to vector<1000x1xf32>
    %gt3A_11 = arith.cmpf ogt, %add3A, %gt3A_10 : vector<1000x1xf32>
    %max3A = arith.constant 9.99999996E-13 : f32
    %max3A_12 = vector.broadcast %max3A : f32 to vector<1000x1xf32>
    %max3A_13 = arith.maximumf %add3A, %max3A_12 : vector<1000x1xf32>
    %rsqrt3A = math.rsqrt %max3A_13 : vector<1000x1xf32>
    %jit3A = arith.constant 0.000000e+00 : f32
    %broadcast_in_dim3A = vector.broadcast %jit3A : f32 to vector<1000x1xf32>
    %select_n3A = arith.select %gt3A_11, %rsqrt3A, %broadcast_in_dim3A : vector<1000x1xi1>, vector<1000x1xf32>
    %mul3A = vector.broadcast %select_n3A : vector<1000x1xf32> to vector<1000x128xf32>
    %mul3A_14 = arith.mulf %dot_general3A_5, %mul3A : vector<1000x128xf32>
    %swap3A = arith.constant 0 : index
    %swap3A_15 = arith.constant 0 : index
    %swap3A_16 = vector.load %arg4[%swap3A, %swap3A_15] : memref<1000x128xf32, #tpu.memory_space<vmem>>, vector<1000x128xf32>
    tpu.vector_store %arg4[%swap3A, %swap3A_15], %mul3A_14 {strides = array<i32>} : memref<1000x128xf32, #tpu.memory_space<vmem>>, vector<1000x128xf32>,
    return
  }
  func.func @transform_0(%arg0: i32) -> (i32, i32) {
    %c0_i32 = arith.constant 0 : i32
    %c0_i32_0 = arith.constant 0 : i32
    return %arg0, %c0_i32 : i32, i32
  }
  func.func @transform_1(%arg0: i32) -> (i32, i32) {
    %c0_i32 = arith.constant 0 : i32
    %c0_i32_0 = arith.constant 0 : i32
    %c0_i32_1 = arith.constant 0 : i32
    return %c0_i32, %c0_i32_0 : i32, i32
  }
  func.func @transform_2(%arg0: i32) -> (i32, i32) {
    %c0_i32 = arith.constant 0 : i32
    %c0_i32_0 = arith.constant 0 : i32
    return %arg0, %c0_i32 : i32, i32
  }
  func.func @transform_3(%arg0: i32) -> (i32, i32) {
    %c0_i32 = arith.constant 0 : i32
    %c0_i32_0 = arith.constant 0 : i32
    return %arg0, %c0_i32 : i32, i32
  }
}

module attributes {stable_mosaic.version = 14 : i64} {
  func.func @_final_body(%arg0: i32, %arg1: memref<2x1000x128xf32, #tpu.memory_space<vmem>>, %arg2: memref<1000x2xf32, #tpu.memory_space<vmem>>, %arg3: memref<1x128xf32, #tpu.memory_space<vmem>>, %arg4: memref<1000x128xf32, #tpu.memory_space<vmem>>) attributes {dimension_semantics = [#tpu.dimension_semantics<arbitrary>], iteration_bounds = array<i64: 10>, scalar_prefetch = 0 : i64, scratch_operands = 0 : i64, tpu.core_type = #tpu.core_type<tc>, window_params = [{transform_indices = @transform_0, window_bounds = array<i64: 2, 1000, 128>}, {transform_indices = @transform_1, window_bounds = array<i64: 1000, 2>}, {pipeline_mode = #tpu.pipeline_mode<synchronous>, transform_indices = @transform_2, window_bounds = array<i64: 1, 128>}, {transform_indices = @transform_3, window_bounds = array<i64: 1000, 128>}]} {
    %get3A = arith.constant 0 : index
    %get3A_0 = arith.constant 0 : index
    %get3A_1 = arith.constant 0 : index
    %get3A_2 = vector.load %arg1[%get3A, %get3A_0, %get3A_1] : memref<2x1000x128xf32, #tpu.memory_space<vmem>>, vector<1x1000x128xf32>
    %get3A_3 = vector.shape_cast %get3A_2 : vector<1x1000x128xf32> to vector<1000x128xf32>
    %get3A_4 = arith.constant 1 : index
    %get3A_5 = arith.constant 0 : index
    %get3A_6 = arith.constant 0 : index
    %get3A_7 = vector.load %arg1[%get3A_4, %get3A_5, %get3A_6] : memref<2x1000x128xf32, #tpu.memory_space<vmem>>, vector<1x1000x128xf32>
    %get3A_8 = vector.shape_cast %get3A_7 : vector<1x1000x128xf32> to vector<1000x128xf32>
    %add3A = arith.addf %get3A_3, %get3A_8 : vector<1000x128xf32>
    %get3A_9 = arith.constant 0 : index
    %get3A_10 = arith.constant 0 : index
    %get3A_11 = vector.load %arg2[%get3A_9, %get3A_10] : memref<1000x2xf32, #tpu.memory_space<vmem>>, vector<1000x2xf32>
    %slice3A = vector.extract_strided_slice %get3A_11 {offsets = [0, 0], sizes = [1000, 1], strides = [1, 1]} : vector<1000x2xf32> to vector<1000x1xf32>
    %slice3A_12 = vector.extract_strided_slice %get3A_11 {offsets = [0, 1], sizes = [1000, 1], strides = [1, 1]} : vector<1000x2xf32> to vector<1000x1xf32>
    %add3A_13 = arith.addf %slice3A, %slice3A_12 : vector<1000x1xf32>
    %gt3A = arith.constant 0.000000e+00 : f32
    %gt3A_14 = vector.broadcast %gt3A : f32 to vector<1000x1xf32>
    %gt3A_15 = arith.cmpf ogt, %add3A_13, %gt3A_14 : vector<1000x1xf32>
    %max3A = arith.constant 9.99999996E-13 : f32
    %max3A_16 = vector.broadcast %max3A : f32 to vector<1000x1xf32>
    %max3A_17 = arith.maximumf %add3A_13, %max3A_16 : vector<1000x1xf32>
    %rsqrt3A = math.rsqrt %max3A_17 : vector<1000x1xf32>
    %jit3A = arith.constant 0.000000e+00 : f32
    %broadcast_in_dim3A = vector.broadcast %jit3A : f32 to vector<1000x1xf32>
    %select_n3A = arith.select %gt3A_15, %rsqrt3A, %broadcast_in_dim3A : vector<1000x1xi1>, vector<1000x1xf32>
    %mul3A = vector.broadcast %select_n3A : vector<1000x1xf32> to vector<1000x128xf32>
    %mul3A_18 = arith.mulf %add3A, %mul3A : vector<1000x128xf32>
    %get3A_19 = arith.constant 0 : index
    %get3A_20 = arith.constant 0 : index
    %get3A_21 = vector.load %arg3[%get3A_19, %get3A_20] : memref<1x128xf32, #tpu.memory_space<vmem>>, vector<1x128xf32>
    %add3A_22 = vector.broadcast %get3A_21 : vector<1x128xf32> to vector<1000x128xf32>
    %add3A_23 = arith.addf %mul3A_18, %add3A_22 : vector<1000x128xf32>
    %swap3A = arith.constant 0 : index
    %swap3A_24 = arith.constant 0 : index
    %swap3A_25 = vector.load %arg4[%swap3A, %swap3A_24] : memref<1000x128xf32, #tpu.memory_space<vmem>>, vector<1000x128xf32>
    tpu.vector_store %arg4[%swap3A, %swap3A_24], %add3A_23 {strides = array<i32>} : memref<1000x128xf32, #tpu.memory_space<vmem>>, vector<1000x128xf32>,
    return
  }
  func.func @transform_0(%arg0: i32) -> (i32, i32, i32) {
    %c0_i32 = arith.constant 0 : i32
    %c0_i32_0 = arith.constant 0 : i32
    %c0_i32_1 = arith.constant 0 : i32
    return %c0_i32, %arg0, %c0_i32_0 : i32, i32, i32
  }
  func.func @transform_1(%arg0: i32) -> (i32, i32) {
    %c0_i32 = arith.constant 0 : i32
    %c0_i32_0 = arith.constant 0 : i32
    return %arg0, %c0_i32 : i32, i32
  }
  func.func @transform_2(%arg0: i32) -> (i32, i32) {
    %c0_i32 = arith.constant 0 : i32
    %c0_i32_0 = arith.constant 0 : i32
    %c0_i32_1 = arith.constant 0 : i32
    return %c0_i32, %c0_i32_0 : i32, i32
  }
  func.func @transform_3(%arg0: i32) -> (i32, i32) {
    %c0_i32 = arith.constant 0 : i32
    %c0_i32_0 = arith.constant 0 : i32
    return %arg0, %c0_i32 : i32, i32
  }
}

</mosaic_0001>

<sc_bundles>
// kernel: kernel.6.cloned.1.call-start
scs
__scs_entry_jumppad:
0x0: {  	(pc) =	sbr.rel $0x88, $3  }
0x1: {  	(tag) =	ssettag $0x0;
	lr =	simm.s32 $0x1  }
0x2: {  	[smem:$0x3F9D] =	sst lr;
	_ =	strace $0xD0000000  }
0x3: {  	_ = 	snop  }
0x4: {  	_ = 	snop  }
0x5: {  	_ = 	snop  }
0x6: {  	_ = 	snop  }
0x7: {  	_ = 	snop  }
__scs_overlays_trampoline_lowered:
0x8: {  	[smem:$0x3FAC] =	sst s0  }
0x9: {  	[smem:$0x3FAD] =	sst s1  }
0xa: {  	[smem:$0x3FAE] =	sst s2  }
0xb: {  	[smem:$0x3FAF] =	sst s3  }
0xc: {  	[smem:$0x3FB0] =	sst s4  }
0xd: {  	[smem:$0x3FB1] =	sst s5  }
0xe: {  	[smem:$0x3FB2] =	sst s6  }
0xf: {  	[smem:$0x3FB3] =	sst s7  }
0x10: {  	[smem:$0x3FB4] =	sst s8  }
0x11: {  	[smem:$0x3FB5] =	sst s9;
	s0 =	simm.s32 @!p0 $0x0  }
0x12: {  	s1 =	sld [smem:$0x3F9B];
	s0 =	simm.s32 @p0 $0x1  }
0x13: {  	[smem:$0x3FB6] =	sst s0;
	s0 =	simm.s32 @!p1 $0x0  }
0x14: {  	s2 =	sld [smem:$0x3F9A];
	s0 =	simm.s32 @p1 $0x1  }
0x15: {  	[smem:$0x3FB7] =	sst s0;
	s0 =	simm.s32 @!p2 $0x0  }
0x16: {  	s3 =	sld [smem:$0x3FDB];
	s0 =	simm.s32 @p2 $0x1  }
0x17: {  	s4 =	simm.s32 $0x1BF5;
	[smem:$0x3FB9] =	sst s0  }
0x18: {  	s0 =	sld [smem:$0x3F9C];
	_ =	swait.ge [sflag:s4], $0x0  }
0x19: {  	s7 =	sld [smem:$0x3F9D]  }
0x1a: {  	s8 =	sadd.s32 $0xFFFFE003, lr  }
0x1b: {  	s9 =	sadd.s32 $0xFFFFFEF7, lr;
	s5 =	simm.s32 $0xFFFFFFFF;
	p2 =	slt.u32 s8, $0xFFFFF086  }
0x1c: {  	p1 =	slt.u32 s9, $0xF7A;
	s5 =	simm.s32 @!p2 $0x0  }
0x1d: {  	s5 =	simm.s32 @p1 $0x1;
	p0 =	seq.s32 s7, s2  }
0x1e: {  	s7 =	smul.u32 @!p0 $0xF7A, s2;
	p2 =	seq.s32 @!p0 s5, $0x0  }
0x1f: {  	s9 =	smul.u32 $0xF7A, s1;
	s8 =	simm.s32 @!p0 $0x1BF5;
	p2 =	por !p2, p0  }
0x20: {  	[sflag:s8] =	ssyncset.s32 @!p0 $0xFFFFF086;
	s6 =	sadd.s32 @!p0 s3, s7;
	s7 =	simm.s32 @!p0 $0x108  }
0x21: {  	s3 =	sadd.s32 s3, s9;
	s6 =	sadd.s32 @!p0 $0x88, s6;
	s7 =	simm.s32 @p2 $0x1082  }
0x22: {  	[simem:s7], [sflag:s8] =	dma.local @!p0 [hbm:s6], $0xF7A  }
0x23: {  	s9 =	sor.u32 $0xD0000000, s2;
	s6 =	simm.s32 $0x108;
	_ =	swait.ge @!p0 [sflag:s8], $0x0  }
0x24: {  	s3 =	sadd.s32 $0x88, s3;
	s6 =	simm.s32 @!p1 $0x1082;
	[sflag:s4] =	ssyncset.s32 $0xFFFFF086  }
0x25: {  	[simem:s6], [sflag:s4] =	dma.local [hbm:s3], $0xF7A  }
0x26: {  	[smem:$0x3F9D] =	sst s1;
	(tag) =	ssettag s2;
	_ =	strace s9  }
0x27: {  	s1 =	sld [smem:$0x3FAD]  }
0x28: {  	s2 =	sld [smem:$0x3FAE]  }
0x29: {  	s4 =	sld [smem:$0x3FB0]  }
0x2a: {  	p0 =	seq.s32 s5, $0x0;
	s5 =	sld [smem:$0x3FB1]  }
0x2b: {  	s6 =	sld [smem:$0x3FB2]  }
0x2c: {  	s7 =	sld [smem:$0x3FB3]  }
0x2d: {  	s3 =	simm.s32 $0x108;
	s8 =	sld [smem:$0x3FB4]  }
0x2e: {  	s3 =	simm.s32 @!p0 $0x1082;
	s9 =	sld [smem:$0x3FB5]  }
0x2f: {  	lr =	sadd.s32 s0, s3;
	s0 =	sld [smem:$0x3FAC]  }
0x30: {  	s3 =	sld [smem:$0x3FAF]  }
0x31: {  	[smem:$0x3FB8] =	sst s10  }
0x32: {  	s10 =	sld [smem:$0x3FB6];
	_ =	sdelay $0x3  }
0x33: {  	p0 =	seq.s32 s10, $0x1;
	s10 =	sld [smem:$0x3FB8];
	_ =	sdelay $0x3  }
0x34: {  	[smem:$0x3FB8] =	sst s10  }
0x35: {  	s10 =	sld [smem:$0x3FB7];
	_ =	sdelay $0x3  }
0x36: {  	p1 =	seq.s32 s10, $0x1;
	s10 =	sld [smem:$0x3FB8];
	_ =	sdelay $0x3  }
0x37: {  	[smem:$0x3FB8] =	sst s10  }
0x38: {  	s10 =	sld [smem:$0x3FB9]  }
0x39: {  	_ = 	snop;
	(pc) =	sbr.ind lr, $3  }
0x3a: {  	_ = 	snop  }
0x3b: {  	_ = 	snop  }
0x3c: {  	p2 =	seq.s32 s10, $0x1;
	s10 =	sld [smem:$0x3FB8]  }
0x3d: {  	_ =	shalt  }
0x3e: {  	_ =	shalt  }
0x3f: {  	_ =	shalt  }
0x40: {  	_ =	shalt  }
0x41: {  	_ =	shalt  }
0x42: {  	_ =	shalt  }
0x43: {  	_ =	shalt  }
0x44: {  	_ =	shalt  }
0x45: {  	_ =	shalt  }
0x46: {  	_ =	shalt  }
0x47: {  	_ =	shalt  }
0x48: {  	_ =	shalt  }
0x49: {  	_ =	shalt  }
0x4a: {  	_ =	shalt  }
0x4b: {  	_ =	shalt  }
0x4c: {  	_ =	shalt  }
0x4d: {  	_ =	shalt  }
0x4e: {  	_ =	shalt  }
0x4f: {  	_ =	shalt  }
0x50: {  	_ =	shalt  }
0x51: {  	_ =	shalt  }
0x52: {  	_ =	shalt  }
0x53: {  	_ =	shalt  }
0x54: {  	_ =	shalt  }
0x55: {  	_ =	shalt  }
0x56: {  	_ =	shalt  }
0x57: {  	_ =	shalt  }
0x58: {  	_ =	shalt  }
0x59: {  	_ =	shalt  }
0x5a: {  	_ =	shalt  }
0x5b: {  	_ =	shalt  }
0x5c: {  	_ =	shalt  }
0x5d: {  	_ =	shalt  }
0x5e: {  	_ =	shalt  }
0x5f: {  	_ =	shalt  }
0x60: {  	_ =	shalt  }
0x61: {  	_ =	shalt  }
0x62: {  	_ =	shalt  }
0x63: {  	_ =	shalt  }
0x64: {  	_ =	shalt  }
0x65: {  	_ =	shalt  }
0x66: {  	_ =	shalt  }
0x67: {  	_ =	shalt  }
0x68: {  	_ =	shalt  }
0x69: {  	_ =	shalt  }
0x6a: {  	_ =	shalt  }
0x6b: {  	_ =	shalt  }
0x6c: {  	_ =	shalt  }
0x6d: {  	_ =	shalt  }
0x6e: {  	_ =	shalt  }
0x6f: {  	_ =	shalt  }
0x70: {  	_ =	shalt  }
0x71: {  	_ =	shalt  }
0x72: {  	_ =	shalt  }
0x73: {  	_ =	shalt  }
0x74: {  	_ =	shalt  }
0x75: {  	_ =	shalt  }
0x76: {  	_ =	shalt  }
0x77: {  	_ =	shalt  }
0x78: {  	_ =	shalt  }
0x79: {  	_ =	shalt  }
0x7a: {  	_ =	shalt  }
0x7b: {  	_ =	shalt  }
0x7c: {  	_ =	shalt  }
0x7d: {  	_ =	shalt  }
0x7e: {  	_ =	shalt  }
0x7f: {  	_ =	shalt  }
0x80: {  	_ =	shalt  }
0x81: {  	_ =	shalt  }
0x82: {  	_ =	shalt  }
0x83: {  	_ =	shalt  }
0x84: {  	_ =	shalt  }
0x85: {  	_ =	shalt  }
0x86: {  	_ =	shalt  }
0x87: {  	_ =	shalt  }
.Lfunc_end0:
.L_simem_size_0:
called_computation_lowered:
.L_overlay_start_0:
0x88: {  	s2 =	sld [smem:$0x3FD9]  }
0x89: {  	s3 =	sld [smem:$0x3FFE];
	_ =	sdelay $0x1  }
0x8a: {  	s1 =	srdreg.scid  }
0x8b: {  	s0 =	sand.u32 $0x1, s1  }
0x8c: {  	s17 =	sshll.u32 s0, $0xA;
	s2 =	sadd.s32 s3, s2  }
0x8d: {  	s2 =	sadd.s32 s2, s17  }
0x8e: {  	[smem:$0x3FC4] =	sst s2  }
0x8f: {  	_ = 	snop  }
0x90: {  	s2 =	sld [smem:$0x3FD0];
	(tm) =	ssettm $0x1  }
0x91: {  	s18 =	sld [smem:$0x3FFB];
	_ =	sdelay $0x3  }
0x92: {  	_ =	strace s18  }
0x93: {  	s3 =	sld [smem:$0x3FFC];
	_ =	sdelay $0x3  }
0x94: {  	_ =	strace s3  }
0x95: {  	s3 =	sld [smem:$0x3FFD];
	_ =	sdelay $0x3  }
0x96: {  	_ =	strace s3  }
0x97: {  	_ =	strace $0x8FFFFFFF  }
0x98: {  	s19 =	sld [smem:$0x3FDB];
	_ =	sdelay $0x1  }
0x99: {  	s4 =	simm.s32 $_scs_section_size  }
0x9a: {  	s5 =	simm.s32 $_size__tile_overlayer_lowered;
	s6 =	simm.s32 $_tile_overlayer_lowered  }
0x9b: {  	s22 =	simm.s32 $0x1BFF;
	s21 =	sshll.u32 s6, $0x1;
	s3 =	sadd.s32 s4, s19  }
0x9c: {  	s7 =	simm.s32 $0x0;
	s20 =	sshll.u32 s5, $0x1;
	s5 =	sadd.s32 s21, s3  }
0x9d: {  	[timem:s7], [sflag:s22] =	dma.local [hbm:s5], s20  }
0x9e: {  	_ =	swait.ge [sflag:s22], s20  }
0x9f: {  	s4 =	ssub.s32 $0x0, s20;
	[sflag:s22] =	ssyncset.done $0x0  }
0xa0: {  	[sflag:s22] =	ssyncadd.s32 s4;
	_ =	sdelay $0x1  }
0xa1: {  	s23 =	simm.s32 $0x1B8B  }
0xa2: {  	_ =	swait.ge [sflag:s23], $0x1  }
0xa3: {  	[sflag:s23] =	ssyncset.done $0x0  }
0xa4: {  	s25 =	simm.s32 $0x1B8E;
	s24 =	sld [smem:$0x3FFE];
	[sflag:s23] =	ssyncadd.s32 $0xFFFFFFFF  }
0xa5: {  	s26 =	simm.s32 $execute0_lowered;
	[smem:$0x3FD2] =	sst s25  }
0xa6: {  	s5 =	sshll.u32 s26, $0x1;
	_ =	strace $0x80000046;
	[dreg:$0x1] =	wrdreg $0xFFFFFFFF  }
0xa7: {  	s28 =	simm.s32 $_size_execute0_lowered;
	s3 =	sadd.s32 s3, s5;
	[dreg:$0x0] =	wrdreg $0x0  }
0xa8: {  	s5 =	sshll.u32 s28, $0x1;
	[dreg:$0x2] =	wrdreg s3  }
0xa9: {  	[dreg:$0x3] =	wrdreg s5  }
0xaa: {  	[dreg:$0x4] =	wrdreg $0xC0  }
0xab: {  	_ =	task [dreg:s7], $0x5FFFF  }
0xac: {  	[dreg:$0x1] =	wrdreg $0xFFFFFFFF  }
0xad: {  	[dreg:$0x0] =	wrdreg $0x60  }
0xae: {  	[dreg:$0x2] =	wrdreg s2  }
0xaf: {  	[dreg:$0x3] =	wrdreg s24  }
0xb0: {  	[dreg:$0x4] =	wrdreg $0x28800  }
0xb1: {  	[dreg:$0x5] =	wrdreg $0x9  }
0xb2: {  	_ =	task.clear_ibuf [dreg:s7], $0x6FFFF;
	_ =	strace $0x90000046  }
0xb3: {  	s29 =	simm.s32 $0x9;
	_ =	strace $0x80000048  }
0xb4: {  	_ =	swait.ge [sflag:s29], $0x1  }
0xb5: {  	[sflag:s29] =	ssyncadd.s32 $0xFFFFFFFF  }
0xb6: {  	_ =	strace $0x90000048  }
0xb7: {  	_ =	sfence  }
0xb8: {  	s30 =	sld [smem:$0x0];
	_ =	sdelay $0x2  }
0xb9: {  	s31 =	sshll.u32 s1, $0xD;
	s1 =	sshrl.u32 s1, $0x2  }
0xba: {  	s3 =	sand.u32 $0x4000, s31;
	s1 =	sadd.s32 s1, s30  }
0xbb: {  	s0 =	sor.u32 s3, s0;
	s1 =	sshll.u32 s1, $0x11  }
0xbc: {  	s0 =	sor.u32 s1, s0  }
0xbd: {  	s0 =	sadd.s32 $0x8F2B, s0  }
0xbe: {  	[sflag:s0] =	ssyncadd.remote.s32 $0x1  }
0xbf: {  	_ =	sfence.sel $0xFFFF  }
0xc0: {  	[dreg:$0x0] =	wrdreg $0xFFFFFFFF;
	(pc) =	sbr.abs _section_cstart, $3  }
0xc1: {  	[dreg:$0x1] =	wrdreg $0xFFFFFFFF  }
0xc2: {  	_ =	task.clear_ibuf [dreg:s7], $0x2FFFF;
	_ =	strace $0x9FFFFFFF  }
0xc3: {  	(tm) =	ssettm $0x7FFFFFFF  }
tec
execute0_lowered:
.L_overlay_start_1:
0x0: {  	(tag) =	ssettag $0x1  }
0x1: {  	s7 =	rddreg [dreg:$0x0]  }
0x2: {  	s5 =	rddreg [dreg:$0x1]  }
0x3: {  	s2 =	rddreg [dreg:$0x2]  }
0x4: {  	s1 =	stileid.u32;
	s0 =	rddreg [dreg:$0x3];
	s3 =	simm.s32 $0x0  }
0x5: {  	s4 =	srdreg.scid;
	s13 =	simm.s32 $0x80;
	s14 =	simm.s32 $0x20  }
0x6: {  	s15 =	simm.s32 $0x10;
	s16 =	simm.s32 $0x0;
	s6 =	smul.u32 $0x280, s1  }
0x7: {  	[smem:$0x7FF] =	sst s3;
	s9 =	sand.u32 $0x1, s4;
	s10 =	smul.u32 $0x500, s1  }
0x8: {  	s4 =	sadd.s32 $0x1200, s5;
	s31 =	sshll.u32 s1, $0x6;
	_ =	strace $0x80000047  }
0x9: {  	s11 =	sshll.u32 s9, $0x7;
	s29 =	sshll.u32 s9, $0x4;
	s9 =	ssub.s32 $0x2, s9  }
0xa: {  	s8 =	sshrl.u32 s6, $0x3;
	s10 =	sor.u32 s11, s10;
	s11 =	sor.u32 s1, s29  }
0xb: {  	s30 =	sshrl.u32 s9, $0x1;
	s12 =	sadd.s32 s6, s2;
	s6 =	sor.u32 $0x1C01, s31  }
0xc: {  	s8 =	sadd.s32 s8, s5;
	s10 =	sshrl.u32 s10, $0x3;
	s11 =	smul.u32 $0x500, s11  }
0xd: {  	s9 =	ssub.s32 s9, s30;
	s10 =	sadd.s32 s10, s5;
	s5 =	sadd.s32 $0x1400, s8  }
0xe: {  	s9 =	smax.u32 s9, $0x1;
	s7 =	sadd.s32 s7, s11;
	s8 =	sadd.s32 $0x1A00, s10  }
0xf: {  	s10 =	sshrl.u32 s12, $0x3;
	s11 =	simm.s32 $0x1;
	s12 =	simm.s32 $0x2800  }
.LBB2_1:
0x10: {  	[spmem:s10], [sflag:s6] =	dma.local [hbm:s5], $0x50  }
0x11: {  	_ =	swait.ge [sflag:s11], $0x50  }
0x12: {  	[sflag:s11] =	ssyncset.done $0x0  }
0x13: {  	[sflag:s11] =	ssyncadd.s32 $0xFFFFFFB0  }
0x14: {  	[tilespmem:s3], [sflag:$0x1] =	stream.linear.gather [hbm4b:s7+s3], $0x2800, $0x38;
	[tilespmem:$0x2B00] =	vst v63  }
0x15: {  	_ =	swait.ge [sflag:s11], $0x2800  }
0x16: {  	[sflag:s11] =	ssyncset.done $0x0  }
0x17: {  	[sflag:s11] =	ssyncadd.s32 $0xFFFFD800  }
0x18: {  	[tilespmem:s12], [sflag:$0x1] =	stream.linear.gather [hbm4b:s4+s3], $0x80, $0x38;
	[tilespmem:$0x2B00] =	vst v63  }
0x19: {  	_ =	swait.ge [sflag:s11], $0x80  }
0x1a: {  	[sflag:s11] =	ssyncset.done $0x0  }
0x1b: {  	[sflag:s11] =	ssyncadd.s32 $0xFFFFFF80  }
0x1c: {  	s17 =	simm.s32 $0x0;
	[bflag:$0x0] =	sbarrier.arrive $0xFFFF  }
0x1d: {  	[spmem:s2] =	stream.indirect.scatter.add.f32 [tilespmem:s12], [sflag:$0x1], $0x1, s17, s13, $0xb8;
	[tilespmem:$0x2B00] =	vst v63  }
0x1e: {  	_ =	swait.ge [sflag:s11], $0x80  }
0x1f: {  	s17 =	simm.s32 $0x200;
	[sflag:s11] =	ssyncset.done $0x0  }
.LBB2_2:
0x20: {  	s18 =	sshra.s32 s17, $0x2;
	[sflag:s11] =	ssyncadd.s32 $0xFFFFFF80;
	p0 =	sne.s32 s17, $0x9E00  }
0x21: {  	[spmem:s2] =	stream.indirect.scatter.add.f32 [tilespmem:s12], [sflag:$0x1], $0x1, s18, s13, $0xb8;
	[tilespmem:$0x2B00] =	vst v63  }
.Ltmp0:
0x22: {  	_ = 	snop;
	(pc) =	sbr.rel @p0 .LBB2_2-.Ltmp0, $4  }
0x23: {  	_ = 	snop  }
0x24: {  	s17 =	sadd.s32 $0x200, s17  }
0x25: {  	_ =	swait.ge [sflag:s11], $0x80  }
0x26: {  	[sflag:s11] =	ssyncset.done $0x0  }
0x27: {  	s16 =	sadd.s32 $0x1, s16  }
0x28: {  	[sflag:s11] =	ssyncadd.s32 $0xFFFFFF80;
	p0 =	sne.s32 s16, s9  }
.Ltmp1:
0x29: {  	[bflag:$0x0] =	sbarrier.arrive $0xFFFF;
	(pc) =	sbr.rel @p0 .LBB2_1-.Ltmp1, $4  }
0x2a: {  	[hbm:s8@s14], [sflag:s6] =	dma.strided [spmem:s10@s15], $0x50, s11, $0x10   }
0x2b: {  	_ =	swait.ge [sflag:s11], $0x50  }
0x2c: {  	[sflag:s11] =	ssyncset.done $0x0  }
0x2d: {  	[sflag:s11] =	ssyncadd.s32 $0xFFFFFFB0  }
0x2e: {  	_ =	sfence.sel $0x180000  }
0x2f: {  	[bflag:$0x0] =	sbarrier.arrive $0xFFFF  }
0x30: {  	p0 =	sne.s32 s1, $0x0;
	_ =	strace $0x90000047  }
0x31: {  	s0 =	sadd.s32 @!p0 $0x100000, s0;
	[bflag:$0x2] =	sbarrier.arrive $0xFFFF  }
0x32: {  	[sflag:s0] =	ssyncadd.tile.s32 @!p0 $0x1;
	_ =	shalt  }
.Lfunc_end2:
_tile_overlayer_lowered:
.L_overlay_start_2:
0x33: {  	(tag) =	ssettag $0x2  }
0x34: {  	s0 =	rddreg [dreg:$0x0];
	s2 =	stileid.u32  }
0x35: {  	s1 =	rddreg [dreg:$0x1];
	p0 =	sne.s32 s2, $0x0  }
0x36: {  	s3 =	rddreg [dreg:$0x2];
	[bflag:$0x3] =	sbarrier.arrive $0xFFFF;
	s2 =	simm.s32 @!p0 $0x1C01  }
0x37: {  	[timem:s3], [sflag:s2] =	dma.local @!p0 [hbm:s0], s1  }
0x38: {  	s0 =	simm.s32 @!p0 $0x1  }
0x39: {  	_ =	swait.ge @!p0 [sflag:s0], s1  }
0x3a: {  	s1 =	ssub.s32 @!p0 $0x0, s1;
	[sflag:s0] =	ssyncset.done @!p0 $0x0  }
0x3b: {  	[sflag:s0] =	ssyncadd.s32 @!p0 s1  }
0x3c: {  	[bflag:$0x3] =	sbarrier.arrive $0xFFFF  }
0x3d: {  	_ =	shalt  }

// kernel: kernel.9.cloned.1.call-start
scs
__scs_entry_jumppad:
0x0: {  	(pc) =	sbr.rel $0x88, $3  }
0x1: {  	(tag) =	ssettag $0x0;
	lr =	simm.s32 $0x1  }
0x2: {  	[smem:$0x3F9D] =	sst lr;
	_ =	strace $0xD0000000  }
0x3: {  	_ = 	snop  }
0x4: {  	_ = 	snop  }
0x5: {  	_ = 	snop  }
0x6: {  	_ = 	snop  }
0x7: {  	_ = 	snop  }
__scs_overlays_trampoline_lowered:
0x8: {  	[smem:$0x3FAC] =	sst s0  }
0x9: {  	[smem:$0x3FAD] =	sst s1  }
0xa: {  	[smem:$0x3FAE] =	sst s2  }
0xb: {  	[smem:$0x3FAF] =	sst s3  }
0xc: {  	[smem:$0x3FB0] =	sst s4  }
0xd: {  	[smem:$0x3FB1] =	sst s5  }
0xe: {  	[smem:$0x3FB2] =	sst s6  }
0xf: {  	[smem:$0x3FB3] =	sst s7  }
0x10: {  	[smem:$0x3FB4] =	sst s8  }
0x11: {  	[smem:$0x3FB5] =	sst s9;
	s0 =	simm.s32 @!p0 $0x0  }
0x12: {  	s1 =	sld [smem:$0x3F9B];
	s0 =	simm.s32 @p0 $0x1  }
0x13: {  	[smem:$0x3FB6] =	sst s0;
	s0 =	simm.s32 @!p1 $0x0  }
0x14: {  	s2 =	sld [smem:$0x3F9A];
	s0 =	simm.s32 @p1 $0x1  }
0x15: {  	[smem:$0x3FB7] =	sst s0;
	s0 =	simm.s32 @!p2 $0x0  }
0x16: {  	s3 =	sld [smem:$0x3FDB];
	s0 =	simm.s32 @p2 $0x1  }
0x17: {  	s4 =	simm.s32 $0x1BF5;
	[smem:$0x3FB9] =	sst s0  }
0x18: {  	s0 =	sld [smem:$0x3F9C];
	_ =	swait.ge [sflag:s4], $0x0  }
0x19: {  	s7 =	sld [smem:$0x3F9D]  }
0x1a: {  	s8 =	sadd.s32 $0xFFFFE003, lr  }
0x1b: {  	s9 =	sadd.s32 $0xFFFFFEF7, lr;
	s5 =	simm.s32 $0xFFFFFFFF;
	p2 =	slt.u32 s8, $0xFFFFF086  }
0x1c: {  	p1 =	slt.u32 s9, $0xF7A;
	s5 =	simm.s32 @!p2 $0x0  }
0x1d: {  	s5 =	simm.s32 @p1 $0x1;
	p0 =	seq.s32 s7, s2  }
0x1e: {  	s7 =	smul.u32 @!p0 $0xF7A, s2;
	p2 =	seq.s32 @!p0 s5, $0x0  }
0x1f: {  	s9 =	smul.u32 $0xF7A, s1;
	s8 =	simm.s32 @!p0 $0x1BF5;
	p2 =	por !p2, p0  }
0x20: {  	[sflag:s8] =	ssyncset.s32 @!p0 $0xFFFFF086;
	s6 =	sadd.s32 @!p0 s3, s7;
	s7 =	simm.s32 @!p0 $0x108  }
0x21: {  	s3 =	sadd.s32 s3, s9;
	s6 =	sadd.s32 @!p0 $0x88, s6;
	s7 =	simm.s32 @p2 $0x1082  }
0x22: {  	[simem:s7], [sflag:s8] =	dma.local @!p0 [hbm:s6], $0xF7A  }
0x23: {  	s9 =	sor.u32 $0xD0000000, s2;
	s6 =	simm.s32 $0x108;
	_ =	swait.ge @!p0 [sflag:s8], $0x0  }
0x24: {  	s3 =	sadd.s32 $0x88, s3;
	s6 =	simm.s32 @!p1 $0x1082;
	[sflag:s4] =	ssyncset.s32 $0xFFFFF086  }
0x25: {  	[simem:s6], [sflag:s4] =	dma.local [hbm:s3], $0xF7A  }
0x26: {  	[smem:$0x3F9D] =	sst s1;
	(tag) =	ssettag s2;
	_ =	strace s9  }
0x27: {  	s1 =	sld [smem:$0x3FAD]  }
0x28: {  	s2 =	sld [smem:$0x3FAE]  }
0x29: {  	s4 =	sld [smem:$0x3FB0]  }
0x2a: {  	p0 =	seq.s32 s5, $0x0;
	s5 =	sld [smem:$0x3FB1]  }
0x2b: {  	s6 =	sld [smem:$0x3FB2]  }
0x2c: {  	s7 =	sld [smem:$0x3FB3]  }
0x2d: {  	s3 =	simm.s32 $0x108;
	s8 =	sld [smem:$0x3FB4]  }
0x2e: {  	s3 =	simm.s32 @!p0 $0x1082;
	s9 =	sld [smem:$0x3FB5]  }
0x2f: {  	lr =	sadd.s32 s0, s3;
	s0 =	sld [smem:$0x3FAC]  }
0x30: {  	s3 =	sld [smem:$0x3FAF]  }
0x31: {  	[smem:$0x3FB8] =	sst s10  }
0x32: {  	s10 =	sld [smem:$0x3FB6];
	_ =	sdelay $0x3  }
0x33: {  	p0 =	seq.s32 s10, $0x1;
	s10 =	sld [smem:$0x3FB8];
	_ =	sdelay $0x3  }
0x34: {  	[smem:$0x3FB8] =	sst s10  }
0x35: {  	s10 =	sld [smem:$0x3FB7];
	_ =	sdelay $0x3  }
0x36: {  	p1 =	seq.s32 s10, $0x1;
	s10 =	sld [smem:$0x3FB8];
	_ =	sdelay $0x3  }
0x37: {  	[smem:$0x3FB8] =	sst s10  }
0x38: {  	s10 =	sld [smem:$0x3FB9]  }
0x39: {  	_ = 	snop;
	(pc) =	sbr.ind lr, $3  }
0x3a: {  	_ = 	snop  }
0x3b: {  	_ = 	snop  }
0x3c: {  	p2 =	seq.s32 s10, $0x1;
	s10 =	sld [smem:$0x3FB8]  }
0x3d: {  	_ =	shalt  }
0x3e: {  	_ =	shalt  }
0x3f: {  	_ =	shalt  }
0x40: {  	_ =	shalt  }
0x41: {  	_ =	shalt  }
0x42: {  	_ =	shalt  }
0x43: {  	_ =	shalt  }
0x44: {  	_ =	shalt  }
0x45: {  	_ =	shalt  }
0x46: {  	_ =	shalt  }
0x47: {  	_ =	shalt  }
0x48: {  	_ =	shalt  }
0x49: {  	_ =	shalt  }
0x4a: {  	_ =	shalt  }
0x4b: {  	_ =	shalt  }
0x4c: {  	_ =	shalt  }
0x4d: {  	_ =	shalt  }
0x4e: {  	_ =	shalt  }
0x4f: {  	_ =	shalt  }
0x50: {  	_ =	shalt  }
0x51: {  	_ =	shalt  }
0x52: {  	_ =	shalt  }
0x53: {  	_ =	shalt  }
0x54: {  	_ =	shalt  }
0x55: {  	_ =	shalt  }
0x56: {  	_ =	shalt  }
0x57: {  	_ =	shalt  }
0x58: {  	_ =	shalt  }
0x59: {  	_ =	shalt  }
0x5a: {  	_ =	shalt  }
0x5b: {  	_ =	shalt  }
0x5c: {  	_ =	shalt  }
0x5d: {  	_ =	shalt  }
0x5e: {  	_ =	shalt  }
0x5f: {  	_ =	shalt  }
0x60: {  	_ =	shalt  }
0x61: {  	_ =	shalt  }
0x62: {  	_ =	shalt  }
0x63: {  	_ =	shalt  }
0x64: {  	_ =	shalt  }
0x65: {  	_ =	shalt  }
0x66: {  	_ =	shalt  }
0x67: {  	_ =	shalt  }
0x68: {  	_ =	shalt  }
0x69: {  	_ =	shalt  }
0x6a: {  	_ =	shalt  }
0x6b: {  	_ =	shalt  }
0x6c: {  	_ =	shalt  }
0x6d: {  	_ =	shalt  }
0x6e: {  	_ =	shalt  }
0x6f: {  	_ =	shalt  }
0x70: {  	_ =	shalt  }
0x71: {  	_ =	shalt  }
0x72: {  	_ =	shalt  }
0x73: {  	_ =	shalt  }
0x74: {  	_ =	shalt  }
0x75: {  	_ =	shalt  }
0x76: {  	_ =	shalt  }
0x77: {  	_ =	shalt  }
0x78: {  	_ =	shalt  }
0x79: {  	_ =	shalt  }
0x7a: {  	_ =	shalt  }
0x7b: {  	_ =	shalt  }
0x7c: {  	_ =	shalt  }
0x7d: {  	_ =	shalt  }
0x7e: {  	_ =	shalt  }
0x7f: {  	_ =	shalt  }
0x80: {  	_ =	shalt  }
0x81: {  	_ =	shalt  }
0x82: {  	_ =	shalt  }
0x83: {  	_ =	shalt  }
0x84: {  	_ =	shalt  }
0x85: {  	_ =	shalt  }
0x86: {  	_ =	shalt  }
0x87: {  	_ =	shalt  }
.Lfunc_end0:
.L_simem_size_0:
called_computation.1_lowered:
.L_overlay_start_0:
0x88: {  	s2 =	sld [smem:$0x3FD9]  }
0x89: {  	s3 =	sld [smem:$0x3FFE];
	_ =	sdelay $0x1  }
0x8a: {  	s1 =	srdreg.scid  }
0x8b: {  	s0 =	sand.u32 $0x1, s1  }
0x8c: {  	s17 =	sshll.u32 s0, $0xA;
	s2 =	sadd.s32 s3, s2  }
0x8d: {  	s2 =	sadd.s32 s2, s17  }
0x8e: {  	[smem:$0x3FC4] =	sst s2  }
0x8f: {  	_ = 	snop  }
0x90: {  	s2 =	sld [smem:$0x3FD0];
	(tm) =	ssettm $0x1  }
0x91: {  	s18 =	sld [smem:$0x3FFB];
	_ =	sdelay $0x3  }
0x92: {  	_ =	strace s18  }
0x93: {  	s3 =	sld [smem:$0x3FFC];
	_ =	sdelay $0x3  }
0x94: {  	_ =	strace s3  }
0x95: {  	s3 =	sld [smem:$0x3FFD];
	_ =	sdelay $0x3  }
0x96: {  	_ =	strace s3  }
0x97: {  	_ =	strace $0x8FFFFFFF  }
0x98: {  	s19 =	sld [smem:$0x3FDB];
	_ =	sdelay $0x1  }
0x99: {  	s4 =	simm.s32 $_scs_section_size  }
0x9a: {  	s5 =	simm.s32 $_size__tile_overlayer_lowered;
	s6 =	simm.s32 $_tile_overlayer_lowered  }
0x9b: {  	s22 =	simm.s32 $0x1BFF;
	s21 =	sshll.u32 s6, $0x1;
	s3 =	sadd.s32 s4, s19  }
0x9c: {  	s7 =	simm.s32 $0x0;
	s20 =	sshll.u32 s5, $0x1;
	s5 =	sadd.s32 s21, s3  }
0x9d: {  	[timem:s7], [sflag:s22] =	dma.local [hbm:s5], s20  }
0x9e: {  	_ =	swait.ge [sflag:s22], s20  }
0x9f: {  	s4 =	ssub.s32 $0x0, s20;
	[sflag:s22] =	ssyncset.done $0x0  }
0xa0: {  	[sflag:s22] =	ssyncadd.s32 s4;
	_ =	sdelay $0x1  }
0xa1: {  	s23 =	simm.s32 $0x1B8B  }
0xa2: {  	_ =	swait.ge [sflag:s23], $0x1  }
0xa3: {  	[sflag:s23] =	ssyncset.done $0x0  }
0xa4: {  	s25 =	simm.s32 $0x1B8E;
	s24 =	sld [smem:$0x3FFE];
	[sflag:s23] =	ssyncadd.s32 $0xFFFFFFFF  }
0xa5: {  	s26 =	simm.s32 $execute0_lowered;
	[smem:$0x3FD2] =	sst s25  }
0xa6: {  	s5 =	sshll.u32 s26, $0x1;
	_ =	strace $0x80000049;
	[dreg:$0x1] =	wrdreg $0xFFFFFFFF  }
0xa7: {  	s28 =	simm.s32 $_size_execute0_lowered;
	s3 =	sadd.s32 s3, s5;
	[dreg:$0x0] =	wrdreg $0x0  }
0xa8: {  	s5 =	sshll.u32 s28, $0x1;
	[dreg:$0x2] =	wrdreg s3  }
0xa9: {  	[dreg:$0x3] =	wrdreg s5  }
0xaa: {  	[dreg:$0x4] =	wrdreg $0xC0  }
0xab: {  	_ =	task [dreg:s7], $0x5FFFF  }
0xac: {  	[dreg:$0x1] =	wrdreg $0xFFFFFFFF  }
0xad: {  	[dreg:$0x0] =	wrdreg $0x60  }
0xae: {  	[dreg:$0x2] =	wrdreg s2  }
0xaf: {  	[dreg:$0x3] =	wrdreg s24  }
0xb0: {  	[dreg:$0x4] =	wrdreg $0xA8000  }
0xb1: {  	[dreg:$0x5] =	wrdreg $0x9  }
0xb2: {  	_ =	task.clear_ibuf [dreg:s7], $0x6FFFF;
	_ =	strace $0x90000049  }
0xb3: {  	s29 =	simm.s32 $0x9;
	_ =	strace $0x8000004B  }
0xb4: {  	_ =	swait.ge [sflag:s29], $0x1  }
0xb5: {  	[sflag:s29] =	ssyncadd.s32 $0xFFFFFFFF  }
0xb6: {  	_ =	strace $0x9000004B  }
0xb7: {  	_ =	sfence  }
0xb8: {  	s30 =	sld [smem:$0x0];
	_ =	sdelay $0x2  }
0xb9: {  	s31 =	sshll.u32 s1, $0xD;
	s1 =	sshrl.u32 s1, $0x2  }
0xba: {  	s3 =	sand.u32 $0x4000, s31;
	s1 =	sadd.s32 s1, s30  }
0xbb: {  	s0 =	sor.u32 s3, s0;
	s1 =	sshll.u32 s1, $0x11  }
0xbc: {  	s0 =	sor.u32 s1, s0  }
0xbd: {  	s0 =	sadd.s32 $0x8F2B, s0  }
0xbe: {  	[sflag:s0] =	ssyncadd.remote.s32 $0x1  }
0xbf: {  	_ =	sfence.sel $0xFFFF  }
0xc0: {  	[dreg:$0x0] =	wrdreg $0xFFFFFFFF;
	(pc) =	sbr.abs _section_cstart, $3  }
0xc1: {  	[dreg:$0x1] =	wrdreg $0xFFFFFFFF  }
0xc2: {  	_ =	task.clear_ibuf [dreg:s7], $0x2FFFF;
	_ =	strace $0x9FFFFFFF  }
0xc3: {  	(tm) =	ssettm $0x7FFFFFFF  }
tec
execute0_lowered:
.L_overlay_start_1:
0x0: {  	(tag) =	ssettag $0x1  }
0x1: {  	s2 =	rddreg [dreg:$0x0]  }
0x2: {  	s0 =	rddreg [dreg:$0x1]  }
0x3: {  	s3 =	rddreg [dreg:$0x2];
	s11 =	stileid.u32;
	s5 =	simm.s32 $0x0  }
0x4: {  	s4 =	srdreg.scid;
	s28 =	simm.s32 $0x2;
	s29 =	simm.s32 $0x1480  }
0x5: {  	s30 =	simm.s32 $0x180;
	s31 =	simm.s32 $0x8800;
	s12 =	simm.s32 $0x7  }
0x6: {  	s1 =	smul.u32 $0x14000, s11;
	[smem:$0x7FF] =	sst s5;
	s4 =	sand.u32 $0x1, s4  }
0x7: {  	s7 =	sadd.s32 $0x16400, s0;
	s8 =	sadd.s32 $0x2400, s0;
	s14 =	smul.u32 $0x50000, s11  }
0x8: {  	s17 =	sshll.u32 s11, $0x6;
	_ =	strace $0x8000004A;
	s6 =	smul.u32 $0x140000, s4  }
0x9: {  	s9 =	sshll.u32 s4, $0x4;
	s4 =	ssub.s32 $0x2, s4;
	s13 =	sshrl.u32 s1, $0x3  }
0xa: {  	s9 =	sor.u32 s11, s9;
	s10 =	sshrl.u32 s4, $0x1;
	s11 =	simm.s32 $0x280  }
0xb: {  	s5 =	sadd.s32 s13, s0;
	s1 =	sadd.s32 s1, s6;
	s6 =	sshrl.u32 s14, $0x2  }
0xc: {  	s9 =	smul.u32 $0x5000, s9;
	s15 =	ssub.s32 s4, s10;
	s10 =	simm.s32 $0x6  }
0xd: {  	s13 =	simm.s32 $0x8;
	s14 =	simm.s32 $0x0;
	s1 =	sshrl.u32 s1, $0x3  }
0xe: {  	s16 =	sadd.s32 s6, s3;
	s5 =	sadd.s32 $0x2A400, s5;
	s6 =	sor.u32 $0x1C09, s17  }
0xf: {  	s26 =	smax.u32 s15, $0x1;
	s0 =	sadd.s32 s1, s0;
	[dreg:$0x4] =	wrdreg s5  }
0x10: {  	s9 =	sshrl.u32 s9, $0x3;
	[dreg:$0xe] =	wrdreg s26;
	s15 =	sshrl.u32 s16, $0x3  }
0x11: {  	s26 =	simm.s32 $0x6800;
	s1 =	simm.s32 $0x1500;
	s18 =	sadd.s32 s7, s9  }
0x12: {  	s19 =	sadd.s32 $0x280, s9;
	s20 =	sadd.s32 s8, s9;
	[dreg:$0x5] =	wrdreg s18  }
0x13: {  	s22 =	sadd.s32 $0x500, s9;
	s0 =	sadd.s32 $0x52400, s0;
	[dreg:$0x6] =	wrdreg s20  }
0x14: {  	s24 =	sadd.s32 $0x780, s9;
	s21 =	sadd.s32 s7, s19;
	[dreg:$0xd] =	wrdreg s0  }
0x15: {  	s9 =	simm.s32 $0x1580;
	s5 =	sadd.s32 s8, s19;
	[dreg:$0x7] =	wrdreg s21  }
0x16: {  	s23 =	sadd.s32 s7, s22;
	s25 =	sadd.s32 s8, s22;
	[dreg:$0x8] =	wrdreg s5  }
0x17: {  	s7 =	sadd.s32 s7, s24;
	s18 =	simm.s32 $0x9;
	[dreg:$0x9] =	wrdreg s23  }
.Ltmp0:
0x18: {  	s19 =	simm.s32 $0x1400;
	[dreg:$0xa] =	wrdreg s25;
	(pc) =	sbr.rel .LBB2_1-.Ltmp0, $4  }
0x19: {  	s20 =	simm.s32 $0x40;
	s0 =	simm.s32 $0x3;
	[dreg:$0xb] =	wrdreg s7  }
0x1a: {  	s5 =	sadd.s32 s8, s24;
	s21 =	simm.s32 $0x2800;
	s23 =	simm.s32 $0x4800  }
0x1b: {  	s24 =	simm.s32 $0x1;
	s25 =	simm.s32 $0x100;
	s7 =	simm.s32 $0x200  }
0x1c: {  	s8 =	simm.s32 $0x4;
	[dreg:$0xc] =	wrdreg s5;
	s5 =	simm.s32 $0x5  }
.LBB2_13:
0x1d: {  	_ =	swait.ge [sflag:s8], $0x2000  }
0x1e: {  	[sflag:s8] =	ssyncset.done $0x0  }
0x1f: {  	[sflag:s8] =	ssyncadd.s32 $0xFFFFE000  }
0x20: {  	[spmem:s3] =	stream.indirect.scatter.add.f32 [tilespmem:s31], [sflag:$0x8], $0x80, s4, s20, $0xb8;
	[tilespmem:$0x1E800] =	vst v63  }
0x21: {  	_ =	swait.ge [sflag:s5], $0x2000  }
0x22: {  	[sflag:s5] =	ssyncset.done $0x0  }
0x23: {  	[sflag:s5] =	ssyncadd.s32 $0xFFFFE000  }
0x24: {  	_ =	swait.ge [sflag:s10], $0x2000  }
0x25: {  	[sflag:s10] =	ssyncset.done $0x0  }
0x26: {  	[sflag:s10] =	ssyncadd.s32 $0xFFFFE000  }
0x27: {  	_ =	swait.ge [sflag:s12], $0x2000  }
0x28: {  	[sflag:s12] =	ssyncset.done $0x0  }
0x29: {  	[sflag:s12] =	ssyncadd.s32 $0xFFFFE000  }
0x2a: {  	_ =	swait.ge [sflag:s13], $0x2000  }
0x2b: {  	[sflag:s13] =	ssyncset.done $0x0  }
0x2c: {  	[sflag:s13] =	ssyncadd.s32 $0xFFFFE000  }
0x2d: {  	[bflag:$0x0] =	sbarrier.arrive $0xFFFF  }
0x2e: {  	s16 =	rddreg [dreg:$0xd]  }
0x2f: {  	[hbm:s16], [sflag:s17] =	dma.local [spmem:s22], $0x2800  }
0x30: {  	_ =	swait.ge [sflag:s18], $0x2800  }
0x31: {  	s15 =	smov.u32 s22;
	s14 =	sadd.s32 $0x1, s14;
	s22 =	rddreg [dreg:$0xe]  }
0x32: {  	p0 =	sne.s32 s14, s22  }
.Ltmp1:
0x33: {  	_ = 	snop;
	(pc) =	sbr.rel @!p0 .LBB2_14-.Ltmp1, $3  }
0x34: {  	_ =	sdelay $0x1  }
0x35: {  	[sflag:s18] =	ssyncset.done $0x0  }
0x36: {  	s6 =	smov.u32 s17;
	[sflag:s18] =	ssyncadd.s32 $0xFFFFD800  }
.LBB2_1:
0x37: {  	s4 =	rddreg [dreg:$0x4]  }
0x38: {  	[spmem:s15], [sflag:s6] =	dma.local [hbm:s4], $0x2800  }
0x39: {  	_ =	swait.ge [sflag:s18], $0x2800  }
0x3a: {  	[sflag:s18] =	ssyncset.done $0x0  }
0x3b: {  	[sflag:s18] =	ssyncadd.s32 $0xFFFFD800  }
0x3c: {  	[bflag:$0x0] =	sbarrier.arrive $0xFFFF  }
0x3d: {  	s4 =	simm.s32 $0x0;
	s16 =	rddreg [dreg:$0x5]  }
0x3e: {  	[tilespmem:s4], [sflag:$0x9] =	stream.linear.gather [hbm4b:s16+s4], $0x1400, $0x38;
	[tilespmem:$0x1E800] =	vst v63  }
0x3f: {  	_ =	swait.ge [sflag:s18], $0x1400  }
0x40: {  	[sflag:s18] =	ssyncset.done $0x0  }
0x41: {  	s22 =	smov.u32 s15;
	s15 =	rddreg [dreg:$0x6];
	[sflag:s18] =	ssyncadd.s32 $0xFFFFEC00  }
0x42: {  	[tilespmem:s19], [sflag:$0x9] =	stream.linear.gather [hbm4b:s15+s4], $0x1400, $0x38;
	[tilespmem:$0x1E800] =	vst v63  }
0x43: {  	_ =	swait.ge [sflag:s18], $0x1400  }
0x44: {  	[sflag:s18] =	ssyncset.done $0x0  }
0x45: {  	[sflag:s18] =	ssyncadd.s32 $0xFFFFEC00  }
0x46: {  	[tilespmem:s21], [sflag:$0x1] =	stream.indirect.gather [hbm4b:s2+s20], $0x80, s4, s20, $0xb8;
	[tilespmem:$0x1E800] =	vst v63  }
0x47: {  	s16 =	simm.s32 $0x80  }
0x48: {  	[tilespmem:s23], [sflag:$0x2] =	stream.indirect.gather [hbm4b:s2+s20], $0x80, s16, s20, $0xb8;
	[tilespmem:$0x1E800] =	vst v63  }
0x49: {  	_ =	swait.ge [sflag:s24], $0x2000  }
0x4a: {  	[sflag:s24] =	ssyncset.done $0x0  }
0x4b: {  	[sflag:s24] =	ssyncadd.s32 $0xFFFFE000  }
0x4c: {  	[spmem:s3] =	stream.indirect.scatter.add.f32 [tilespmem:s21], [sflag:$0x5], $0x80, s19, s20, $0xb8;
	[tilespmem:$0x1E800] =	vst v63  }
0x4d: {  	_ = 	snop  }
0x4e: {  	[tilespmem:s26], [sflag:$0x3] =	stream.indirect.gather [hbm4b:s2+s20], $0x80, s25, s20, $0xb8;
	[tilespmem:$0x1E800] =	vst v63  }
0x4f: {  	_ =	swait.ge [sflag:s28], $0x2000  }
0x50: {  	[sflag:s28] =	ssyncset.done $0x0  }
0x51: {  	[sflag:s28] =	ssyncadd.s32 $0xFFFFE000  }
0x52: {  	[spmem:s3] =	stream.indirect.scatter.add.f32 [tilespmem:s23], [sflag:$0x6], $0x80, s29, s20, $0xb8;
	[tilespmem:$0x1E800] =	vst v63  }
0x53: {  	_ = 	snop  }
0x54: {  	[tilespmem:s31], [sflag:$0x4] =	stream.indirect.gather [hbm4b:s2+s20], $0x80, s30, s20, $0xb8;
	[tilespmem:$0x1E800] =	vst v63  }
0x55: {  	_ =	swait.ge [sflag:s0], $0x2000  }
0x56: {  	[sflag:s0] =	ssyncset.done $0x0  }
0x57: {  	[sflag:s0] =	ssyncadd.s32 $0xFFFFE000  }
0x58: {  	[spmem:s3] =	stream.indirect.scatter.add.f32 [tilespmem:s26], [sflag:$0x7], $0x80, s1, s20, $0xb8;
	[tilespmem:$0x1E800] =	vst v63  }
0x59: {  	_ =	swait.ge [sflag:s5], $0x2000  }
0x5a: {  	[sflag:s5] =	ssyncset.done $0x0  }
0x5b: {  	[sflag:s5] =	ssyncadd.s32 $0xFFFFE000  }
0x5c: {  	[tilespmem:s21], [sflag:$0x1] =	stream.indirect.gather [hbm4b:s2+s20], $0x80, s7, s20, $0xb8;
	[tilespmem:$0x1E800] =	vst v63  }
0x5d: {  	_ =	swait.ge [sflag:s8], $0x2000  }
0x5e: {  	[sflag:s8] =	ssyncset.done $0x0  }
0x5f: {  	[sflag:s8] =	ssyncadd.s32 $0xFFFFE000  }
0x60: {  	[spmem:s3] =	stream.indirect.scatter.add.f32 [tilespmem:s31], [sflag:$0x8], $0x80, s9, s20, $0xb8;
	[tilespmem:$0x1E800] =	vst v63  }
0x61: {  	_ =	swait.ge [sflag:s10], $0x2000  }
0x62: {  	[sflag:s10] =	ssyncset.done $0x0  }
0x63: {  	s17 =	smov.u32 s6;
	s15 =	simm.s32 $0x0;
	[sflag:s10] =	ssyncadd.s32 $0xFFFFE000  }
0x64: {  	[tilespmem:s23], [sflag:$0x2] =	stream.indirect.gather [hbm4b:s2+s20], $0x80, s11, s20, $0xb8;
	[tilespmem:$0x1E800] =	vst v63  }
.LBB2_2:
0x65: {  	_ =	swait.ge [sflag:s24], $0x2000  }
0x66: {  	s16 =	sshra.s32 s15, $0x2;
	[sflag:s24] =	ssyncset.done $0x0  }
0x67: {  	s4 =	sadd.s32 $0x1600, s16;
	[sflag:s24] =	ssyncadd.s32 $0xFFFFE000  }
0x68: {  	[spmem:s3] =	stream.indirect.scatter.add.f32 [tilespmem:s21], [sflag:$0x5], $0x80, s4, s20, $0xb8;
	[tilespmem:$0x1E800] =	vst v63  }
0x69: {  	_ =	swait.ge [sflag:s12], $0x2000  }
0x6a: {  	[sflag:s12] =	ssyncset.done $0x0  }
0x6b: {  	s6 =	sadd.s32 $0x300, s16;
	[sflag:s12] =	ssyncadd.s32 $0xFFFFE000  }
0x6c: {  	[tilespmem:s26], [sflag:$0x3] =	stream.indirect.gather [hbm4b:s2+s20], $0x80, s6, s20, $0xb8;
	[tilespmem:$0x1E800] =	vst v63  }
0x6d: {  	_ =	swait.ge [sflag:s28], $0x2000  }
0x6e: {  	[sflag:s28] =	ssyncset.done $0x0  }
0x6f: {  	s6 =	sadd.s32 $0x1680, s16;
	[sflag:s28] =	ssyncadd.s32 $0xFFFFE000  }
0x70: {  	[spmem:s3] =	stream.indirect.scatter.add.f32 [tilespmem:s23], [sflag:$0x6], $0x80, s6, s20, $0xb8;
	[tilespmem:$0x1E800] =	vst v63  }
0x71: {  	_ =	swait.ge [sflag:s13], $0x2000  }
0x72: {  	[sflag:s13] =	ssyncset.done $0x0  }
0x73: {  	p0 =	seq.s32 s15, $0x4000;
	s6 =	sadd.s32 $0x380, s16;
	[sflag:s13] =	ssyncadd.s32 $0xFFFFE000  }
0x74: {  	[tilespmem:s31], [sflag:$0x4] =	stream.indirect.gather [hbm4b:s2+s20], $0x80, s6, s20, $0xb8;
	[tilespmem:$0x1E800] =	vst v63  }
.Ltmp2:
0x75: {  	_ = 	snop;
	(pc) =	sbr.rel @p0 .LBB2_4-.Ltmp2, $4  }
0x76: {  	_ =	swait.ge [sflag:s0], $0x2000  }
0x77: {  	[sflag:s0] =	ssyncset.done $0x0  }
0x78: {  	s4 =	sadd.s32 $0x1780, s16;
	s6 =	sadd.s32 $0x1700, s16;
	[sflag:s0] =	ssyncadd.s32 $0xFFFFE000  }
0x79: {  	[spmem:s3] =	stream.indirect.scatter.add.f32 [tilespmem:s26], [sflag:$0x7], $0x80, s6, s20, $0xb8;
	[tilespmem:$0x1E800] =	vst v63  }
0x7a: {  	_ =	swait.ge [sflag:s5], $0x2000  }
0x7b: {  	[sflag:s5] =	ssyncset.done $0x0  }
0x7c: {  	s6 =	sadd.s32 $0x400, s16;
	[sflag:s5] =	ssyncadd.s32 $0xFFFFE000  }
0x7d: {  	[tilespmem:s21], [sflag:$0x1] =	stream.indirect.gather [hbm4b:s2+s20], $0x80, s6, s20, $0xb8;
	[tilespmem:$0x1E800] =	vst v63  }
0x7e: {  	_ =	swait.ge [sflag:s8], $0x2000  }
0x7f: {  	[sflag:s8] =	ssyncset.done $0x0  }
0x80: {  	[sflag:s8] =	ssyncadd.s32 $0xFFFFE000  }
0x81: {  	[spmem:s3] =	stream.indirect.scatter.add.f32 [tilespmem:s31], [sflag:$0x8], $0x80, s4, s20, $0xb8;
	[tilespmem:$0x1E800] =	vst v63  }
.Ltmp3:
0x82: {  	_ = 	snop;
	(pc) =	sbr.rel .LBB2_2-.Ltmp3, $4  }
0x83: {  	_ =	swait.ge [sflag:s10], $0x2000  }
0x84: {  	[sflag:s10] =	ssyncset.done $0x0  }
0x85: {  	s16 =	sadd.s32 $0x480, s16;
	s15 =	sadd.s32 $0x800, s15;
	[sflag:s10] =	ssyncadd.s32 $0xFFFFE000  }
0x86: {  	[tilespmem:s23], [sflag:$0x2] =	stream.indirect.gather [hbm4b:s2+s20], $0x80, s16, s20, $0xb8;
	[tilespmem:$0x1E800] =	vst v63  }
.LBB2_4:
0x87: {  	_ =	swait.ge [sflag:s8], $0x2000  }
0x88: {  	[sflag:s8] =	ssyncset.done $0x0  }
0x89: {  	[sflag:s8] =	ssyncadd.s32 $0xFFFFE000  }
0x8a: {  	[spmem:s3] =	stream.indirect.scatter.add.f32 [tilespmem:s31], [sflag:$0x8], $0x80, s4, s20, $0xb8;
	[tilespmem:$0x1E800] =	vst v63  }
0x8b: {  	_ =	swait.ge [sflag:s5], $0x2000  }
0x8c: {  	[sflag:s5] =	ssyncset.done $0x0  }
0x8d: {  	[sflag:s5] =	ssyncadd.s32 $0xFFFFE000  }
0x8e: {  	_ =	swait.ge [sflag:s10], $0x2000  }
0x8f: {  	[sflag:s10] =	ssyncset.done $0x0  }
0x90: {  	[sflag:s10] =	ssyncadd.s32 $0xFFFFE000  }
0x91: {  	_ =	swait.ge [sflag:s12], $0x2000  }
0x92: {  	[sflag:s12] =	ssyncset.done $0x0  }
0x93: {  	[sflag:s12] =	ssyncadd.s32 $0xFFFFE000  }
0x94: {  	_ =	swait.ge [sflag:s13], $0x2000  }
0x95: {  	[sflag:s13] =	ssyncset.done $0x0  }
0x96: {  	s15 =	simm.s32 $0x0;
	s16 =	rddreg [dreg:$0x7];
	[sflag:s13] =	ssyncadd.s32 $0xFFFFE000  }
0x97: {  	[tilespmem:s15], [sflag:$0x9] =	stream.linear.gather [hbm4b:s16+s15], $0x1400, $0x38;
	[tilespmem:$0x1E800] =	vst v63  }
0x98: {  	_ =	swait.ge [sflag:s18], $0x1400  }
0x99: {  	[sflag:s18] =	ssyncset.done $0x0  }
0x9a: {  	s6 =	rddreg [dreg:$0x8];
	[sflag:s18] =	ssyncadd.s32 $0xFFFFEC00  }
0x9b: {  	[tilespmem:s19], [sflag:$0x9] =	stream.linear.gather [hbm4b:s6+s15], $0x1400, $0x38;
	[tilespmem:$0x1E800] =	vst v63  }
0x9c: {  	_ =	swait.ge [sflag:s18], $0x1400  }
0x9d: {  	[sflag:s18] =	ssyncset.done $0x0  }
0x9e: {  	[sflag:s18] =	ssyncadd.s32 $0xFFFFEC00  }
0x9f: {  	[tilespmem:s21], [sflag:$0x1] =	stream.indirect.gather [hbm4b:s2+s20], $0x80, s15, s20, $0xb8;
	[tilespmem:$0x1E800] =	vst v63  }
0xa0: {  	s16 =	simm.s32 $0x80  }
0xa1: {  	[tilespmem:s23], [sflag:$0x2] =	stream.indirect.gather [hbm4b:s2+s20], $0x80, s16, s20, $0xb8;
	[tilespmem:$0x1E800] =	vst v63  }
0xa2: {  	_ =	swait.ge [sflag:s24], $0x2000  }
0xa3: {  	[sflag:s24] =	ssyncset.done $0x0  }
0xa4: {  	[sflag:s24] =	ssyncadd.s32 $0xFFFFE000  }
0xa5: {  	[spmem:s3] =	stream.indirect.scatter.add.f32 [tilespmem:s21], [sflag:$0x5], $0x80, s19, s20, $0xb8;
	[tilespmem:$0x1E800] =	vst v63  }
0xa6: {  	_ = 	snop  }
0xa7: {  	[tilespmem:s26], [sflag:$0x3] =	stream.indirect.gather [hbm4b:s2+s20], $0x80, s25, s20, $0xb8;
	[tilespmem:$0x1E800] =	vst v63  }
0xa8: {  	_ =	swait.ge [sflag:s28], $0x2000  }
0xa9: {  	[sflag:s28] =	ssyncset.done $0x0  }
0xaa: {  	[sflag:s28] =	ssyncadd.s32 $0xFFFFE000  }
0xab: {  	[spmem:s3] =	stream.indirect.scatter.add.f32 [tilespmem:s23], [sflag:$0x6], $0x80, s29, s20, $0xb8;
	[tilespmem:$0x1E800] =	vst v63  }
0xac: {  	_ = 	snop  }
0xad: {  	[tilespmem:s31], [sflag:$0x4] =	stream.indirect.gather [hbm4b:s2+s20], $0x80, s30, s20, $0xb8;
	[tilespmem:$0x1E800] =	vst v63  }
0xae: {  	_ =	swait.ge [sflag:s0], $0x2000  }
0xaf: {  	[sflag:s0] =	ssyncset.done $0x0  }
0xb0: {  	[sflag:s0] =	ssyncadd.s32 $0xFFFFE000  }
0xb1: {  	[spmem:s3] =	stream.indirect.scatter.add.f32 [tilespmem:s26], [sflag:$0x7], $0x80, s1, s20, $0xb8;
	[tilespmem:$0x1E800] =	vst v63  }
0xb2: {  	_ =	swait.ge [sflag:s5], $0x2000  }
0xb3: {  	[sflag:s5] =	ssyncset.done $0x0  }
0xb4: {  	[sflag:s5] =	ssyncadd.s32 $0xFFFFE000  }
0xb5: {  	[tilespmem:s21], [sflag:$0x1] =	stream.indirect.gather [hbm4b:s2+s20], $0x80, s7, s20, $0xb8;
	[tilespmem:$0x1E800] =	vst v63  }
0xb6: {  	_ =	swait.ge [sflag:s8], $0x2000  }
0xb7: {  	[sflag:s8] =	ssyncset.done $0x0  }
0xb8: {  	[sflag:s8] =	ssyncadd.s32 $0xFFFFE000  }
0xb9: {  	[spmem:s3] =	stream.indirect.scatter.add.f32 [tilespmem:s31], [sflag:$0x8], $0x80, s9, s20, $0xb8;
	[tilespmem:$0x1E800] =	vst v63  }
0xba: {  	_ =	swait.ge [sflag:s10], $0x2000  }
0xbb: {  	[sflag:s10] =	ssyncset.done $0x0  }
0xbc: {  	[sflag:s10] =	ssyncadd.s32 $0xFFFFE000  }
0xbd: {  	[tilespmem:s23], [sflag:$0x2] =	stream.indirect.gather [hbm4b:s2+s20], $0x80, s11, s20, $0xb8;
	[tilespmem:$0x1E800] =	vst v63  }
.LBB2_5:
0xbe: {  	_ =	swait.ge [sflag:s24], $0x2000  }
0xbf: {  	s16 =	sshra.s32 s15, $0x2;
	[sflag:s24] =	ssyncset.done $0x0  }
0xc0: {  	s4 =	sadd.s32 $0x1600, s16;
	[sflag:s24] =	ssyncadd.s32 $0xFFFFE000  }
0xc1: {  	[spmem:s3] =	stream.indirect.scatter.add.f32 [tilespmem:s21], [sflag:$0x5], $0x80, s4, s20, $0xb8;
	[tilespmem:$0x1E800] =	vst v63  }
0xc2: {  	_ =	swait.ge [sflag:s12], $0x2000  }
0xc3: {  	[sflag:s12] =	ssyncset.done $0x0  }
0xc4: {  	s6 =	sadd.s32 $0x300, s16;
	[sflag:s12] =	ssyncadd.s32 $0xFFFFE000  }
0xc5: {  	[tilespmem:s26], [sflag:$0x3] =	stream.indirect.gather [hbm4b:s2+s20], $0x80, s6, s20, $0xb8;
	[tilespmem:$0x1E800] =	vst v63  }
0xc6: {  	_ =	swait.ge [sflag:s28], $0x2000  }
0xc7: {  	[sflag:s28] =	ssyncset.done $0x0  }
0xc8: {  	s6 =	sadd.s32 $0x1680, s16;
	[sflag:s28] =	ssyncadd.s32 $0xFFFFE000  }
0xc9: {  	[spmem:s3] =	stream.indirect.scatter.add.f32 [tilespmem:s23], [sflag:$0x6], $0x80, s6, s20, $0xb8;
	[tilespmem:$0x1E800] =	vst v63  }
0xca: {  	_ =	swait.ge [sflag:s13], $0x2000  }
0xcb: {  	[sflag:s13] =	ssyncset.done $0x0  }
0xcc: {  	p0 =	seq.s32 s15, $0x4000;
	s6 =	sadd.s32 $0x380, s16;
	[sflag:s13] =	ssyncadd.s32 $0xFFFFE000  }
0xcd: {  	[tilespmem:s31], [sflag:$0x4] =	stream.indirect.gather [hbm4b:s2+s20], $0x80, s6, s20, $0xb8;
	[tilespmem:$0x1E800] =	vst v63  }
.Ltmp4:
0xce: {  	_ = 	snop;
	(pc) =	sbr.rel @p0 .LBB2_7-.Ltmp4, $4  }
0xcf: {  	_ =	swait.ge [sflag:s0], $0x2000  }
0xd0: {  	[sflag:s0] =	ssyncset.done $0x0  }
0xd1: {  	s4 =	sadd.s32 $0x1780, s16;
	s6 =	sadd.s32 $0x1700, s16;
	[sflag:s0] =	ssyncadd.s32 $0xFFFFE000  }
0xd2: {  	[spmem:s3] =	stream.indirect.scatter.add.f32 [tilespmem:s26], [sflag:$0x7], $0x80, s6, s20, $0xb8;
	[tilespmem:$0x1E800] =	vst v63  }
0xd3: {  	_ =	swait.ge [sflag:s5], $0x2000  }
0xd4: {  	[sflag:s5] =	ssyncset.done $0x0  }
0xd5: {  	s6 =	sadd.s32 $0x400, s16;
	[sflag:s5] =	ssyncadd.s32 $0xFFFFE000  }
0xd6: {  	[tilespmem:s21], [sflag:$0x1] =	stream.indirect.gather [hbm4b:s2+s20], $0x80, s6, s20, $0xb8;
	[tilespmem:$0x1E800] =	vst v63  }
0xd7: {  	_ =	swait.ge [sflag:s8], $0x2000  }
0xd8: {  	[sflag:s8] =	ssyncset.done $0x0  }
0xd9: {  	[sflag:s8] =	ssyncadd.s32 $0xFFFFE000  }
0xda: {  	[spmem:s3] =	stream.indirect.scatter.add.f32 [tilespmem:s31], [sflag:$0x8], $0x80, s4, s20, $0xb8;
	[tilespmem:$0x1E800] =	vst v63  }
.Ltmp5:
0xdb: {  	_ = 	snop;
	(pc) =	sbr.rel .LBB2_5-.Ltmp5, $4  }
0xdc: {  	_ =	swait.ge [sflag:s10], $0x2000  }
0xdd: {  	[sflag:s10] =	ssyncset.done $0x0  }
0xde: {  	s16 =	sadd.s32 $0x480, s16;
	s15 =	sadd.s32 $0x800, s15;
	[sflag:s10] =	ssyncadd.s32 $0xFFFFE000  }
0xdf: {  	[tilespmem:s23], [sflag:$0x2] =	stream.indirect.gather [hbm4b:s2+s20], $0x80, s16, s20, $0xb8;
	[tilespmem:$0x1E800] =	vst v63  }
.LBB2_7:
0xe0: {  	_ =	swait.ge [sflag:s8], $0x2000  }
0xe1: {  	[sflag:s8] =	ssyncset.done $0x0  }
0xe2: {  	[sflag:s8] =	ssyncadd.s32 $0xFFFFE000  }
0xe3: {  	[spmem:s3] =	stream.indirect.scatter.add.f32 [tilespmem:s31], [sflag:$0x8], $0x80, s4, s20, $0xb8;
	[tilespmem:$0x1E800] =	vst v63  }
0xe4: {  	_ =	swait.ge [sflag:s5], $0x2000  }
0xe5: {  	[sflag:s5] =	ssyncset.done $0x0  }
0xe6: {  	[sflag:s5] =	ssyncadd.s32 $0xFFFFE000  }
0xe7: {  	_ =	swait.ge [sflag:s10], $0x2000  }
0xe8: {  	[sflag:s10] =	ssyncset.done $0x0  }
0xe9: {  	[sflag:s10] =	ssyncadd.s32 $0xFFFFE000  }
0xea: {  	_ =	swait.ge [sflag:s12], $0x2000  }
0xeb: {  	[sflag:s12] =	ssyncset.done $0x0  }
0xec: {  	[sflag:s12] =	ssyncadd.s32 $0xFFFFE000  }
0xed: {  	_ =	swait.ge [sflag:s13], $0x2000  }
0xee: {  	[sflag:s13] =	ssyncset.done $0x0  }
0xef: {  	s15 =	simm.s32 $0x0;
	s16 =	rddreg [dreg:$0x9];
	[sflag:s13] =	ssyncadd.s32 $0xFFFFE000  }
0xf0: {  	[tilespmem:s15], [sflag:$0x9] =	stream.linear.gather [hbm4b:s16+s15], $0x1400, $0x38;
	[tilespmem:$0x1E800] =	vst v63  }
0xf1: {  	_ =	swait.ge [sflag:s18], $0x1400  }
0xf2: {  	[sflag:s18] =	ssyncset.done $0x0  }
0xf3: {  	s6 =	rddreg [dreg:$0xa];
	[sflag:s18] =	ssyncadd.s32 $0xFFFFEC00  }
0xf4: {  	[tilespmem:s19], [sflag:$0x9] =	stream.linear.gather [hbm4b:s6+s15], $0x1400, $0x38;
	[tilespmem:$0x1E800] =	vst v63  }
0xf5: {  	_ =	swait.ge [sflag:s18], $0x1400  }
0xf6: {  	[sflag:s18] =	ssyncset.done $0x0  }
0xf7: {  	[sflag:s18] =	ssyncadd.s32 $0xFFFFEC00  }
0xf8: {  	[tilespmem:s21], [sflag:$0x1] =	stream.indirect.gather [hbm4b:s2+s20], $0x80, s15, s20, $0xb8;
	[tilespmem:$0x1E800] =	vst v63  }
0xf9: {  	s16 =	simm.s32 $0x80  }
0xfa: {  	[tilespmem:s23], [sflag:$0x2] =	stream.indirect.gather [hbm4b:s2+s20], $0x80, s16, s20, $0xb8;
	[tilespmem:$0x1E800] =	vst v63  }
0xfb: {  	_ =	swait.ge [sflag:s24], $0x2000  }
0xfc: {  	[sflag:s24] =	ssyncset.done $0x0  }
0xfd: {  	[sflag:s24] =	ssyncadd.s32 $0xFFFFE000  }
0xfe: {  	[spmem:s3] =	stream.indirect.scatter.add.f32 [tilespmem:s21], [sflag:$0x5], $0x80, s19, s20, $0xb8;
	[tilespmem:$0x1E800] =	vst v63  }
0xff: {  	_ = 	snop  }
0x100: {  	[tilespmem:s26], [sflag:$0x3] =	stream.indirect.gather [hbm4b:s2+s20], $0x80, s25, s20, $0xb8;
	[tilespmem:$0x1E800] =	vst v63  }
0x101: {  	_ =	swait.ge [sflag:s28], $0x2000  }
0x102: {  	[sflag:s28] =	ssyncset.done $0x0  }
0x103: {  	[sflag:s28] =	ssyncadd.s32 $0xFFFFE000  }
0x104: {  	[spmem:s3] =	stream.indirect.scatter.add.f32 [tilespmem:s23], [sflag:$0x6], $0x80, s29, s20, $0xb8;
	[tilespmem:$0x1E800] =	vst v63  }
0x105: {  	_ = 	snop  }
0x106: {  	[tilespmem:s31], [sflag:$0x4] =	stream.indirect.gather [hbm4b:s2+s20], $0x80, s30, s20, $0xb8;
	[tilespmem:$0x1E800] =	vst v63  }
0x107: {  	_ =	swait.ge [sflag:s0], $0x2000  }
0x108: {  	[sflag:s0] =	ssyncset.done $0x0  }
0x109: {  	[sflag:s0] =	ssyncadd.s32 $0xFFFFE000  }
0x10a: {  	[spmem:s3] =	stream.indirect.scatter.add.f32 [tilespmem:s26], [sflag:$0x7], $0x80, s1, s20, $0xb8;
	[tilespmem:$0x1E800] =	vst v63  }
0x10b: {  	_ =	swait.ge [sflag:s5], $0x2000  }
0x10c: {  	[sflag:s5] =	ssyncset.done $0x0  }
0x10d: {  	[sflag:s5] =	ssyncadd.s32 $0xFFFFE000  }
0x10e: {  	[tilespmem:s21], [sflag:$0x1] =	stream.indirect.gather [hbm4b:s2+s20], $0x80, s7, s20, $0xb8;
	[tilespmem:$0x1E800] =	vst v63  }
0x10f: {  	_ =	swait.ge [sflag:s8], $0x2000  }
0x110: {  	[sflag:s8] =	ssyncset.done $0x0  }
0x111: {  	[sflag:s8] =	ssyncadd.s32 $0xFFFFE000  }
0x112: {  	[spmem:s3] =	stream.indirect.scatter.add.f32 [tilespmem:s31], [sflag:$0x8], $0x80, s9, s20, $0xb8;
	[tilespmem:$0x1E800] =	vst v63  }
0x113: {  	_ =	swait.ge [sflag:s10], $0x2000  }
0x114: {  	[sflag:s10] =	ssyncset.done $0x0  }
0x115: {  	[sflag:s10] =	ssyncadd.s32 $0xFFFFE000  }
0x116: {  	[tilespmem:s23], [sflag:$0x2] =	stream.indirect.gather [hbm4b:s2+s20], $0x80, s11, s20, $0xb8;
	[tilespmem:$0x1E800] =	vst v63  }
.LBB2_8:
0x117: {  	_ =	swait.ge [sflag:s24], $0x2000  }
0x118: {  	s16 =	sshra.s32 s15, $0x2;
	[sflag:s24] =	ssyncset.done $0x0  }
0x119: {  	s4 =	sadd.s32 $0x1600, s16;
	[sflag:s24] =	ssyncadd.s32 $0xFFFFE000  }
0x11a: {  	[spmem:s3] =	stream.indirect.scatter.add.f32 [tilespmem:s21], [sflag:$0x5], $0x80, s4, s20, $0xb8;
	[tilespmem:$0x1E800] =	vst v63  }
0x11b: {  	_ =	swait.ge [sflag:s12], $0x2000  }
0x11c: {  	[sflag:s12] =	ssyncset.done $0x0  }
0x11d: {  	s6 =	sadd.s32 $0x300, s16;
	[sflag:s12] =	ssyncadd.s32 $0xFFFFE000  }
0x11e: {  	[tilespmem:s26], [sflag:$0x3] =	stream.indirect.gather [hbm4b:s2+s20], $0x80, s6, s20, $0xb8;
	[tilespmem:$0x1E800] =	vst v63  }
0x11f: {  	_ =	swait.ge [sflag:s28], $0x2000  }
0x120: {  	[sflag:s28] =	ssyncset.done $0x0  }
0x121: {  	s6 =	sadd.s32 $0x1680, s16;
	[sflag:s28] =	ssyncadd.s32 $0xFFFFE000  }
0x122: {  	[spmem:s3] =	stream.indirect.scatter.add.f32 [tilespmem:s23], [sflag:$0x6], $0x80, s6, s20, $0xb8;
	[tilespmem:$0x1E800] =	vst v63  }
0x123: {  	_ =	swait.ge [sflag:s13], $0x2000  }
0x124: {  	[sflag:s13] =	ssyncset.done $0x0  }
0x125: {  	p0 =	seq.s32 s15, $0x4000;
	s6 =	sadd.s32 $0x380, s16;
	[sflag:s13] =	ssyncadd.s32 $0xFFFFE000  }
0x126: {  	[tilespmem:s31], [sflag:$0x4] =	stream.indirect.gather [hbm4b:s2+s20], $0x80, s6, s20, $0xb8;
	[tilespmem:$0x1E800] =	vst v63  }
.Ltmp6:
0x127: {  	_ = 	snop;
	(pc) =	sbr.rel @p0 .LBB2_10-.Ltmp6, $4  }
0x128: {  	_ =	swait.ge [sflag:s0], $0x2000  }
0x129: {  	[sflag:s0] =	ssyncset.done $0x0  }
0x12a: {  	s4 =	sadd.s32 $0x1780, s16;
	s6 =	sadd.s32 $0x1700, s16;
	[sflag:s0] =	ssyncadd.s32 $0xFFFFE000  }
0x12b: {  	[spmem:s3] =	stream.indirect.scatter.add.f32 [tilespmem:s26], [sflag:$0x7], $0x80, s6, s20, $0xb8;
	[tilespmem:$0x1E800] =	vst v63  }
0x12c: {  	_ =	swait.ge [sflag:s5], $0x2000  }
0x12d: {  	[sflag:s5] =	ssyncset.done $0x0  }
0x12e: {  	s6 =	sadd.s32 $0x400, s16;
	[sflag:s5] =	ssyncadd.s32 $0xFFFFE000  }
0x12f: {  	[tilespmem:s21], [sflag:$0x1] =	stream.indirect.gather [hbm4b:s2+s20], $0x80, s6, s20, $0xb8;
	[tilespmem:$0x1E800] =	vst v63  }
0x130: {  	_ =	swait.ge [sflag:s8], $0x2000  }
0x131: {  	[sflag:s8] =	ssyncset.done $0x0  }
0x132: {  	[sflag:s8] =	ssyncadd.s32 $0xFFFFE000  }
0x133: {  	[spmem:s3] =	stream.indirect.scatter.add.f32 [tilespmem:s31], [sflag:$0x8], $0x80, s4, s20, $0xb8;
	[tilespmem:$0x1E800] =	vst v63  }
.Ltmp7:
0x134: {  	_ = 	snop;
	(pc) =	sbr.rel .LBB2_8-.Ltmp7, $4  }
0x135: {  	_ =	swait.ge [sflag:s10], $0x2000  }
0x136: {  	[sflag:s10] =	ssyncset.done $0x0  }
0x137: {  	s16 =	sadd.s32 $0x480, s16;
	s15 =	sadd.s32 $0x800, s15;
	[sflag:s10] =	ssyncadd.s32 $0xFFFFE000  }
0x138: {  	[tilespmem:s23], [sflag:$0x2] =	stream.indirect.gather [hbm4b:s2+s20], $0x80, s16, s20, $0xb8;
	[tilespmem:$0x1E800] =	vst v63  }
.LBB2_10:
0x139: {  	_ =	swait.ge [sflag:s8], $0x2000  }
0x13a: {  	[sflag:s8] =	ssyncset.done $0x0  }
0x13b: {  	[sflag:s8] =	ssyncadd.s32 $0xFFFFE000  }
0x13c: {  	[spmem:s3] =	stream.indirect.scatter.add.f32 [tilespmem:s31], [sflag:$0x8], $0x80, s4, s20, $0xb8;
	[tilespmem:$0x1E800] =	vst v63  }
0x13d: {  	_ =	swait.ge [sflag:s5], $0x2000  }
0x13e: {  	[sflag:s5] =	ssyncset.done $0x0  }
0x13f: {  	[sflag:s5] =	ssyncadd.s32 $0xFFFFE000  }
0x140: {  	_ =	swait.ge [sflag:s10], $0x2000  }
0x141: {  	[sflag:s10] =	ssyncset.done $0x0  }
0x142: {  	[sflag:s10] =	ssyncadd.s32 $0xFFFFE000  }
0x143: {  	_ =	swait.ge [sflag:s12], $0x2000  }
0x144: {  	[sflag:s12] =	ssyncset.done $0x0  }
0x145: {  	[sflag:s12] =	ssyncadd.s32 $0xFFFFE000  }
0x146: {  	_ =	swait.ge [sflag:s13], $0x2000  }
0x147: {  	[sflag:s13] =	ssyncset.done $0x0  }
0x148: {  	s15 =	simm.s32 $0x0;
	s16 =	rddreg [dreg:$0xb];
	[sflag:s13] =	ssyncadd.s32 $0xFFFFE000  }
0x149: {  	[tilespmem:s15], [sflag:$0x9] =	stream.linear.gather [hbm4b:s16+s15], $0x1400, $0x38;
	[tilespmem:$0x1E800] =	vst v63  }
0x14a: {  	_ =	swait.ge [sflag:s18], $0x1400  }
0x14b: {  	[sflag:s18] =	ssyncset.done $0x0  }
0x14c: {  	s6 =	rddreg [dreg:$0xc];
	[sflag:s18] =	ssyncadd.s32 $0xFFFFEC00  }
0x14d: {  	[tilespmem:s19], [sflag:$0x9] =	stream.linear.gather [hbm4b:s6+s15], $0x1400, $0x38;
	[tilespmem:$0x1E800] =	vst v63  }
0x14e: {  	_ =	swait.ge [sflag:s18], $0x1400  }
0x14f: {  	[sflag:s18] =	ssyncset.done $0x0  }
0x150: {  	[sflag:s18] =	ssyncadd.s32 $0xFFFFEC00  }
0x151: {  	[tilespmem:s21], [sflag:$0x1] =	stream.indirect.gather [hbm4b:s2+s20], $0x80, s15, s20, $0xb8;
	[tilespmem:$0x1E800] =	vst v63  }
0x152: {  	s16 =	simm.s32 $0x80  }
0x153: {  	[tilespmem:s23], [sflag:$0x2] =	stream.indirect.gather [hbm4b:s2+s20], $0x80, s16, s20, $0xb8;
	[tilespmem:$0x1E800] =	vst v63  }
0x154: {  	_ =	swait.ge [sflag:s24], $0x2000  }
0x155: {  	[sflag:s24] =	ssyncset.done $0x0  }
0x156: {  	[sflag:s24] =	ssyncadd.s32 $0xFFFFE000  }
0x157: {  	[spmem:s3] =	stream.indirect.scatter.add.f32 [tilespmem:s21], [sflag:$0x5], $0x80, s19, s20, $0xb8;
	[tilespmem:$0x1E800] =	vst v63  }
0x158: {  	_ = 	snop  }
0x159: {  	[tilespmem:s26], [sflag:$0x3] =	stream.indirect.gather [hbm4b:s2+s20], $0x80, s25, s20, $0xb8;
	[tilespmem:$0x1E800] =	vst v63  }
0x15a: {  	_ =	swait.ge [sflag:s28], $0x2000  }
0x15b: {  	[sflag:s28] =	ssyncset.done $0x0  }
0x15c: {  	[sflag:s28] =	ssyncadd.s32 $0xFFFFE000  }
0x15d: {  	[spmem:s3] =	stream.indirect.scatter.add.f32 [tilespmem:s23], [sflag:$0x6], $0x80, s29, s20, $0xb8;
	[tilespmem:$0x1E800] =	vst v63  }
0x15e: {  	_ = 	snop  }
0x15f: {  	[tilespmem:s31], [sflag:$0x4] =	stream.indirect.gather [hbm4b:s2+s20], $0x80, s30, s20, $0xb8;
	[tilespmem:$0x1E800] =	vst v63  }
0x160: {  	_ =	swait.ge [sflag:s0], $0x2000  }
0x161: {  	[sflag:s0] =	ssyncset.done $0x0  }
0x162: {  	[sflag:s0] =	ssyncadd.s32 $0xFFFFE000  }
0x163: {  	[spmem:s3] =	stream.indirect.scatter.add.f32 [tilespmem:s26], [sflag:$0x7], $0x80, s1, s20, $0xb8;
	[tilespmem:$0x1E800] =	vst v63  }
0x164: {  	_ =	swait.ge [sflag:s5], $0x2000  }
0x165: {  	[sflag:s5] =	ssyncset.done $0x0  }
0x166: {  	[sflag:s5] =	ssyncadd.s32 $0xFFFFE000  }
0x167: {  	[tilespmem:s21], [sflag:$0x1] =	stream.indirect.gather [hbm4b:s2+s20], $0x80, s7, s20, $0xb8;
	[tilespmem:$0x1E800] =	vst v63  }
0x168: {  	_ =	swait.ge [sflag:s8], $0x2000  }
0x169: {  	[sflag:s8] =	ssyncset.done $0x0  }
0x16a: {  	[sflag:s8] =	ssyncadd.s32 $0xFFFFE000  }
0x16b: {  	[spmem:s3] =	stream.indirect.scatter.add.f32 [tilespmem:s31], [sflag:$0x8], $0x80, s9, s20, $0xb8;
	[tilespmem:$0x1E800] =	vst v63  }
0x16c: {  	_ =	swait.ge [sflag:s10], $0x2000  }
0x16d: {  	[sflag:s10] =	ssyncset.done $0x0  }
0x16e: {  	[sflag:s10] =	ssyncadd.s32 $0xFFFFE000  }
0x16f: {  	[tilespmem:s23], [sflag:$0x2] =	stream.indirect.gather [hbm4b:s2+s20], $0x80, s11, s20, $0xb8;
	[tilespmem:$0x1E800] =	vst v63  }
.LBB2_11:
0x170: {  	_ =	swait.ge [sflag:s24], $0x2000  }
0x171: {  	s16 =	sshra.s32 s15, $0x2;
	[sflag:s24] =	ssyncset.done $0x0  }
0x172: {  	s4 =	sadd.s32 $0x1600, s16;
	[sflag:s24] =	ssyncadd.s32 $0xFFFFE000  }
0x173: {  	[spmem:s3] =	stream.indirect.scatter.add.f32 [tilespmem:s21], [sflag:$0x5], $0x80, s4, s20, $0xb8;
	[tilespmem:$0x1E800] =	vst v63  }
0x174: {  	_ =	swait.ge [sflag:s12], $0x2000  }
0x175: {  	[sflag:s12] =	ssyncset.done $0x0  }
0x176: {  	s6 =	sadd.s32 $0x300, s16;
	[sflag:s12] =	ssyncadd.s32 $0xFFFFE000  }
0x177: {  	[tilespmem:s26], [sflag:$0x3] =	stream.indirect.gather [hbm4b:s2+s20], $0x80, s6, s20, $0xb8;
	[tilespmem:$0x1E800] =	vst v63  }
0x178: {  	_ =	swait.ge [sflag:s28], $0x2000  }
0x179: {  	[sflag:s28] =	ssyncset.done $0x0  }
0x17a: {  	s6 =	sadd.s32 $0x1680, s16;
	[sflag:s28] =	ssyncadd.s32 $0xFFFFE000  }
0x17b: {  	[spmem:s3] =	stream.indirect.scatter.add.f32 [tilespmem:s23], [sflag:$0x6], $0x80, s6, s20, $0xb8;
	[tilespmem:$0x1E800] =	vst v63  }
0x17c: {  	_ =	swait.ge [sflag:s13], $0x2000  }
0x17d: {  	[sflag:s13] =	ssyncset.done $0x0  }
0x17e: {  	p0 =	seq.s32 s15, $0x4000;
	s6 =	sadd.s32 $0x380, s16;
	[sflag:s13] =	ssyncadd.s32 $0xFFFFE000  }
0x17f: {  	[tilespmem:s31], [sflag:$0x4] =	stream.indirect.gather [hbm4b:s2+s20], $0x80, s6, s20, $0xb8;
	[tilespmem:$0x1E800] =	vst v63  }
.Ltmp8:
0x180: {  	_ = 	snop;
	(pc) =	sbr.rel @p0 .LBB2_13-.Ltmp8, $4  }
0x181: {  	_ =	swait.ge [sflag:s0], $0x2000  }
0x182: {  	[sflag:s0] =	ssyncset.done $0x0  }
0x183: {  	s4 =	sadd.s32 $0x1780, s16;
	s6 =	sadd.s32 $0x1700, s16;
	[sflag:s0] =	ssyncadd.s32 $0xFFFFE000  }
0x184: {  	[spmem:s3] =	stream.indirect.scatter.add.f32 [tilespmem:s26], [sflag:$0x7], $0x80, s6, s20, $0xb8;
	[tilespmem:$0x1E800] =	vst v63  }
0x185: {  	_ =	swait.ge [sflag:s5], $0x2000  }
0x186: {  	[sflag:s5] =	ssyncset.done $0x0  }
0x187: {  	s6 =	sadd.s32 $0x400, s16;
	[sflag:s5] =	ssyncadd.s32 $0xFFFFE000  }
0x188: {  	[tilespmem:s21], [sflag:$0x1] =	stream.indirect.gather [hbm4b:s2+s20], $0x80, s6, s20, $0xb8;
	[tilespmem:$0x1E800] =	vst v63  }
0x189: {  	_ =	swait.ge [sflag:s8], $0x2000  }
0x18a: {  	[sflag:s8] =	ssyncset.done $0x0  }
0x18b: {  	[sflag:s8] =	ssyncadd.s32 $0xFFFFE000  }
0x18c: {  	[spmem:s3] =	stream.indirect.scatter.add.f32 [tilespmem:s31], [sflag:$0x8], $0x80, s4, s20, $0xb8;
	[tilespmem:$0x1E800] =	vst v63  }
.Ltmp9:
0x18d: {  	_ = 	snop;
	(pc) =	sbr.rel .LBB2_11-.Ltmp9, $4  }
0x18e: {  	_ =	swait.ge [sflag:s10], $0x2000  }
0x18f: {  	[sflag:s10] =	ssyncset.done $0x0  }
0x190: {  	s16 =	sadd.s32 $0x480, s16;
	s15 =	sadd.s32 $0x800, s15;
	[sflag:s10] =	ssyncadd.s32 $0xFFFFE000  }
0x191: {  	[tilespmem:s23], [sflag:$0x2] =	stream.indirect.gather [hbm4b:s2+s20], $0x80, s16, s20, $0xb8;
	[tilespmem:$0x1E800] =	vst v63  }
.LBB2_14:
0x192: {  	_ =	sfence.sel $0x180000  }
0x193: {  	[bflag:$0x0] =	sbarrier.arrive $0xFFFF  }
0x194: {  	_ =	strace $0x9000004A  }
0x195: {  	s0 =	stileid.u32;
	[bflag:$0x2] =	sbarrier.arrive $0xFFFF  }
0x196: {  	p0 =	sne.s32 s0, $0x0;
	s0 =	rddreg [dreg:$0x3]  }
0x197: {  	s0 =	sadd.s32 @!p0 $0x100000, s0  }
0x198: {  	[sflag:s0] =	ssyncadd.tile.s32 @!p0 $0x1;
	_ =	shalt  }
.Lfunc_end2:
_tile_overlayer_lowered:
.L_overlay_start_2:
0x199: {  	(tag) =	ssettag $0x2  }
0x19a: {  	s0 =	rddreg [dreg:$0x0];
	s2 =	stileid.u32  }
0x19b: {  	s1 =	rddreg [dreg:$0x1];
	p0 =	sne.s32 s2, $0x0  }
0x19c: {  	s3 =	rddreg [dreg:$0x2];
	[bflag:$0x3] =	sbarrier.arrive $0xFFFF;
	s2 =	simm.s32 @!p0 $0x1C09  }
0x19d: {  	[timem:s3], [sflag:s2] =	dma.local @!p0 [hbm:s0], s1  }
0x19e: {  	s0 =	simm.s32 @!p0 $0x9  }
0x19f: {  	_ =	swait.ge @!p0 [sflag:s0], s1  }
0x1a0: {  	s1 =	ssub.s32 @!p0 $0x0, s1;
	[sflag:s0] =	ssyncset.done @!p0 $0x0  }
0x1a1: {  	[sflag:s0] =	ssyncadd.s32 @!p0 s1  }
0x1a2: {  	[bflag:$0x3] =	sbarrier.arrive $0xFFFF  }
0x1a3: {  	_ =	shalt  }

</sc_bundles>
